<compile_context>
chip_gen: v7x
topology: tpu7x:2x2x1
jax: 0.10.2.dev20260603
libtpu: 0.0.44.dev20260713+nightly
codegen_flags: <defaults>
</compile_context>

<pallas_src>
import functools

import jax
import jax.numpy as jnp
from jax import lax
from jax.experimental import pallas as pl
from jax.experimental.pallas import tpu as pltpu
from jax.experimental.pallas import tpu_sc as plsc

_LANES = 16
_NUM_CORES = 2
_NUM_SUBCORES = 16
_NUM_WORKERS = _NUM_CORES * _NUM_SUBCORES


def _make_sc_mix(bsz, dp1, n_pre):
    d_max = dp1 - 1
    b_per_w = bsz // _NUM_WORKERS
    mesh = plsc.VectorSubcoreMesh(core_axis_name="c", subcore_axis_name="s")

    @functools.partial(
        pl.kernel,
        out_type=jax.ShapeDtypeStruct((bsz, n_pre), jnp.float32),
        mesh=mesh,
        scratch_types=[
            pltpu.VMEM((_LANES,), jnp.float32),
            pltpu.VMEM((_LANES,), jnp.int32),
            [pltpu.VMEM((_LANES, n_pre), jnp.float32) for _ in range(b_per_w)],
            pltpu.VMEM((b_per_w, n_pre), jnp.float32),
            pltpu.SemaphoreType.DMA,
        ],
    )
    def sc_mix(buf_hbm, delay_hbm, out_hbm, dvec_v, idx_v, rows_v, mix_v, sem):
        wid = lax.axis_index("s") * _NUM_CORES + lax.axis_index("c")
        pltpu.sync_copy(delay_hbm.at[0, pl.ds(0, _LANES)], dvec_v)
        x = dvec_v[...]
        d_cont = float(d_max) / (1.0 + jnp.exp(-x))
        d_f = jnp.clip(d_cont.astype(jnp.int32), 0, d_max)
        d_c = jnp.minimum(d_f + 1, d_max)
        alpha = d_cont - d_f.astype(jnp.float32)
        one_m = 1.0 - alpha
        lane = lax.iota(jnp.int32, _LANES)
        d_sel = jnp.where((lane & 1) == 1, d_c, d_f)
        idx_v[...] = d_sel
        copies = [
            pltpu.async_copy(buf_hbm.at[b_per_w * wid + r].at[idx_v], rows_v[r], sem)
            for r in range(b_per_w)
        ]
        for c in range(n_pre // _LANES):
            sl = pl.ds(c * _LANES, _LANES)
            for r in range(b_per_w):
                if c == 0:
                    copies[r].wait()
                mix_v[r, sl] = rows_v[r][0, sl] * one_m + rows_v[r][1, sl] * alpha
        pltpu.sync_copy(mix_v, out_hbm.at[pl.ds(b_per_w * wid, b_per_w)])

    return sc_mix


def _mm_body(mix_ref, w_ref, o_ref):
    o_ref[...] = jnp.dot(mix_ref[...], w_ref[...],
                         preferred_element_type=jnp.float32)


def kernel(buf, weight, delay_raw):
    bsz, dp1, n_pre = buf.shape
    n_post = weight.shape[1]
    mixed = _make_sc_mix(bsz, dp1, n_pre)(buf, delay_raw)
    return pl.pallas_call(
        _mm_body,
        out_shape=jax.ShapeDtypeStruct((bsz, n_post), jnp.float32),
    )(mixed, weight)

# --- scband reference (transcript-rebuilt; emitter-appended) ---
"""Pipeline reference for scband-delayed-synaptic-layer-34737695490052 (READ-ONLY COPY).

The authoritative reference and input builder live on the scoring server;
editing this copy changes nothing except your own understanding.
"""

import jax, jax.numpy as jnp
import numpy as np
import math

N_PRE = 1024
N_POST = 256
D_MAX = 50
B = 64


def setup_inputs(seed: int = 0) -> dict:
    key = jax.random.key(seed)
    k1, k2 = jax.random.split(key)
    buf = jax.random.uniform(k1, (B, D_MAX + 1, N_PRE), dtype=jnp.float32)
    weight = jax.random.normal(k2, (N_PRE, N_POST), dtype=jnp.float32) * math.sqrt(2.0 / N_PRE)
    delay_raw = jnp.full((N_PRE, N_POST), -2.0, dtype=jnp.float32)
    return {"buf": buf, "weight": weight, "delay_raw": delay_raw}


def reference(buf, weight, delay_raw):
    # get_delays(): 'sigmoid' parameterization -> d_max * sigmoid(delay_raw)
    d_cont = D_MAX * jax.nn.sigmoid(delay_raw)  # [n_pre, n_post]
    # d_floor uses detached (stop_gradient) continuous delays, floored and clamped
    d_floor = jnp.clip(jnp.floor(jax.lax.stop_gradient(d_cont)).astype(jnp.int32), 0, D_MAX)
    d_ceil = jnp.clip(d_floor + 1, 0, D_MAX)
    alpha = d_cont - d_floor.astype(jnp.float32)  # [n_pre, n_post], grad flows via d_cont

    Bsz = buf.shape[0]
    # buf: [B, D, n_pre] -> [B, n_pre, D] so we can gather along the delay axis per synapse
    buf_t = jnp.transpose(buf, (0, 2, 1))  # [B, n_pre, D]
    idx_f = jnp.broadcast_to(d_floor[None, :, :], (Bsz, N_PRE, N_POST))
    idx_c = jnp.broadcast_to(d_ceil[None, :, :], (Bsz, N_PRE, N_POST))
    s_f = jnp.take_along_axis(buf_t, idx_f, axis=2)  # [B, n_pre, n_post]
    s_c = jnp.take_along_axis(buf_t, idx_c, axis=2)  # [B, n_pre, n_post]
    # linear interpolation between floor and ceil delayed spikes
    s = (1.0 - alpha)[None, :, :] * s_f + alpha[None, :, :] * s_c  # [B, n_pre, n_post]
    # I_syn = sum_i s[b, i, j] * weight[i, j]
    I_syn = jnp.einsum('bip,ip->bp', s, weight)  # [B, n_post]
    return I_syn

if __name__ == "__main__":
    import jax
    _d = setup_inputs()
    print(jax.jit(kernel)(*tuple(_d.values())))

</pallas_src>

<mosaic_0001>
#map = affine_map<(d0, d1) -> (0, 0, 0)>
#map1 = affine_map<(d0, d1) -> (0, 0)>
module attributes {stable_mosaic.version = 14 : i64} {
  func.func @sc_mix(%arg0: i32, %arg1: i32, %arg2: memref<64x51x1024xf32, #tpu.memory_space<hbm>>, %arg3: memref<1024x256xf32, #tpu.memory_space<hbm>>, %arg4: memref<64x1024xf32, #tpu.memory_space<hbm>>, %arg5: memref<16xf32, #tpu.memory_space<vmem>>, %arg6: memref<16xi32, #tpu.memory_space<vmem>>, %arg7: memref<16x1024xf32, #tpu.memory_space<vmem>>, %arg8: memref<16x1024xf32, #tpu.memory_space<vmem>>, %arg9: memref<2x1024xf32, #tpu.memory_space<vmem>>, %arg10: memref<!tpu.dma_semaphore, #tpu.memory_space<semaphore_mem>>) attributes {dimension_semantics = [#tpu.dimension_semantics<core_parallel>, #tpu.dimension_semantics<subcore_parallel>], iteration_bounds = array<i64: 2, 16>, scalar_prefetch = 0 : i64, scratch_operands = 6 : i64, tpu.core_type = #tpu.core_type<sc_vector_subcore>, window_params = [{transform_indices = #map}, {transform_indices = #map1}, {transform_indices = #map1}]} {
    %mul3A = arith.constant 2 : i32
    %mul3A_0 = arith.muli %arg1, %mul3A : i32
    %add3A = arith.addi %mul3A_0, %arg0 : i32
    %run_scoped3A = arith.constant 0 : i32
    "tpu.region"() ({
      %run_scoped3A_2498 = tpu.sem_alloc : memref<!tpu.dma_semaphore, #tpu.memory_space<semaphore_mem>>
      %dma_start3A_2499 = arith.constant 0 : i32
      %dma_start3A_2500 = tpu.memref_slice %arg3[%run_scoped3A, %dma_start3A_2499] : memref<1024x256xf32, #tpu.memory_space<hbm>> -> memref<1x16xf32, #tpu.memory_space<hbm>>
      %dma_start3A_2501 = tpu.memref_squeeze %dma_start3A_2500 : memref<1x16xf32, #tpu.memory_space<hbm>> -> memref<16xf32, #tpu.memory_space<hbm>>
      %dma_start3A_2502 = arith.constant 0 : i32
      %dma_start3A_2503 = tpu.memref_slice %arg3[%run_scoped3A, %dma_start3A_2502] : memref<1024x256xf32, #tpu.memory_space<hbm>> -> memref<1x16xf32, #tpu.memory_space<hbm>>
      %dma_start3A_2504 = tpu.memref_squeeze %dma_start3A_2503 : memref<1x16xf32, #tpu.memory_space<hbm>> -> memref<16xf32, #tpu.memory_space<hbm>>
      tpu.enqueue_dma source(%dma_start3A_2504 : memref<16xf32, #tpu.memory_space<hbm>>) target(%arg5 : memref<16xf32, #tpu.memory_space<vmem>>) target_semaphore(%run_scoped3A_2498 : memref<!tpu.dma_semaphore, #tpu.memory_space<semaphore_mem>>)
      %dma_wait3A_2505 = arith.constant 0 : i32
      %dma_wait3A_2506 = tpu.memref_slice %arg3[%run_scoped3A, %dma_wait3A_2505] : memref<1024x256xf32, #tpu.memory_space<hbm>> -> memref<1x16xf32, #tpu.memory_space<hbm>>
      %dma_wait3A_2507 = tpu.memref_squeeze %dma_wait3A_2506 : memref<1x16xf32, #tpu.memory_space<hbm>> -> memref<16xf32, #tpu.memory_space<hbm>>
      %dma_wait3A_2508 = arith.constant 0 : i32
      %dma_wait3A_2509 = tpu.memref_slice %arg3[%run_scoped3A, %dma_wait3A_2508] : memref<1024x256xf32, #tpu.memory_space<hbm>> -> memref<1x16xf32, #tpu.memory_space<hbm>>
      %dma_wait3A_2510 = tpu.memref_squeeze %dma_wait3A_2509 : memref<1x16xf32, #tpu.memory_space<hbm>> -> memref<16xf32, #tpu.memory_space<hbm>>
      tpu.wait_dma2 semaphore(%run_scoped3A_2498 : memref<!tpu.dma_semaphore, #tpu.memory_space<semaphore_mem>>) src(%dma_wait3A_2510 : memref<16xf32, #tpu.memory_space<hbm>>) dst(%arg5 : memref<16xf32, #tpu.memory_space<vmem>>)
      tpu.yield
    }) : () -> ()
    %get3A = arith.constant 0 : index
    %get3A_1 = tpu.vector_load %arg5[%get3A] {strides = array<i32>} : memref<16xf32, #tpu.memory_space<vmem>>, vector<16xf32>,
    %get3A_2 = vector.shape_cast %get3A_1 : vector<16xf32> to vector<16xf32>
    %neg3A = arith.constant 0.000000e+00 : f32
    %neg3A_3 = vector.broadcast %neg3A : f32 to vector<16xf32>
    %neg3A_4 = arith.subf %neg3A_3, %get3A_2 : vector<16xf32>
    %exp3A = math.exp %neg3A_4 : vector<16xf32>
    %add3A_5 = arith.constant 1.000000e+00 : f32
    %add3A_6 = vector.broadcast %add3A_5 : f32 to vector<16xf32>
    %add3A_7 = arith.addf %add3A_6, %exp3A : vector<16xf32>
    %div3A = arith.constant 5.000000e+01 : f32
    %div3A_8 = vector.broadcast %div3A : f32 to vector<16xf32>
    %div3A_9 = arith.divf %div3A_8, %add3A_7 : vector<16xf32>
    %convert_element_type3A = arith.fptosi %div3A_9 : vector<16xf32> to vector<16xi32>
    %jit3A = arith.constant 0 : i32
    %jit3A_10 = arith.constant 50 : i32
    %max3A = vector.broadcast %jit3A : i32 to vector<16xi32>
    %max3A_11 = arith.maxsi %max3A, %convert_element_type3A : vector<16xi32>
    %min3A = vector.broadcast %jit3A_10 : i32 to vector<16xi32>
    %min3A_12 = arith.minsi %min3A, %max3A_11 : vector<16xi32>
    %add3A_13 = arith.constant 1 : i32
    %add3A_14 = vector.broadcast %add3A_13 : i32 to vector<16xi32>
    %add3A_15 = arith.addi %min3A_12, %add3A_14 : vector<16xi32>
    %min3A_16 = arith.constant 50 : i32
    %min3A_17 = vector.broadcast %min3A_16 : i32 to vector<16xi32>
    %min3A_18 = arith.minsi %add3A_15, %min3A_17 : vector<16xi32>
    %convert_element_type3A_19 = arith.sitofp %min3A_12 : vector<16xi32> to vector<16xf32>
    %sub3A = arith.subf %div3A_9, %convert_element_type3A_19 : vector<16xf32>
    %sub3A_20 = arith.constant 1.000000e+00 : f32
    %sub3A_21 = vector.broadcast %sub3A_20 : f32 to vector<16xf32>
    %sub3A_22 = arith.subf %sub3A_21, %sub3A : vector<16xf32>
    %iota3A = tpu.iota {dimensions = array<i32: 0>} : vector<16xi32>
    %and3A = arith.constant 1 : i32
    %and3A_23 = vector.broadcast %and3A : i32 to vector<16xi32>
    %and3A_24 = arith.andi %iota3A, %and3A_23 : vector<16xi32>
    %eq3A = arith.constant 1 : i32
    %eq3A_25 = vector.broadcast %eq3A : i32 to vector<16xi32>
    %eq3A_26 = arith.cmpi eq, %and3A_24, %eq3A_25 : vector<16xi32>
    %select_n3A = arith.select %eq3A_26, %min3A_18, %min3A_12 : vector<16xi1>, vector<16xi32>
    %swap3A = arith.constant 0 : index
    %swap3A_27 = tpu.vector_load %arg6[%swap3A] {strides = array<i32>} : memref<16xi32, #tpu.memory_space<vmem>>, vector<16xi32>,
    %swap3A_28 = vector.shape_cast %swap3A_27 : vector<16xi32> to vector<16xi32>
    %swap3A_29 = vector.shape_cast %select_n3A : vector<16xi32> to vector<16xi32>
    tpu.vector_store %arg6[%swap3A], %swap3A_29 {strides = array<i32>} : memref<16xi32, #tpu.memory_space<vmem>>, vector<16xi32>,
    %mul3A_30 = arith.constant 2 : i32
    %mul3A_31 = arith.muli %mul3A_30, %add3A : i32
    %add3A_32 = arith.constant 0 : i32
    %add3A_33 = arith.addi %mul3A_31, %add3A_32 : i32
    %dma_start3A = arith.constant 0 : i32
    %dma_start3A_34 = arith.constant 0 : i32
    %dma_start3A_35 = tpu.memref_slice %arg2[%add3A_33, %dma_start3A, %dma_start3A_34] : memref<64x51x1024xf32, #tpu.memory_space<hbm>> -> memref<1x51x1024xf32, #tpu.memory_space<hbm>>
    %dma_start3A_36 = tpu.memref_squeeze %dma_start3A_35 : memref<1x51x1024xf32, #tpu.memory_space<hbm>> -> memref<51x1024xf32, #tpu.memory_space<hbm>>
    %dma_start3A_37 = arith.constant 0 : i32
    %dma_start3A_38 = arith.constant 0 : i32
    %dma_start3A_39 = tpu.memref_slice %dma_start3A_36[%dma_start3A_37, %dma_start3A_38] : memref<51x1024xf32, #tpu.memory_space<hbm>> -> memref<51x1024xf32, #tpu.memory_space<hbm>>
    tpu.enqueue_indirect_dma source(%dma_start3A_39 : memref<51x1024xf32, #tpu.memory_space<hbm>>) target(%arg7 : memref<16x1024xf32, #tpu.memory_space<vmem>>) offsets(%arg6 : memref<16xi32, #tpu.memory_space<vmem>>) semaphore(%arg10 : memref<!tpu.dma_semaphore, #tpu.memory_space<semaphore_mem>>)
    %mul3A_40 = arith.constant 2 : i32
    %mul3A_41 = arith.muli %mul3A_40, %add3A : i32
    %add3A_42 = arith.constant 1 : i32
    %add3A_43 = arith.addi %mul3A_41, %add3A_42 : i32
    %dma_start3A_44 = arith.constant 0 : i32
    %dma_start3A_45 = arith.constant 0 : i32
    %dma_start3A_46 = tpu.memref_slice %arg2[%add3A_43, %dma_start3A_44, %dma_start3A_45] : memref<64x51x1024xf32, #tpu.memory_space<hbm>> -> memref<1x51x1024xf32, #tpu.memory_space<hbm>>
    %dma_start3A_47 = tpu.memref_squeeze %dma_start3A_46 : memref<1x51x1024xf32, #tpu.memory_space<hbm>> -> memref<51x1024xf32, #tpu.memory_space<hbm>>
    %dma_start3A_48 = arith.constant 0 : i32
    %dma_start3A_49 = arith.constant 0 : i32
    %dma_start3A_50 = tpu.memref_slice %dma_start3A_47[%dma_start3A_48, %dma_start3A_49] : memref<51x1024xf32, #tpu.memory_space<hbm>> -> memref<51x1024xf32, #tpu.memory_space<hbm>>
    tpu.enqueue_indirect_dma source(%dma_start3A_50 : memref<51x1024xf32, #tpu.memory_space<hbm>>) target(%arg8 : memref<16x1024xf32, #tpu.memory_space<vmem>>) offsets(%arg6 : memref<16xi32, #tpu.memory_space<vmem>>) semaphore(%arg10 : memref<!tpu.dma_semaphore, #tpu.memory_space<semaphore_mem>>)
    %dma_wait3A = arith.constant 0 : i32
    %dma_wait3A_51 = arith.constant 0 : i32
    %dma_wait3A_52 = tpu.memref_slice %arg2[%add3A_33, %dma_wait3A, %dma_wait3A_51] : memref<64x51x1024xf32, #tpu.memory_space<hbm>> -> memref<1x51x1024xf32, #tpu.memory_space<hbm>>
    %dma_wait3A_53 = tpu.memref_squeeze %dma_wait3A_52 : memref<1x51x1024xf32, #tpu.memory_space<hbm>> -> memref<51x1024xf32, #tpu.memory_space<hbm>>
    %dma_wait3A_54 = arith.constant 0 : i32
    %dma_wait3A_55 = arith.constant 0 : i32
    %dma_wait3A_56 = tpu.memref_slice %dma_wait3A_53[%dma_wait3A_54, %dma_wait3A_55] : memref<51x1024xf32, #tpu.memory_space<hbm>> -> memref<51x1024xf32, #tpu.memory_space<hbm>>
    tpu.wait_indirect_dma semaphore(%arg10 : memref<!tpu.dma_semaphore, #tpu.memory_space<semaphore_mem>>) src(%dma_wait3A_56 : memref<51x1024xf32, #tpu.memory_space<hbm>>) dst(%arg7 : memref<16x1024xf32, #tpu.memory_space<vmem>>)
    %get3A_57 = arith.constant 0 : i32
    %get3A_58 = arith.index_cast %get3A_57 : i32 to index
    %get3A_59 = arith.constant 0 : index
    %get3A_60 = tpu.vector_load %arg7[%get3A_58, %get3A_59] {strides = array<i32>} : memref<16x1024xf32, #tpu.memory_space<vmem>>, vector<1x16xf32>,
    %get3A_61 = vector.shape_cast %get3A_60 : vector<1x16xf32> to vector<16xf32>
    %mul3A_62 = arith.mulf %get3A_61, %sub3A_22 : vector<16xf32>
    %get3A_63 = arith.constant 1 : i32
    %get3A_64 = arith.index_cast %get3A_63 : i32 to index
    %get3A_65 = arith.constant 0 : index
    %get3A_66 = tpu.vector_load %arg7[%get3A_64, %get3A_65] {strides = array<i32>} : memref<16x1024xf32, #tpu.memory_space<vmem>>, vector<1x16xf32>,
    %get3A_67 = vector.shape_cast %get3A_66 : vector<1x16xf32> to vector<16xf32>
    %mul3A_68 = arith.mulf %get3A_67, %sub3A : vector<16xf32>
    %add3A_69 = arith.addf %mul3A_62, %mul3A_68 : vector<16xf32>
    %swap3A_70 = arith.constant 0 : i32
    %swap3A_71 = arith.index_cast %swap3A_70 : i32 to index
    %swap3A_72 = arith.constant 0 : index
    %swap3A_73 = tpu.vector_load %arg9[%swap3A_71, %swap3A_72] {strides = array<i32>} : memref<2x1024xf32, #tpu.memory_space<vmem>>, vector<1x16xf32>,
    %swap3A_74 = vector.shape_cast %swap3A_73 : vector<1x16xf32> to vector<16xf32>
    %swap3A_75 = vector.shape_cast %add3A_69 : vector<16xf32> to vector<1x16xf32>
    tpu.vector_store %arg9[%swap3A_71, %swap3A_72], %swap3A_75 {strides = array<i32>} : memref<2x1024xf32, #tpu.memory_space<vmem>>, vector<1x16xf32>,
    %dma_wait3A_76 = arith.constant 0 : i32
    %dma_wait3A_77 = arith.constant 0 : i32
    %dma_wait3A_78 = tpu.memref_slice %arg2[%add3A_43, %dma_wait3A_76, %dma_wait3A_77] : memref<64x51x1024xf32, #tpu.memory_space<hbm>> -> memref<1x51x1024xf32, #tpu.memory_space<hbm>>
    %dma_wait3A_79 = tpu.memref_squeeze %dma_wait3A_78 : memref<1x51x1024xf32, #tpu.memory_space<hbm>> -> memref<51x1024xf32, #tpu.memory_space<hbm>>
    %dma_wait3A_80 = arith.constant 0 : i32
    %dma_wait3A_81 = arith.constant 0 : i32
    %dma_wait3A_82 = tpu.memref_slice %dma_wait3A_79[%dma_wait3A_80, %dma_wait3A_81] : memref<51x1024xf32, #tpu.memory_space<hbm>> -> memref<51x1024xf32, #tpu.memory_space<hbm>>
    tpu.wait_indirect_dma semaphore(%arg10 : memref<!tpu.dma_semaphore, #tpu.memory_space<semaphore_mem>>) src(%dma_wait3A_82 : memref<51x1024xf32, #tpu.memory_space<hbm>>) dst(%arg8 : memref<16x1024xf32, #tpu.memory_space<vmem>>)
    %get3A_83 = arith.constant 0 : i32
    %get3A_84 = arith.index_cast %get3A_83 : i32 to index
    %get3A_85 = arith.constant 0 : index
    %get3A_86 = tpu.vector_load %arg8[%get3A_84, %get3A_85] {strides = array<i32>} : memref<16x1024xf32, #tpu.memory_space<vmem>>, vector<1x16xf32>,
    %get3A_87 = vector.shape_cast %get3A_86 : vector<1x16xf32> to vector<16xf32>
    %mul3A_88 = arith.mulf %get3A_87, %sub3A_22 : vector<16xf32>
    %get3A_89 = arith.constant 1 : i32
    %get3A_90 = arith.index_cast %get3A_89 : i32 to index
    %get3A_91 = arith.constant 0 : index
    %get3A_92 = tpu.vector_load %arg8[%get3A_90, %get3A_91] {strides = array<i32>} : memref<16x1024xf32, #tpu.memory_space<vmem>>, vector<1x16xf32>,
    %get3A_93 = vector.shape_cast %get3A_92 : vector<1x16xf32> to vector<16xf32>
    %mul3A_94 = arith.mulf %get3A_93, %sub3A : vector<16xf32>
    %add3A_95 = arith.addf %mul3A_88, %mul3A_94 : vector<16xf32>
    %swap3A_96 = arith.constant 1 : i32
    %swap3A_97 = arith.index_cast %swap3A_96 : i32 to index
    %swap3A_98 = arith.constant 0 : index
    %swap3A_99 = tpu.vector_load %arg9[%swap3A_97, %swap3A_98] {strides = array<i32>} : memref<2x1024xf32, #tpu.memory_space<vmem>>, vector<1x16xf32>,
    %swap3A_100 = vector.shape_cast %swap3A_99 : vector<1x16xf32> to vector<16xf32>
    %swap3A_101 = vector.shape_cast %add3A_95 : vector<16xf32> to vector<1x16xf32>
    tpu.vector_store %arg9[%swap3A_97, %swap3A_98], %swap3A_101 {strides = array<i32>} : memref<2x1024xf32, #tpu.memory_space<vmem>>, vector<1x16xf32>,
    %get3A_102 = arith.constant 0 : i32
    %get3A_103 = arith.index_cast %get3A_102 : i32 to index
    %get3A_104 = arith.constant 16 : index
    %get3A_105 = tpu.vector_load %arg7[%get3A_103, %get3A_104] {strides = array<i32>} : memref<16x1024xf32, #tpu.memory_space<vmem>>, vector<1x16xf32>,
    %get3A_106 = vector.shape_cast %get3A_105 : vector<1x16xf32> to vector<16xf32>
    %mul3A_107 = arith.mulf %get3A_106, %sub3A_22 : vector<16xf32>
    %get3A_108 = arith.constant 1 : i32
    %get3A_109 = arith.index_cast %get3A_108 : i32 to index
    %get3A_110 = arith.constant 16 : index
    %get3A_111 = tpu.vector_load %arg7[%get3A_109, %get3A_110] {strides = array<i32>} : memref<16x1024xf32, #tpu.memory_space<vmem>>, vector<1x16xf32>,
    %get3A_112 = vector.shape_cast %get3A_111 : vector<1x16xf32> to vector<16xf32>
    %mul3A_113 = arith.mulf %get3A_112, %sub3A : vector<16xf32>
    %add3A_114 = arith.addf %mul3A_107, %mul3A_113 : vector<16xf32>
    %swap3A_115 = arith.constant 0 : i32
    %swap3A_116 = arith.index_cast %swap3A_115 : i32 to index
    %swap3A_117 = arith.constant 16 : index
    %swap3A_118 = tpu.vector_load %arg9[%swap3A_116, %swap3A_117] {strides = array<i32>} : memref<2x1024xf32, #tpu.memory_space<vmem>>, vector<1x16xf32>,
    %swap3A_119 = vector.shape_cast %swap3A_118 : vector<1x16xf32> to vector<16xf32>
    %swap3A_120 = vector.shape_cast %add3A_114 : vector<16xf32> to vector<1x16xf32>
    tpu.vector_store %arg9[%swap3A_116, %swap3A_117], %swap3A_120 {strides = array<i32>} : memref<2x1024xf32, #tpu.memory_space<vmem>>, vector<1x16xf32>,
    %get3A_121 = arith.constant 0 : i32
    %get3A_122 = arith.index_cast %get3A_121 : i32 to index
    %get3A_123 = arith.constant 16 : index
    %get3A_124 = tpu.vector_load %arg8[%get3A_122, %get3A_123] {strides = array<i32>} : memref<16x1024xf32, #tpu.memory_space<vmem>>, vector<1x16xf32>,
    %get3A_125 = vector.shape_cast %get3A_124 : vector<1x16xf32> to vector<16xf32>
    %mul3A_126 = arith.mulf %get3A_125, %sub3A_22 : vector<16xf32>
    %get3A_127 = arith.constant 1 : i32
    %get3A_128 = arith.index_cast %get3A_127 : i32 to index
    %get3A_129 = arith.constant 16 : index
    %get3A_130 = tpu.vector_load %arg8[%get3A_128, %get3A_129] {strides = array<i32>} : memref<16x1024xf32, #tpu.memory_space<vmem>>, vector<1x16xf32>,
    %get3A_131 = vector.shape_cast %get3A_130 : vector<1x16xf32> to vector<16xf32>
    %mul3A_132 = arith.mulf %get3A_131, %sub3A : vector<16xf32>
    %add3A_133 = arith.addf %mul3A_126, %mul3A_132 : vector<16xf32>
    %swap3A_134 = arith.constant 1 : i32
    %swap3A_135 = arith.index_cast %swap3A_134 : i32 to index
    %swap3A_136 = arith.constant 16 : index
    %swap3A_137 = tpu.vector_load %arg9[%swap3A_135, %swap3A_136] {strides = array<i32>} : memref<2x1024xf32, #tpu.memory_space<vmem>>, vector<1x16xf32>,
    %swap3A_138 = vector.shape_cast %swap3A_137 : vector<1x16xf32> to vector<16xf32>
    %swap3A_139 = vector.shape_cast %add3A_133 : vector<16xf32> to vector<1x16xf32>
    tpu.vector_store %arg9[%swap3A_135, %swap3A_136], %swap3A_139 {strides = array<i32>} : memref<2x1024xf32, #tpu.memory_space<vmem>>, vector<1x16xf32>,
    %get3A_140 = arith.constant 0 : i32
    %get3A_141 = arith.index_cast %get3A_140 : i32 to index
    %get3A_142 = arith.constant 32 : index
    %get3A_143 = tpu.vector_load %arg7[%get3A_141, %get3A_142] {strides = array<i32>} : memref<16x1024xf32, #tpu.memory_space<vmem>>, vector<1x16xf32>,
    %get3A_144 = vector.shape_cast %get3A_143 : vector<1x16xf32> to vector<16xf32>
    %mul3A_145 = arith.mulf %get3A_144, %sub3A_22 : vector<16xf32>
    %get3A_146 = arith.constant 1 : i32
    %get3A_147 = arith.index_cast %get3A_146 : i32 to index
    %get3A_148 = arith.constant 32 : index
    %get3A_149 = tpu.vector_load %arg7[%get3A_147, %get3A_148] {strides = array<i32>} : memref<16x1024xf32, #tpu.memory_space<vmem>>, vector<1x16xf32>,
    %get3A_150 = vector.shape_cast %get3A_149 : vector<1x16xf32> to vector<16xf32>
    %mul3A_151 = arith.mulf %get3A_150, %sub3A : vector<16xf32>
    %add3A_152 = arith.addf %mul3A_145, %mul3A_151 : vector<16xf32>
    %swap3A_153 = arith.constant 0 : i32
    %swap3A_154 = arith.index_cast %swap3A_153 : i32 to index
    %swap3A_155 = arith.constant 32 : index
    %swap3A_156 = tpu.vector_load %arg9[%swap3A_154, %swap3A_155] {strides = array<i32>} : memref<2x1024xf32, #tpu.memory_space<vmem>>, vector<1x16xf32>,
    %swap3A_157 = vector.shape_cast %swap3A_156 : vector<1x16xf32> to vector<16xf32>
    %swap3A_158 = vector.shape_cast %add3A_152 : vector<16xf32> to vector<1x16xf32>
    tpu.vector_store %arg9[%swap3A_154, %swap3A_155], %swap3A_158 {strides = array<i32>} : memref<2x1024xf32, #tpu.memory_space<vmem>>, vector<1x16xf32>,
    %get3A_159 = arith.constant 0 : i32
    %get3A_160 = arith.index_cast %get3A_159 : i32 to index
    %get3A_161 = arith.constant 32 : index
    %get3A_162 = tpu.vector_load %arg8[%get3A_160, %get3A_161] {strides = array<i32>} : memref<16x1024xf32, #tpu.memory_space<vmem>>, vector<1x16xf32>,
    %get3A_163 = vector.shape_cast %get3A_162 : vector<1x16xf32> to vector<16xf32>
    %mul3A_164 = arith.mulf %get3A_163, %sub3A_22 : vector<16xf32>
    %get3A_165 = arith.constant 1 : i32
    %get3A_166 = arith.index_cast %get3A_165 : i32 to index
    %get3A_167 = arith.constant 32 : index
    %get3A_168 = tpu.vector_load %arg8[%get3A_166, %get3A_167] {strides = array<i32>} : memref<16x1024xf32, #tpu.memory_space<vmem>>, vector<1x16xf32>,
    %get3A_169 = vector.shape_cast %get3A_168 : vector<1x16xf32> to vector<16xf32>
    %mul3A_170 = arith.mulf %get3A_169, %sub3A : vector<16xf32>
    %add3A_171 = arith.addf %mul3A_164, %mul3A_170 : vector<16xf32>
    %swap3A_172 = arith.constant 1 : i32
    %swap3A_173 = arith.index_cast %swap3A_172 : i32 to index
    %swap3A_174 = arith.constant 32 : index
    %swap3A_175 = tpu.vector_load %arg9[%swap3A_173, %swap3A_174] {strides = array<i32>} : memref<2x1024xf32, #tpu.memory_space<vmem>>, vector<1x16xf32>,
    %swap3A_176 = vector.shape_cast %swap3A_175 : vector<1x16xf32> to vector<16xf32>
    %swap3A_177 = vector.shape_cast %add3A_171 : vector<16xf32> to vector<1x16xf32>
    tpu.vector_store %arg9[%swap3A_173, %swap3A_174], %swap3A_177 {strides = array<i32>} : memref<2x1024xf32, #tpu.memory_space<vmem>>, vector<1x16xf32>,
    %get3A_178 = arith.constant 0 : i32
    %get3A_179 = arith.index_cast %get3A_178 : i32 to index
    %get3A_180 = arith.constant 48 : index
    %get3A_181 = tpu.vector_load %arg7[%get3A_179, %get3A_180] {strides = array<i32>} : memref<16x1024xf32, #tpu.memory_space<vmem>>, vector<1x16xf32>,
    %get3A_182 = vector.shape_cast %get3A_181 : vector<1x16xf32> to vector<16xf32>
    %mul3A_183 = arith.mulf %get3A_182, %sub3A_22 : vector<16xf32>
    %get3A_184 = arith.constant 1 : i32
    %get3A_185 = arith.index_cast %get3A_184 : i32 to index
    %get3A_186 = arith.constant 48 : index
    %get3A_187 = tpu.vector_load %arg7[%get3A_185, %get3A_186] {strides = array<i32>} : memref<16x1024xf32, #tpu.memory_space<vmem>>, vector<1x16xf32>,
    %get3A_188 = vector.shape_cast %get3A_187 : vector<1x16xf32> to vector<16xf32>
    %mul3A_189 = arith.mulf %get3A_188, %sub3A : vector<16xf32>
    %add3A_190 = arith.addf %mul3A_183, %mul3A_189 : vector<16xf32>
    %swap3A_191 = arith.constant 0 : i32
    %swap3A_192 = arith.index_cast %swap3A_191 : i32 to index
    %swap3A_193 = arith.constant 48 : index
    %swap3A_194 = tpu.vector_load %arg9[%swap3A_192, %swap3A_193] {strides = array<i32>} : memref<2x1024xf32, #tpu.memory_space<vmem>>, vector<1x16xf32>,
    %swap3A_195 = vector.shape_cast %swap3A_194 : vector<1x16xf32> to vector<16xf32>
    %swap3A_196 = vector.shape_cast %add3A_190 : vector<16xf32> to vector<1x16xf32>
    tpu.vector_store %arg9[%swap3A_192, %swap3A_193], %swap3A_196 {strides = array<i32>} : memref<2x1024xf32, #tpu.memory_space<vmem>>, vector<1x16xf32>,
    %get3A_197 = arith.constant 0 : i32
    %get3A_198 = arith.index_cast %get3A_197 : i32 to index
    %get3A_199 = arith.constant 48 : index
    %get3A_200 = tpu.vector_load %arg8[%get3A_198, %get3A_199] {strides = array<i32>} : memref<16x1024xf32, #tpu.memory_space<vmem>>, vector<1x16xf32>,
    %get3A_201 = vector.shape_cast %get3A_200 : vector<1x16xf32> to vector<16xf32>
    %mul3A_202 = arith.mulf %get3A_201, %sub3A_22 : vector<16xf32>
    %get3A_203 = arith.constant 1 : i32
    %get3A_204 = arith.index_cast %get3A_203 : i32 to index
    %get3A_205 = arith.constant 48 : index
    %get3A_206 = tpu.vector_load %arg8[%get3A_204, %get3A_205] {strides = array<i32>} : memref<16x1024xf32, #tpu.memory_space<vmem>>, vector<1x16xf32>,
    %get3A_207 = vector.shape_cast %get3A_206 : vector<1x16xf32> to vector<16xf32>
    %mul3A_208 = arith.mulf %get3A_207, %sub3A : vector<16xf32>
    %add3A_209 = arith.addf %mul3A_202, %mul3A_208 : vector<16xf32>
    %swap3A_210 = arith.constant 1 : i32
    %swap3A_211 = arith.index_cast %swap3A_210 : i32 to index
    %swap3A_212 = arith.constant 48 : index
    %swap3A_213 = tpu.vector_load %arg9[%swap3A_211, %swap3A_212] {strides = array<i32>} : memref<2x1024xf32, #tpu.memory_space<vmem>>, vector<1x16xf32>,
    %swap3A_214 = vector.shape_cast %swap3A_213 : vector<1x16xf32> to vector<16xf32>
    %swap3A_215 = vector.shape_cast %add3A_209 : vector<16xf32> to vector<1x16xf32>
    tpu.vector_store %arg9[%swap3A_211, %swap3A_212], %swap3A_215 {strides = array<i32>} : memref<2x1024xf32, #tpu.memory_space<vmem>>, vector<1x16xf32>,
    %get3A_216 = arith.constant 0 : i32
    %get3A_217 = arith.index_cast %get3A_216 : i32 to index
    %get3A_218 = arith.constant 64 : index
    %get3A_219 = tpu.vector_load %arg7[%get3A_217, %get3A_218] {strides = array<i32>} : memref<16x1024xf32, #tpu.memory_space<vmem>>, vector<1x16xf32>,
    %get3A_220 = vector.shape_cast %get3A_219 : vector<1x16xf32> to vector<16xf32>
    %mul3A_221 = arith.mulf %get3A_220, %sub3A_22 : vector<16xf32>
    %get3A_222 = arith.constant 1 : i32
    %get3A_223 = arith.index_cast %get3A_222 : i32 to index
    %get3A_224 = arith.constant 64 : index
    %get3A_225 = tpu.vector_load %arg7[%get3A_223, %get3A_224] {strides = array<i32>} : memref<16x1024xf32, #tpu.memory_space<vmem>>, vector<1x16xf32>,
    %get3A_226 = vector.shape_cast %get3A_225 : vector<1x16xf32> to vector<16xf32>
    %mul3A_227 = arith.mulf %get3A_226, %sub3A : vector<16xf32>
    %add3A_228 = arith.addf %mul3A_221, %mul3A_227 : vector<16xf32>
    %swap3A_229 = arith.constant 0 : i32
    %swap3A_230 = arith.index_cast %swap3A_229 : i32 to index
    %swap3A_231 = arith.constant 64 : index
    %swap3A_232 = tpu.vector_load %arg9[%swap3A_230, %swap3A_231] {strides = array<i32>} : memref<2x1024xf32, #tpu.memory_space<vmem>>, vector<1x16xf32>,
    %swap3A_233 = vector.shape_cast %swap3A_232 : vector<1x16xf32> to vector<16xf32>
    %swap3A_234 = vector.shape_cast %add3A_228 : vector<16xf32> to vector<1x16xf32>
    tpu.vector_store %arg9[%swap3A_230, %swap3A_231], %swap3A_234 {strides = array<i32>} : memref<2x1024xf32, #tpu.memory_space<vmem>>, vector<1x16xf32>,
    %get3A_235 = arith.constant 0 : i32
    %get3A_236 = arith.index_cast %get3A_235 : i32 to index
    %get3A_237 = arith.constant 64 : index
    %get3A_238 = tpu.vector_load %arg8[%get3A_236, %get3A_237] {strides = array<i32>} : memref<16x1024xf32, #tpu.memory_space<vmem>>, vector<1x16xf32>,
    %get3A_239 = vector.shape_cast %get3A_238 : vector<1x16xf32> to vector<16xf32>
    %mul3A_240 = arith.mulf %get3A_239, %sub3A_22 : vector<16xf32>
    %get3A_241 = arith.constant 1 : i32
    %get3A_242 = arith.index_cast %get3A_241 : i32 to index
    %get3A_243 = arith.constant 64 : index
    %get3A_244 = tpu.vector_load %arg8[%get3A_242, %get3A_243] {strides = array<i32>} : memref<16x1024xf32, #tpu.memory_space<vmem>>, vector<1x16xf32>,
    %get3A_245 = vector.shape_cast %get3A_244 : vector<1x16xf32> to vector<16xf32>
    %mul3A_246 = arith.mulf %get3A_245, %sub3A : vector<16xf32>
    %add3A_247 = arith.addf %mul3A_240, %mul3A_246 : vector<16xf32>
    %swap3A_248 = arith.constant 1 : i32
    %swap3A_249 = arith.index_cast %swap3A_248 : i32 to index
    %swap3A_250 = arith.constant 64 : index
    %swap3A_251 = tpu.vector_load %arg9[%swap3A_249, %swap3A_250] {strides = array<i32>} : memref<2x1024xf32, #tpu.memory_space<vmem>>, vector<1x16xf32>,
    %swap3A_252 = vector.shape_cast %swap3A_251 : vector<1x16xf32> to vector<16xf32>
    %swap3A_253 = vector.shape_cast %add3A_247 : vector<16xf32> to vector<1x16xf32>
    tpu.vector_store %arg9[%swap3A_249, %swap3A_250], %swap3A_253 {strides = array<i32>} : memref<2x1024xf32, #tpu.memory_space<vmem>>, vector<1x16xf32>,
    %get3A_254 = arith.constant 0 : i32
    %get3A_255 = arith.index_cast %get3A_254 : i32 to index
    %get3A_256 = arith.constant 80 : index
    %get3A_257 = tpu.vector_load %arg7[%get3A_255, %get3A_256] {strides = array<i32>} : memref<16x1024xf32, #tpu.memory_space<vmem>>, vector<1x16xf32>,
    %get3A_258 = vector.shape_cast %get3A_257 : vector<1x16xf32> to vector<16xf32>
    %mul3A_259 = arith.mulf %get3A_258, %sub3A_22 : vector<16xf32>
    %get3A_260 = arith.constant 1 : i32
    %get3A_261 = arith.index_cast %get3A_260 : i32 to index
    %get3A_262 = arith.constant 80 : index
    %get3A_263 = tpu.vector_load %arg7[%get3A_261, %get3A_262] {strides = array<i32>} : memref<16x1024xf32, #tpu.memory_space<vmem>>, vector<1x16xf32>,
    %get3A_264 = vector.shape_cast %get3A_263 : vector<1x16xf32> to vector<16xf32>
    %mul3A_265 = arith.mulf %get3A_264, %sub3A : vector<16xf32>
    %add3A_266 = arith.addf %mul3A_259, %mul3A_265 : vector<16xf32>
    %swap3A_267 = arith.constant 0 : i32
    %swap3A_268 = arith.index_cast %swap3A_267 : i32 to index
    %swap3A_269 = arith.constant 80 : index
    %swap3A_270 = tpu.vector_load %arg9[%swap3A_268, %swap3A_269] {strides = array<i32>} : memref<2x1024xf32, #tpu.memory_space<vmem>>, vector<1x16xf32>,
    %swap3A_271 = vector.shape_cast %swap3A_270 : vector<1x16xf32> to vector<16xf32>
    %swap3A_272 = vector.shape_cast %add3A_266 : vector<16xf32> to vector<1x16xf32>
    tpu.vector_store %arg9[%swap3A_268, %swap3A_269], %swap3A_272 {strides = array<i32>} : memref<2x1024xf32, #tpu.memory_space<vmem>>, vector<1x16xf32>,
    %get3A_273 = arith.constant 0 : i32
    %get3A_274 = arith.index_cast %get3A_273 : i32 to index
    %get3A_275 = arith.constant 80 : index
    %get3A_276 = tpu.vector_load %arg8[%get3A_274, %get3A_275] {strides = array<i32>} : memref<16x1024xf32, #tpu.memory_space<vmem>>, vector<1x16xf32>,
    %get3A_277 = vector.shape_cast %get3A_276 : vector<1x16xf32> to vector<16xf32>
    %mul3A_278 = arith.mulf %get3A_277, %sub3A_22 : vector<16xf32>
    %get3A_279 = arith.constant 1 : i32
    %get3A_280 = arith.index_cast %get3A_279 : i32 to index
    %get3A_281 = arith.constant 80 : index
    %get3A_282 = tpu.vector_load %arg8[%get3A_280, %get3A_281] {strides = array<i32>} : memref<16x1024xf32, #tpu.memory_space<vmem>>, vector<1x16xf32>,
    %get3A_283 = vector.shape_cast %get3A_282 : vector<1x16xf32> to vector<16xf32>
    %mul3A_284 = arith.mulf %get3A_283, %sub3A : vector<16xf32>
    %add3A_285 = arith.addf %mul3A_278, %mul3A_284 : vector<16xf32>
    %swap3A_286 = arith.constant 1 : i32
    %swap3A_287 = arith.index_cast %swap3A_286 : i32 to index
    %swap3A_288 = arith.constant 80 : index
    %swap3A_289 = tpu.vector_load %arg9[%swap3A_287, %swap3A_288] {strides = array<i32>} : memref<2x1024xf32, #tpu.memory_space<vmem>>, vector<1x16xf32>,
    %swap3A_290 = vector.shape_cast %swap3A_289 : vector<1x16xf32> to vector<16xf32>
    %swap3A_291 = vector.shape_cast %add3A_285 : vector<16xf32> to vector<1x16xf32>
    tpu.vector_store %arg9[%swap3A_287, %swap3A_288], %swap3A_291 {strides = array<i32>} : memref<2x1024xf32, #tpu.memory_space<vmem>>, vector<1x16xf32>,
    %get3A_292 = arith.constant 0 : i32
    %get3A_293 = arith.index_cast %get3A_292 : i32 to index
    %get3A_294 = arith.constant 96 : index
    %get3A_295 = tpu.vector_load %arg7[%get3A_293, %get3A_294] {strides = array<i32>} : memref<16x1024xf32, #tpu.memory_space<vmem>>, vector<1x16xf32>,
    %get3A_296 = vector.shape_cast %get3A_295 : vector<1x16xf32> to vector<16xf32>
    %mul3A_297 = arith.mulf %get3A_296, %sub3A_22 : vector<16xf32>
    %get3A_298 = arith.constant 1 : i32
    %get3A_299 = arith.index_cast %get3A_298 : i32 to index
    %get3A_300 = arith.constant 96 : index
    %get3A_301 = tpu.vector_load %arg7[%get3A_299, %get3A_300] {strides = array<i32>} : memref<16x1024xf32, #tpu.memory_space<vmem>>, vector<1x16xf32>,
    %get3A_302 = vector.shape_cast %get3A_301 : vector<1x16xf32> to vector<16xf32>
    %mul3A_303 = arith.mulf %get3A_302, %sub3A : vector<16xf32>
    %add3A_304 = arith.addf %mul3A_297, %mul3A_303 : vector<16xf32>
    %swap3A_305 = arith.constant 0 : i32
    %swap3A_306 = arith.index_cast %swap3A_305 : i32 to index
    %swap3A_307 = arith.constant 96 : index
    %swap3A_308 = tpu.vector_load %arg9[%swap3A_306, %swap3A_307] {strides = array<i32>} : memref<2x1024xf32, #tpu.memory_space<vmem>>, vector<1x16xf32>,
    %swap3A_309 = vector.shape_cast %swap3A_308 : vector<1x16xf32> to vector<16xf32>
    %swap3A_310 = vector.shape_cast %add3A_304 : vector<16xf32> to vector<1x16xf32>
    tpu.vector_store %arg9[%swap3A_306, %swap3A_307], %swap3A_310 {strides = array<i32>} : memref<2x1024xf32, #tpu.memory_space<vmem>>, vector<1x16xf32>,
    %get3A_311 = arith.constant 0 : i32
    %get3A_312 = arith.index_cast %get3A_311 : i32 to index
    %get3A_313 = arith.constant 96 : index
    %get3A_314 = tpu.vector_load %arg8[%get3A_312, %get3A_313] {strides = array<i32>} : memref<16x1024xf32, #tpu.memory_space<vmem>>, vector<1x16xf32>,
    %get3A_315 = vector.shape_cast %get3A_314 : vector<1x16xf32> to vector<16xf32>
    %mul3A_316 = arith.mulf %get3A_315, %sub3A_22 : vector<16xf32>
    %get3A_317 = arith.constant 1 : i32
    %get3A_318 = arith.index_cast %get3A_317 : i32 to index
    %get3A_319 = arith.constant 96 : index
    %get3A_320 = tpu.vector_load %arg8[%get3A_318, %get3A_319] {strides = array<i32>} : memref<16x1024xf32, #tpu.memory_space<vmem>>, vector<1x16xf32>,
    %get3A_321 = vector.shape_cast %get3A_320 : vector<1x16xf32> to vector<16xf32>
    %mul3A_322 = arith.mulf %get3A_321, %sub3A : vector<16xf32>
    %add3A_323 = arith.addf %mul3A_316, %mul3A_322 : vector<16xf32>
    %swap3A_324 = arith.constant 1 : i32
    %swap3A_325 = arith.index_cast %swap3A_324 : i32 to index
    %swap3A_326 = arith.constant 96 : index
    %swap3A_327 = tpu.vector_load %arg9[%swap3A_325, %swap3A_326] {strides = array<i32>} : memref<2x1024xf32, #tpu.memory_space<vmem>>, vector<1x16xf32>,
    %swap3A_328 = vector.shape_cast %swap3A_327 : vector<1x16xf32> to vector<16xf32>
    %swap3A_329 = vector.shape_cast %add3A_323 : vector<16xf32> to vector<1x16xf32>
    tpu.vector_store %arg9[%swap3A_325, %swap3A_326], %swap3A_329 {strides = array<i32>} : memref<2x1024xf32, #tpu.memory_space<vmem>>, vector<1x16xf32>,
    %get3A_330 = arith.constant 0 : i32
    %get3A_331 = arith.index_cast %get3A_330 : i32 to index
    %get3A_332 = arith.constant 112 : index
    %get3A_333 = tpu.vector_load %arg7[%get3A_331, %get3A_332] {strides = array<i32>} : memref<16x1024xf32, #tpu.memory_space<vmem>>, vector<1x16xf32>,
    %get3A_334 = vector.shape_cast %get3A_333 : vector<1x16xf32> to vector<16xf32>
    %mul3A_335 = arith.mulf %get3A_334, %sub3A_22 : vector<16xf32>
    %get3A_336 = arith.constant 1 : i32
    %get3A_337 = arith.index_cast %get3A_336 : i32 to index
    %get3A_338 = arith.constant 112 : index
    %get3A_339 = tpu.vector_load %arg7[%get3A_337, %get3A_338] {strides = array<i32>} : memref<16x1024xf32, #tpu.memory_space<vmem>>, vector<1x16xf32>,
    %get3A_340 = vector.shape_cast %get3A_339 : vector<1x16xf32> to vector<16xf32>
    %mul3A_341 = arith.mulf %get3A_340, %sub3A : vector<16xf32>
    %add3A_342 = arith.addf %mul3A_335, %mul3A_341 : vector<16xf32>
    %swap3A_343 = arith.constant 0 : i32
    %swap3A_344 = arith.index_cast %swap3A_343 : i32 to index
    %swap3A_345 = arith.constant 112 : index
    %swap3A_346 = tpu.vector_load %arg9[%swap3A_344, %swap3A_345] {strides = array<i32>} : memref<2x1024xf32, #tpu.memory_space<vmem>>, vector<1x16xf32>,
    %swap3A_347 = vector.shape_cast %swap3A_346 : vector<1x16xf32> to vector<16xf32>
    %swap3A_348 = vector.shape_cast %add3A_342 : vector<16xf32> to vector<1x16xf32>
    tpu.vector_store %arg9[%swap3A_344, %swap3A_345], %swap3A_348 {strides = array<i32>} : memref<2x1024xf32, #tpu.memory_space<vmem>>, vector<1x16xf32>,
    %get3A_349 = arith.constant 0 : i32
    %get3A_350 = arith.index_cast %get3A_349 : i32 to index
    %get3A_351 = arith.constant 112 : index
    %get3A_352 = tpu.vector_load %arg8[%get3A_350, %get3A_351] {strides = array<i32>} : memref<16x1024xf32, #tpu.memory_space<vmem>>, vector<1x16xf32>,
    %get3A_353 = vector.shape_cast %get3A_352 : vector<1x16xf32> to vector<16xf32>
    %mul3A_354 = arith.mulf %get3A_353, %sub3A_22 : vector<16xf32>
    %get3A_355 = arith.constant 1 : i32
    %get3A_356 = arith.index_cast %get3A_355 : i32 to index
    %get3A_357 = arith.constant 112 : index
    %get3A_358 = tpu.vector_load %arg8[%get3A_356, %get3A_357] {strides = array<i32>} : memref<16x1024xf32, #tpu.memory_space<vmem>>, vector<1x16xf32>,
    %get3A_359 = vector.shape_cast %get3A_358 : vector<1x16xf32> to vector<16xf32>
    %mul3A_360 = arith.mulf %get3A_359, %sub3A : vector<16xf32>
    %add3A_361 = arith.addf %mul3A_354, %mul3A_360 : vector<16xf32>
    %swap3A_362 = arith.constant 1 : i32
    %swap3A_363 = arith.index_cast %swap3A_362 : i32 to index
    %swap3A_364 = arith.constant 112 : index
    %swap3A_365 = tpu.vector_load %arg9[%swap3A_363, %swap3A_364] {strides = array<i32>} : memref<2x1024xf32, #tpu.memory_space<vmem>>, vector<1x16xf32>,
    %swap3A_366 = vector.shape_cast %swap3A_365 : vector<1x16xf32> to vector<16xf32>
    %swap3A_367 = vector.shape_cast %add3A_361 : vector<16xf32> to vector<1x16xf32>
    tpu.vector_store %arg9[%swap3A_363, %swap3A_364], %swap3A_367 {strides = array<i32>} : memref<2x1024xf32, #tpu.memory_space<vmem>>, vector<1x16xf32>,
    %get3A_368 = arith.constant 0 : i32
    %get3A_369 = arith.index_cast %get3A_368 : i32 to index
    %get3A_370 = arith.constant 128 : index
    %get3A_371 = tpu.vector_load %arg7[%get3A_369, %get3A_370] {strides = array<i32>} : memref<16x1024xf32, #tpu.memory_space<vmem>>, vector<1x16xf32>,
    %get3A_372 = vector.shape_cast %get3A_371 : vector<1x16xf32> to vector<16xf32>
    %mul3A_373 = arith.mulf %get3A_372, %sub3A_22 : vector<16xf32>
    %get3A_374 = arith.constant 1 : i32
    %get3A_375 = arith.index_cast %get3A_374 : i32 to index
    %get3A_376 = arith.constant 128 : index
    %get3A_377 = tpu.vector_load %arg7[%get3A_375, %get3A_376] {strides = array<i32>} : memref<16x1024xf32, #tpu.memory_space<vmem>>, vector<1x16xf32>,
    %get3A_378 = vector.shape_cast %get3A_377 : vector<1x16xf32> to vector<16xf32>
    %mul3A_379 = arith.mulf %get3A_378, %sub3A : vector<16xf32>
    %add3A_380 = arith.addf %mul3A_373, %mul3A_379 : vector<16xf32>
    %swap3A_381 = arith.constant 0 : i32
    %swap3A_382 = arith.index_cast %swap3A_381 : i32 to index
    %swap3A_383 = arith.constant 128 : index
    %swap3A_384 = tpu.vector_load %arg9[%swap3A_382, %swap3A_383] {strides = array<i32>} : memref<2x1024xf32, #tpu.memory_space<vmem>>, vector<1x16xf32>,
    %swap3A_385 = vector.shape_cast %swap3A_384 : vector<1x16xf32> to vector<16xf32>
    %swap3A_386 = vector.shape_cast %add3A_380 : vector<16xf32> to vector<1x16xf32>
    tpu.vector_store %arg9[%swap3A_382, %swap3A_383], %swap3A_386 {strides = array<i32>} : memref<2x1024xf32, #tpu.memory_space<vmem>>, vector<1x16xf32>,
    %get3A_387 = arith.constant 0 : i32
    %get3A_388 = arith.index_cast %get3A_387 : i32 to index
    %get3A_389 = arith.constant 128 : index
    %get3A_390 = tpu.vector_load %arg8[%get3A_388, %get3A_389] {strides = array<i32>} : memref<16x1024xf32, #tpu.memory_space<vmem>>, vector<1x16xf32>,
    %get3A_391 = vector.shape_cast %get3A_390 : vector<1x16xf32> to vector<16xf32>
    %mul3A_392 = arith.mulf %get3A_391, %sub3A_22 : vector<16xf32>
    %get3A_393 = arith.constant 1 : i32
    %get3A_394 = arith.index_cast %get3A_393 : i32 to index
    %get3A_395 = arith.constant 128 : index
    %get3A_396 = tpu.vector_load %arg8[%get3A_394, %get3A_395] {strides = array<i32>} : memref<16x1024xf32, #tpu.memory_space<vmem>>, vector<1x16xf32>,
    %get3A_397 = vector.shape_cast %get3A_396 : vector<1x16xf32> to vector<16xf32>
    %mul3A_398 = arith.mulf %get3A_397, %sub3A : vector<16xf32>
    %add3A_399 = arith.addf %mul3A_392, %mul3A_398 : vector<16xf32>
    %swap3A_400 = arith.constant 1 : i32
    %swap3A_401 = arith.index_cast %swap3A_400 : i32 to index
    %swap3A_402 = arith.constant 128 : index
    %swap3A_403 = tpu.vector_load %arg9[%swap3A_401, %swap3A_402] {strides = array<i32>} : memref<2x1024xf32, #tpu.memory_space<vmem>>, vector<1x16xf32>,
    %swap3A_404 = vector.shape_cast %swap3A_403 : vector<1x16xf32> to vector<16xf32>
    %swap3A_405 = vector.shape_cast %add3A_399 : vector<16xf32> to vector<1x16xf32>
    tpu.vector_store %arg9[%swap3A_401, %swap3A_402], %swap3A_405 {strides = array<i32>} : memref<2x1024xf32, #tpu.memory_space<vmem>>, vector<1x16xf32>,
    %get3A_406 = arith.constant 0 : i32
    %get3A_407 = arith.index_cast %get3A_406 : i32 to index
    %get3A_408 = arith.constant 144 : index
    %get3A_409 = tpu.vector_load %arg7[%get3A_407, %get3A_408] {strides = array<i32>} : memref<16x1024xf32, #tpu.memory_space<vmem>>, vector<1x16xf32>,
    %get3A_410 = vector.shape_cast %get3A_409 : vector<1x16xf32> to vector<16xf32>
    %mul3A_411 = arith.mulf %get3A_410, %sub3A_22 : vector<16xf32>
    %get3A_412 = arith.constant 1 : i32
    %get3A_413 = arith.index_cast %get3A_412 : i32 to index
    %get3A_414 = arith.constant 144 : index
    %get3A_415 = tpu.vector_load %arg7[%get3A_413, %get3A_414] {strides = array<i32>} : memref<16x1024xf32, #tpu.memory_space<vmem>>, vector<1x16xf32>,
    %get3A_416 = vector.shape_cast %get3A_415 : vector<1x16xf32> to vector<16xf32>
    %mul3A_417 = arith.mulf %get3A_416, %sub3A : vector<16xf32>
    %add3A_418 = arith.addf %mul3A_411, %mul3A_417 : vector<16xf32>
    %swap3A_419 = arith.constant 0 : i32
    %swap3A_420 = arith.index_cast %swap3A_419 : i32 to index
    %swap3A_421 = arith.constant 144 : index
    %swap3A_422 = tpu.vector_load %arg9[%swap3A_420, %swap3A_421] {strides = array<i32>} : memref<2x1024xf32, #tpu.memory_space<vmem>>, vector<1x16xf32>,
    %swap3A_423 = vector.shape_cast %swap3A_422 : vector<1x16xf32> to vector<16xf32>
    %swap3A_424 = vector.shape_cast %add3A_418 : vector<16xf32> to vector<1x16xf32>
    tpu.vector_store %arg9[%swap3A_420, %swap3A_421], %swap3A_424 {strides = array<i32>} : memref<2x1024xf32, #tpu.memory_space<vmem>>, vector<1x16xf32>,
    %get3A_425 = arith.constant 0 : i32
    %get3A_426 = arith.index_cast %get3A_425 : i32 to index
    %get3A_427 = arith.constant 144 : index
    %get3A_428 = tpu.vector_load %arg8[%get3A_426, %get3A_427] {strides = array<i32>} : memref<16x1024xf32, #tpu.memory_space<vmem>>, vector<1x16xf32>,
    %get3A_429 = vector.shape_cast %get3A_428 : vector<1x16xf32> to vector<16xf32>
    %mul3A_430 = arith.mulf %get3A_429, %sub3A_22 : vector<16xf32>
    %get3A_431 = arith.constant 1 : i32
    %get3A_432 = arith.index_cast %get3A_431 : i32 to index
    %get3A_433 = arith.constant 144 : index
    %get3A_434 = tpu.vector_load %arg8[%get3A_432, %get3A_433] {strides = array<i32>} : memref<16x1024xf32, #tpu.memory_space<vmem>>, vector<1x16xf32>,
    %get3A_435 = vector.shape_cast %get3A_434 : vector<1x16xf32> to vector<16xf32>
    %mul3A_436 = arith.mulf %get3A_435, %sub3A : vector<16xf32>
    %add3A_437 = arith.addf %mul3A_430, %mul3A_436 : vector<16xf32>
    %swap3A_438 = arith.constant 1 : i32
    %swap3A_439 = arith.index_cast %swap3A_438 : i32 to index
    %swap3A_440 = arith.constant 144 : index
    %swap3A_441 = tpu.vector_load %arg9[%swap3A_439, %swap3A_440] {strides = array<i32>} : memref<2x1024xf32, #tpu.memory_space<vmem>>, vector<1x16xf32>,
    %swap3A_442 = vector.shape_cast %swap3A_441 : vector<1x16xf32> to vector<16xf32>
    %swap3A_443 = vector.shape_cast %add3A_437 : vector<16xf32> to vector<1x16xf32>
    tpu.vector_store %arg9[%swap3A_439, %swap3A_440], %swap3A_443 {strides = array<i32>} : memref<2x1024xf32, #tpu.memory_space<vmem>>, vector<1x16xf32>,
    %get3A_444 = arith.constant 0 : i32
    %get3A_445 = arith.index_cast %get3A_444 : i32 to index
    %get3A_446 = arith.constant 160 : index
    %get3A_447 = tpu.vector_load %arg7[%get3A_445, %get3A_446] {strides = array<i32>} : memref<16x1024xf32, #tpu.memory_space<vmem>>, vector<1x16xf32>,
    %get3A_448 = vector.shape_cast %get3A_447 : vector<1x16xf32> to vector<16xf32>
    %mul3A_449 = arith.mulf %get3A_448, %sub3A_22 : vector<16xf32>
    %get3A_450 = arith.constant 1 : i32
    %get3A_451 = arith.index_cast %get3A_450 : i32 to index
    %get3A_452 = arith.constant 160 : index
    %get3A_453 = tpu.vector_load %arg7[%get3A_451, %get3A_452] {strides = array<i32>} : memref<16x1024xf32, #tpu.memory_space<vmem>>, vector<1x16xf32>,
    %get3A_454 = vector.shape_cast %get3A_453 : vector<1x16xf32> to vector<16xf32>
    %mul3A_455 = arith.mulf %get3A_454, %sub3A : vector<16xf32>
    %add3A_456 = arith.addf %mul3A_449, %mul3A_455 : vector<16xf32>
    %swap3A_457 = arith.constant 0 : i32
    %swap3A_458 = arith.index_cast %swap3A_457 : i32 to index
    %swap3A_459 = arith.constant 160 : index
    %swap3A_460 = tpu.vector_load %arg9[%swap3A_458, %swap3A_459] {strides = array<i32>} : memref<2x1024xf32, #tpu.memory_space<vmem>>, vector<1x16xf32>,
    %swap3A_461 = vector.shape_cast %swap3A_460 : vector<1x16xf32> to vector<16xf32>
    %swap3A_462 = vector.shape_cast %add3A_456 : vector<16xf32> to vector<1x16xf32>
    tpu.vector_store %arg9[%swap3A_458, %swap3A_459], %swap3A_462 {strides = array<i32>} : memref<2x1024xf32, #tpu.memory_space<vmem>>, vector<1x16xf32>,
    %get3A_463 = arith.constant 0 : i32
    %get3A_464 = arith.index_cast %get3A_463 : i32 to index
    %get3A_465 = arith.constant 160 : index
    %get3A_466 = tpu.vector_load %arg8[%get3A_464, %get3A_465] {strides = array<i32>} : memref<16x1024xf32, #tpu.memory_space<vmem>>, vector<1x16xf32>,
    %get3A_467 = vector.shape_cast %get3A_466 : vector<1x16xf32> to vector<16xf32>
    %mul3A_468 = arith.mulf %get3A_467, %sub3A_22 : vector<16xf32>
    %get3A_469 = arith.constant 1 : i32
    %get3A_470 = arith.index_cast %get3A_469 : i32 to index
    %get3A_471 = arith.constant 160 : index
    %get3A_472 = tpu.vector_load %arg8[%get3A_470, %get3A_471] {strides = array<i32>} : memref<16x1024xf32, #tpu.memory_space<vmem>>, vector<1x16xf32>,
    %get3A_473 = vector.shape_cast %get3A_472 : vector<1x16xf32> to vector<16xf32>
    %mul3A_474 = arith.mulf %get3A_473, %sub3A : vector<16xf32>
    %add3A_475 = arith.addf %mul3A_468, %mul3A_474 : vector<16xf32>
    %swap3A_476 = arith.constant 1 : i32
    %swap3A_477 = arith.index_cast %swap3A_476 : i32 to index
    %swap3A_478 = arith.constant 160 : index
    %swap3A_479 = tpu.vector_load %arg9[%swap3A_477, %swap3A_478] {strides = array<i32>} : memref<2x1024xf32, #tpu.memory_space<vmem>>, vector<1x16xf32>,
    %swap3A_480 = vector.shape_cast %swap3A_479 : vector<1x16xf32> to vector<16xf32>
    %swap3A_481 = vector.shape_cast %add3A_475 : vector<16xf32> to vector<1x16xf32>
    tpu.vector_store %arg9[%swap3A_477, %swap3A_478], %swap3A_481 {strides = array<i32>} : memref<2x1024xf32, #tpu.memory_space<vmem>>, vector<1x16xf32>,
    %get3A_482 = arith.constant 0 : i32
    %get3A_483 = arith.index_cast %get3A_482 : i32 to index
    %get3A_484 = arith.constant 176 : index
    %get3A_485 = tpu.vector_load %arg7[%get3A_483, %get3A_484] {strides = array<i32>} : memref<16x1024xf32, #tpu.memory_space<vmem>>, vector<1x16xf32>,
    %get3A_486 = vector.shape_cast %get3A_485 : vector<1x16xf32> to vector<16xf32>
    %mul3A_487 = arith.mulf %get3A_486, %sub3A_22 : vector<16xf32>
    %get3A_488 = arith.constant 1 : i32
    %get3A_489 = arith.index_cast %get3A_488 : i32 to index
    %get3A_490 = arith.constant 176 : index
    %get3A_491 = tpu.vector_load %arg7[%get3A_489, %get3A_490] {strides = array<i32>} : memref<16x1024xf32, #tpu.memory_space<vmem>>, vector<1x16xf32>,
    %get3A_492 = vector.shape_cast %get3A_491 : vector<1x16xf32> to vector<16xf32>
    %mul3A_493 = arith.mulf %get3A_492, %sub3A : vector<16xf32>
    %add3A_494 = arith.addf %mul3A_487, %mul3A_493 : vector<16xf32>
    %swap3A_495 = arith.constant 0 : i32
    %swap3A_496 = arith.index_cast %swap3A_495 : i32 to index
    %swap3A_497 = arith.constant 176 : index
    %swap3A_498 = tpu.vector_load %arg9[%swap3A_496, %swap3A_497] {strides = array<i32>} : memref<2x1024xf32, #tpu.memory_space<vmem>>, vector<1x16xf32>,
    %swap3A_499 = vector.shape_cast %swap3A_498 : vector<1x16xf32> to vector<16xf32>
    %swap3A_500 = vector.shape_cast %add3A_494 : vector<16xf32> to vector<1x16xf32>
    tpu.vector_store %arg9[%swap3A_496, %swap3A_497], %swap3A_500 {strides = array<i32>} : memref<2x1024xf32, #tpu.memory_space<vmem>>, vector<1x16xf32>,
    %get3A_501 = arith.constant 0 : i32
    %get3A_502 = arith.index_cast %get3A_501 : i32 to index
    %get3A_503 = arith.constant 176 : index
    %get3A_504 = tpu.vector_load %arg8[%get3A_502, %get3A_503] {strides = array<i32>} : memref<16x1024xf32, #tpu.memory_space<vmem>>, vector<1x16xf32>,
    %get3A_505 = vector.shape_cast %get3A_504 : vector<1x16xf32> to vector<16xf32>
    %mul3A_506 = arith.mulf %get3A_505, %sub3A_22 : vector<16xf32>
    %get3A_507 = arith.constant 1 : i32
    %get3A_508 = arith.index_cast %get3A_507 : i32 to index
    %get3A_509 = arith.constant 176 : index
    %get3A_510 = tpu.vector_load %arg8[%get3A_508, %get3A_509] {strides = array<i32>} : memref<16x1024xf32, #tpu.memory_space<vmem>>, vector<1x16xf32>,
    %get3A_511 = vector.shape_cast %get3A_510 : vector<1x16xf32> to vector<16xf32>
    %mul3A_512 = arith.mulf %get3A_511, %sub3A : vector<16xf32>
    %add3A_513 = arith.addf %mul3A_506, %mul3A_512 : vector<16xf32>
    %swap3A_514 = arith.constant 1 : i32
    %swap3A_515 = arith.index_cast %swap3A_514 : i32 to index
    %swap3A_516 = arith.constant 176 : index
    %swap3A_517 = tpu.vector_load %arg9[%swap3A_515, %swap3A_516] {strides = array<i32>} : memref<2x1024xf32, #tpu.memory_space<vmem>>, vector<1x16xf32>,
    %swap3A_518 = vector.shape_cast %swap3A_517 : vector<1x16xf32> to vector<16xf32>
    %swap3A_519 = vector.shape_cast %add3A_513 : vector<16xf32> to vector<1x16xf32>
    tpu.vector_store %arg9[%swap3A_515, %swap3A_516], %swap3A_519 {strides = array<i32>} : memref<2x1024xf32, #tpu.memory_space<vmem>>, vector<1x16xf32>,
    %get3A_520 = arith.constant 0 : i32
    %get3A_521 = arith.index_cast %get3A_520 : i32 to index
    %get3A_522 = arith.constant 192 : index
    %get3A_523 = tpu.vector_load %arg7[%get3A_521, %get3A_522] {strides = array<i32>} : memref<16x1024xf32, #tpu.memory_space<vmem>>, vector<1x16xf32>,
    %get3A_524 = vector.shape_cast %get3A_523 : vector<1x16xf32> to vector<16xf32>
    %mul3A_525 = arith.mulf %get3A_524, %sub3A_22 : vector<16xf32>
    %get3A_526 = arith.constant 1 : i32
    %get3A_527 = arith.index_cast %get3A_526 : i32 to index
    %get3A_528 = arith.constant 192 : index
    %get3A_529 = tpu.vector_load %arg7[%get3A_527, %get3A_528] {strides = array<i32>} : memref<16x1024xf32, #tpu.memory_space<vmem>>, vector<1x16xf32>,
    %get3A_530 = vector.shape_cast %get3A_529 : vector<1x16xf32> to vector<16xf32>
    %mul3A_531 = arith.mulf %get3A_530, %sub3A : vector<16xf32>
    %add3A_532 = arith.addf %mul3A_525, %mul3A_531 : vector<16xf32>
    %swap3A_533 = arith.constant 0 : i32
    %swap3A_534 = arith.index_cast %swap3A_533 : i32 to index
    %swap3A_535 = arith.constant 192 : index
    %swap3A_536 = tpu.vector_load %arg9[%swap3A_534, %swap3A_535] {strides = array<i32>} : memref<2x1024xf32, #tpu.memory_space<vmem>>, vector<1x16xf32>,
    %swap3A_537 = vector.shape_cast %swap3A_536 : vector<1x16xf32> to vector<16xf32>
    %swap3A_538 = vector.shape_cast %add3A_532 : vector<16xf32> to vector<1x16xf32>
    tpu.vector_store %arg9[%swap3A_534, %swap3A_535], %swap3A_538 {strides = array<i32>} : memref<2x1024xf32, #tpu.memory_space<vmem>>, vector<1x16xf32>,
    %get3A_539 = arith.constant 0 : i32
    %get3A_540 = arith.index_cast %get3A_539 : i32 to index
    %get3A_541 = arith.constant 192 : index
    %get3A_542 = tpu.vector_load %arg8[%get3A_540, %get3A_541] {strides = array<i32>} : memref<16x1024xf32, #tpu.memory_space<vmem>>, vector<1x16xf32>,
    %get3A_543 = vector.shape_cast %get3A_542 : vector<1x16xf32> to vector<16xf32>
    %mul3A_544 = arith.mulf %get3A_543, %sub3A_22 : vector<16xf32>
    %get3A_545 = arith.constant 1 : i32
    %get3A_546 = arith.index_cast %get3A_545 : i32 to index
    %get3A_547 = arith.constant 192 : index
    %get3A_548 = tpu.vector_load %arg8[%get3A_546, %get3A_547] {strides = array<i32>} : memref<16x1024xf32, #tpu.memory_space<vmem>>, vector<1x16xf32>,
    %get3A_549 = vector.shape_cast %get3A_548 : vector<1x16xf32> to vector<16xf32>
    %mul3A_550 = arith.mulf %get3A_549, %sub3A : vector<16xf32>
    %add3A_551 = arith.addf %mul3A_544, %mul3A_550 : vector<16xf32>
    %swap3A_552 = arith.constant 1 : i32
    %swap3A_553 = arith.index_cast %swap3A_552 : i32 to index
    %swap3A_554 = arith.constant 192 : index
    %swap3A_555 = tpu.vector_load %arg9[%swap3A_553, %swap3A_554] {strides = array<i32>} : memref<2x1024xf32, #tpu.memory_space<vmem>>, vector<1x16xf32>,
    %swap3A_556 = vector.shape_cast %swap3A_555 : vector<1x16xf32> to vector<16xf32>
    %swap3A_557 = vector.shape_cast %add3A_551 : vector<16xf32> to vector<1x16xf32>
    tpu.vector_store %arg9[%swap3A_553, %swap3A_554], %swap3A_557 {strides = array<i32>} : memref<2x1024xf32, #tpu.memory_space<vmem>>, vector<1x16xf32>,
    %get3A_558 = arith.constant 0 : i32
    %get3A_559 = arith.index_cast %get3A_558 : i32 to index
    %get3A_560 = arith.constant 208 : index
    %get3A_561 = tpu.vector_load %arg7[%get3A_559, %get3A_560] {strides = array<i32>} : memref<16x1024xf32, #tpu.memory_space<vmem>>, vector<1x16xf32>,
    %get3A_562 = vector.shape_cast %get3A_561 : vector<1x16xf32> to vector<16xf32>
    %mul3A_563 = arith.mulf %get3A_562, %sub3A_22 : vector<16xf32>
    %get3A_564 = arith.constant 1 : i32
    %get3A_565 = arith.index_cast %get3A_564 : i32 to index
    %get3A_566 = arith.constant 208 : index
    %get3A_567 = tpu.vector_load %arg7[%get3A_565, %get3A_566] {strides = array<i32>} : memref<16x1024xf32, #tpu.memory_space<vmem>>, vector<1x16xf32>,
    %get3A_568 = vector.shape_cast %get3A_567 : vector<1x16xf32> to vector<16xf32>
    %mul3A_569 = arith.mulf %get3A_568, %sub3A : vector<16xf32>
    %add3A_570 = arith.addf %mul3A_563, %mul3A_569 : vector<16xf32>
    %swap3A_571 = arith.constant 0 : i32
    %swap3A_572 = arith.index_cast %swap3A_571 : i32 to index
    %swap3A_573 = arith.constant 208 : index
    %swap3A_574 = tpu.vector_load %arg9[%swap3A_572, %swap3A_573] {strides = array<i32>} : memref<2x1024xf32, #tpu.memory_space<vmem>>, vector<1x16xf32>,
    %swap3A_575 = vector.shape_cast %swap3A_574 : vector<1x16xf32> to vector<16xf32>
    %swap3A_576 = vector.shape_cast %add3A_570 : vector<16xf32> to vector<1x16xf32>
    tpu.vector_store %arg9[%swap3A_572, %swap3A_573], %swap3A_576 {strides = array<i32>} : memref<2x1024xf32, #tpu.memory_space<vmem>>, vector<1x16xf32>,
    %get3A_577 = arith.constant 0 : i32
    %get3A_578 = arith.index_cast %get3A_577 : i32 to index
    %get3A_579 = arith.constant 208 : index
    %get3A_580 = tpu.vector_load %arg8[%get3A_578, %get3A_579] {strides = array<i32>} : memref<16x1024xf32, #tpu.memory_space<vmem>>, vector<1x16xf32>,
    %get3A_581 = vector.shape_cast %get3A_580 : vector<1x16xf32> to vector<16xf32>
    %mul3A_582 = arith.mulf %get3A_581, %sub3A_22 : vector<16xf32>
    %get3A_583 = arith.constant 1 : i32
    %get3A_584 = arith.index_cast %get3A_583 : i32 to index
    %get3A_585 = arith.constant 208 : index
    %get3A_586 = tpu.vector_load %arg8[%get3A_584, %get3A_585] {strides = array<i32>} : memref<16x1024xf32, #tpu.memory_space<vmem>>, vector<1x16xf32>,
    %get3A_587 = vector.shape_cast %get3A_586 : vector<1x16xf32> to vector<16xf32>
    %mul3A_588 = arith.mulf %get3A_587, %sub3A : vector<16xf32>
    %add3A_589 = arith.addf %mul3A_582, %mul3A_588 : vector<16xf32>
    %swap3A_590 = arith.constant 1 : i32
    %swap3A_591 = arith.index_cast %swap3A_590 : i32 to index
    %swap3A_592 = arith.constant 208 : index
    %swap3A_593 = tpu.vector_load %arg9[%swap3A_591, %swap3A_592] {strides = array<i32>} : memref<2x1024xf32, #tpu.memory_space<vmem>>, vector<1x16xf32>,
    %swap3A_594 = vector.shape_cast %swap3A_593 : vector<1x16xf32> to vector<16xf32>
    %swap3A_595 = vector.shape_cast %add3A_589 : vector<16xf32> to vector<1x16xf32>
    tpu.vector_store %arg9[%swap3A_591, %swap3A_592], %swap3A_595 {strides = array<i32>} : memref<2x1024xf32, #tpu.memory_space<vmem>>, vector<1x16xf32>,
    %get3A_596 = arith.constant 0 : i32
    %get3A_597 = arith.index_cast %get3A_596 : i32 to index
    %get3A_598 = arith.constant 224 : index
    %get3A_599 = tpu.vector_load %arg7[%get3A_597, %get3A_598] {strides = array<i32>} : memref<16x1024xf32, #tpu.memory_space<vmem>>, vector<1x16xf32>,
    %get3A_600 = vector.shape_cast %get3A_599 : vector<1x16xf32> to vector<16xf32>
    %mul3A_601 = arith.mulf %get3A_600, %sub3A_22 : vector<16xf32>
    %get3A_602 = arith.constant 1 : i32
    %get3A_603 = arith.index_cast %get3A_602 : i32 to index
    %get3A_604 = arith.constant 224 : index
    %get3A_605 = tpu.vector_load %arg7[%get3A_603, %get3A_604] {strides = array<i32>} : memref<16x1024xf32, #tpu.memory_space<vmem>>, vector<1x16xf32>,
    %get3A_606 = vector.shape_cast %get3A_605 : vector<1x16xf32> to vector<16xf32>
    %mul3A_607 = arith.mulf %get3A_606, %sub3A : vector<16xf32>
    %add3A_608 = arith.addf %mul3A_601, %mul3A_607 : vector<16xf32>
    %swap3A_609 = arith.constant 0 : i32
    %swap3A_610 = arith.index_cast %swap3A_609 : i32 to index
    %swap3A_611 = arith.constant 224 : index
    %swap3A_612 = tpu.vector_load %arg9[%swap3A_610, %swap3A_611] {strides = array<i32>} : memref<2x1024xf32, #tpu.memory_space<vmem>>, vector<1x16xf32>,
    %swap3A_613 = vector.shape_cast %swap3A_612 : vector<1x16xf32> to vector<16xf32>
    %swap3A_614 = vector.shape_cast %add3A_608 : vector<16xf32> to vector<1x16xf32>
    tpu.vector_store %arg9[%swap3A_610, %swap3A_611], %swap3A_614 {strides = array<i32>} : memref<2x1024xf32, #tpu.memory_space<vmem>>, vector<1x16xf32>,
    %get3A_615 = arith.constant 0 : i32
    %get3A_616 = arith.index_cast %get3A_615 : i32 to index
    %get3A_617 = arith.constant 224 : index
    %get3A_618 = tpu.vector_load %arg8[%get3A_616, %get3A_617] {strides = array<i32>} : memref<16x1024xf32, #tpu.memory_space<vmem>>, vector<1x16xf32>,
    %get3A_619 = vector.shape_cast %get3A_618 : vector<1x16xf32> to vector<16xf32>
    %mul3A_620 = arith.mulf %get3A_619, %sub3A_22 : vector<16xf32>
    %get3A_621 = arith.constant 1 : i32
    %get3A_622 = arith.index_cast %get3A_621 : i32 to index
    %get3A_623 = arith.constant 224 : index
    %get3A_624 = tpu.vector_load %arg8[%get3A_622, %get3A_623] {strides = array<i32>} : memref<16x1024xf32, #tpu.memory_space<vmem>>, vector<1x16xf32>,
    %get3A_625 = vector.shape_cast %get3A_624 : vector<1x16xf32> to vector<16xf32>
    %mul3A_626 = arith.mulf %get3A_625, %sub3A : vector<16xf32>
    %add3A_627 = arith.addf %mul3A_620, %mul3A_626 : vector<16xf32>
    %swap3A_628 = arith.constant 1 : i32
    %swap3A_629 = arith.index_cast %swap3A_628 : i32 to index
    %swap3A_630 = arith.constant 224 : index
    %swap3A_631 = tpu.vector_load %arg9[%swap3A_629, %swap3A_630] {strides = array<i32>} : memref<2x1024xf32, #tpu.memory_space<vmem>>, vector<1x16xf32>,
    %swap3A_632 = vector.shape_cast %swap3A_631 : vector<1x16xf32> to vector<16xf32>
    %swap3A_633 = vector.shape_cast %add3A_627 : vector<16xf32> to vector<1x16xf32>
    tpu.vector_store %arg9[%swap3A_629, %swap3A_630], %swap3A_633 {strides = array<i32>} : memref<2x1024xf32, #tpu.memory_space<vmem>>, vector<1x16xf32>,
    %get3A_634 = arith.constant 0 : i32
    %get3A_635 = arith.index_cast %get3A_634 : i32 to index
    %get3A_636 = arith.constant 240 : index
    %get3A_637 = tpu.vector_load %arg7[%get3A_635, %get3A_636] {strides = array<i32>} : memref<16x1024xf32, #tpu.memory_space<vmem>>, vector<1x16xf32>,
    %get3A_638 = vector.shape_cast %get3A_637 : vector<1x16xf32> to vector<16xf32>
    %mul3A_639 = arith.mulf %get3A_638, %sub3A_22 : vector<16xf32>
    %get3A_640 = arith.constant 1 : i32
    %get3A_641 = arith.index_cast %get3A_640 : i32 to index
    %get3A_642 = arith.constant 240 : index
    %get3A_643 = tpu.vector_load %arg7[%get3A_641, %get3A_642] {strides = array<i32>} : memref<16x1024xf32, #tpu.memory_space<vmem>>, vector<1x16xf32>,
    %get3A_644 = vector.shape_cast %get3A_643 : vector<1x16xf32> to vector<16xf32>
    %mul3A_645 = arith.mulf %get3A_644, %sub3A : vector<16xf32>
    %add3A_646 = arith.addf %mul3A_639, %mul3A_645 : vector<16xf32>
    %swap3A_647 = arith.constant 0 : i32
    %swap3A_648 = arith.index_cast %swap3A_647 : i32 to index
    %swap3A_649 = arith.constant 240 : index
    %swap3A_650 = tpu.vector_load %arg9[%swap3A_648, %swap3A_649] {strides = array<i32>} : memref<2x1024xf32, #tpu.memory_space<vmem>>, vector<1x16xf32>,
    %swap3A_651 = vector.shape_cast %swap3A_650 : vector<1x16xf32> to vector<16xf32>
    %swap3A_652 = vector.shape_cast %add3A_646 : vector<16xf32> to vector<1x16xf32>
    tpu.vector_store %arg9[%swap3A_648, %swap3A_649], %swap3A_652 {strides = array<i32>} : memref<2x1024xf32, #tpu.memory_space<vmem>>, vector<1x16xf32>,
    %get3A_653 = arith.constant 0 : i32
    %get3A_654 = arith.index_cast %get3A_653 : i32 to index
    %get3A_655 = arith.constant 240 : index
    %get3A_656 = tpu.vector_load %arg8[%get3A_654, %get3A_655] {strides = array<i32>} : memref<16x1024xf32, #tpu.memory_space<vmem>>, vector<1x16xf32>,
    %get3A_657 = vector.shape_cast %get3A_656 : vector<1x16xf32> to vector<16xf32>
    %mul3A_658 = arith.mulf %get3A_657, %sub3A_22 : vector<16xf32>
    %get3A_659 = arith.constant 1 : i32
    %get3A_660 = arith.index_cast %get3A_659 : i32 to index
    %get3A_661 = arith.constant 240 : index
    %get3A_662 = tpu.vector_load %arg8[%get3A_660, %get3A_661] {strides = array<i32>} : memref<16x1024xf32, #tpu.memory_space<vmem>>, vector<1x16xf32>,
    %get3A_663 = vector.shape_cast %get3A_662 : vector<1x16xf32> to vector<16xf32>
    %mul3A_664 = arith.mulf %get3A_663, %sub3A : vector<16xf32>
    %add3A_665 = arith.addf %mul3A_658, %mul3A_664 : vector<16xf32>
    %swap3A_666 = arith.constant 1 : i32
    %swap3A_667 = arith.index_cast %swap3A_666 : i32 to index
    %swap3A_668 = arith.constant 240 : index
    %swap3A_669 = tpu.vector_load %arg9[%swap3A_667, %swap3A_668] {strides = array<i32>} : memref<2x1024xf32, #tpu.memory_space<vmem>>, vector<1x16xf32>,
    %swap3A_670 = vector.shape_cast %swap3A_669 : vector<1x16xf32> to vector<16xf32>
    %swap3A_671 = vector.shape_cast %add3A_665 : vector<16xf32> to vector<1x16xf32>
    tpu.vector_store %arg9[%swap3A_667, %swap3A_668], %swap3A_671 {strides = array<i32>} : memref<2x1024xf32, #tpu.memory_space<vmem>>, vector<1x16xf32>,
    %get3A_672 = arith.constant 0 : i32
    %get3A_673 = arith.index_cast %get3A_672 : i32 to index
    %get3A_674 = arith.constant 256 : index
    %get3A_675 = tpu.vector_load %arg7[%get3A_673, %get3A_674] {strides = array<i32>} : memref<16x1024xf32, #tpu.memory_space<vmem>>, vector<1x16xf32>,
    %get3A_676 = vector.shape_cast %get3A_675 : vector<1x16xf32> to vector<16xf32>
    %mul3A_677 = arith.mulf %get3A_676, %sub3A_22 : vector<16xf32>
    %get3A_678 = arith.constant 1 : i32
    %get3A_679 = arith.index_cast %get3A_678 : i32 to index
    %get3A_680 = arith.constant 256 : index
    %get3A_681 = tpu.vector_load %arg7[%get3A_679, %get3A_680] {strides = array<i32>} : memref<16x1024xf32, #tpu.memory_space<vmem>>, vector<1x16xf32>,
    %get3A_682 = vector.shape_cast %get3A_681 : vector<1x16xf32> to vector<16xf32>
    %mul3A_683 = arith.mulf %get3A_682, %sub3A : vector<16xf32>
    %add3A_684 = arith.addf %mul3A_677, %mul3A_683 : vector<16xf32>
    %swap3A_685 = arith.constant 0 : i32
    %swap3A_686 = arith.index_cast %swap3A_685 : i32 to index
    %swap3A_687 = arith.constant 256 : index
    %swap3A_688 = tpu.vector_load %arg9[%swap3A_686, %swap3A_687] {strides = array<i32>} : memref<2x1024xf32, #tpu.memory_space<vmem>>, vector<1x16xf32>,
    %swap3A_689 = vector.shape_cast %swap3A_688 : vector<1x16xf32> to vector<16xf32>
    %swap3A_690 = vector.shape_cast %add3A_684 : vector<16xf32> to vector<1x16xf32>
    tpu.vector_store %arg9[%swap3A_686, %swap3A_687], %swap3A_690 {strides = array<i32>} : memref<2x1024xf32, #tpu.memory_space<vmem>>, vector<1x16xf32>,
    %get3A_691 = arith.constant 0 : i32
    %get3A_692 = arith.index_cast %get3A_691 : i32 to index
    %get3A_693 = arith.constant 256 : index
    %get3A_694 = tpu.vector_load %arg8[%get3A_692, %get3A_693] {strides = array<i32>} : memref<16x1024xf32, #tpu.memory_space<vmem>>, vector<1x16xf32>,
    %get3A_695 = vector.shape_cast %get3A_694 : vector<1x16xf32> to vector<16xf32>
    %mul3A_696 = arith.mulf %get3A_695, %sub3A_22 : vector<16xf32>
    %get3A_697 = arith.constant 1 : i32
    %get3A_698 = arith.index_cast %get3A_697 : i32 to index
    %get3A_699 = arith.constant 256 : index
    %get3A_700 = tpu.vector_load %arg8[%get3A_698, %get3A_699] {strides = array<i32>} : memref<16x1024xf32, #tpu.memory_space<vmem>>, vector<1x16xf32>,
    %get3A_701 = vector.shape_cast %get3A_700 : vector<1x16xf32> to vector<16xf32>
    %mul3A_702 = arith.mulf %get3A_701, %sub3A : vector<16xf32>
    %add3A_703 = arith.addf %mul3A_696, %mul3A_702 : vector<16xf32>
    %swap3A_704 = arith.constant 1 : i32
    %swap3A_705 = arith.index_cast %swap3A_704 : i32 to index
    %swap3A_706 = arith.constant 256 : index
    %swap3A_707 = tpu.vector_load %arg9[%swap3A_705, %swap3A_706] {strides = array<i32>} : memref<2x1024xf32, #tpu.memory_space<vmem>>, vector<1x16xf32>,
    %swap3A_708 = vector.shape_cast %swap3A_707 : vector<1x16xf32> to vector<16xf32>
    %swap3A_709 = vector.shape_cast %add3A_703 : vector<16xf32> to vector<1x16xf32>
    tpu.vector_store %arg9[%swap3A_705, %swap3A_706], %swap3A_709 {strides = array<i32>} : memref<2x1024xf32, #tpu.memory_space<vmem>>, vector<1x16xf32>,
    %get3A_710 = arith.constant 0 : i32
    %get3A_711 = arith.index_cast %get3A_710 : i32 to index
    %get3A_712 = arith.constant 272 : index
    %get3A_713 = tpu.vector_load %arg7[%get3A_711, %get3A_712] {strides = array<i32>} : memref<16x1024xf32, #tpu.memory_space<vmem>>, vector<1x16xf32>,
    %get3A_714 = vector.shape_cast %get3A_713 : vector<1x16xf32> to vector<16xf32>
    %mul3A_715 = arith.mulf %get3A_714, %sub3A_22 : vector<16xf32>
    %get3A_716 = arith.constant 1 : i32
    %get3A_717 = arith.index_cast %get3A_716 : i32 to index
    %get3A_718 = arith.constant 272 : index
    %get3A_719 = tpu.vector_load %arg7[%get3A_717, %get3A_718] {strides = array<i32>} : memref<16x1024xf32, #tpu.memory_space<vmem>>, vector<1x16xf32>,
    %get3A_720 = vector.shape_cast %get3A_719 : vector<1x16xf32> to vector<16xf32>
    %mul3A_721 = arith.mulf %get3A_720, %sub3A : vector<16xf32>
    %add3A_722 = arith.addf %mul3A_715, %mul3A_721 : vector<16xf32>
    %swap3A_723 = arith.constant 0 : i32
    %swap3A_724 = arith.index_cast %swap3A_723 : i32 to index
    %swap3A_725 = arith.constant 272 : index
    %swap3A_726 = tpu.vector_load %arg9[%swap3A_724, %swap3A_725] {strides = array<i32>} : memref<2x1024xf32, #tpu.memory_space<vmem>>, vector<1x16xf32>,
    %swap3A_727 = vector.shape_cast %swap3A_726 : vector<1x16xf32> to vector<16xf32>
    %swap3A_728 = vector.shape_cast %add3A_722 : vector<16xf32> to vector<1x16xf32>
    tpu.vector_store %arg9[%swap3A_724, %swap3A_725], %swap3A_728 {strides = array<i32>} : memref<2x1024xf32, #tpu.memory_space<vmem>>, vector<1x16xf32>,
    %get3A_729 = arith.constant 0 : i32
    %get3A_730 = arith.index_cast %get3A_729 : i32 to index
    %get3A_731 = arith.constant 272 : index
    %get3A_732 = tpu.vector_load %arg8[%get3A_730, %get3A_731] {strides = array<i32>} : memref<16x1024xf32, #tpu.memory_space<vmem>>, vector<1x16xf32>,
    %get3A_733 = vector.shape_cast %get3A_732 : vector<1x16xf32> to vector<16xf32>
    %mul3A_734 = arith.mulf %get3A_733, %sub3A_22 : vector<16xf32>
    %get3A_735 = arith.constant 1 : i32
    %get3A_736 = arith.index_cast %get3A_735 : i32 to index
    %get3A_737 = arith.constant 272 : index
    %get3A_738 = tpu.vector_load %arg8[%get3A_736, %get3A_737] {strides = array<i32>} : memref<16x1024xf32, #tpu.memory_space<vmem>>, vector<1x16xf32>,
    %get3A_739 = vector.shape_cast %get3A_738 : vector<1x16xf32> to vector<16xf32>
    %mul3A_740 = arith.mulf %get3A_739, %sub3A : vector<16xf32>
    %add3A_741 = arith.addf %mul3A_734, %mul3A_740 : vector<16xf32>
    %swap3A_742 = arith.constant 1 : i32
    %swap3A_743 = arith.index_cast %swap3A_742 : i32 to index
    %swap3A_744 = arith.constant 272 : index
    %swap3A_745 = tpu.vector_load %arg9[%swap3A_743, %swap3A_744] {strides = array<i32>} : memref<2x1024xf32, #tpu.memory_space<vmem>>, vector<1x16xf32>,
    %swap3A_746 = vector.shape_cast %swap3A_745 : vector<1x16xf32> to vector<16xf32>
    %swap3A_747 = vector.shape_cast %add3A_741 : vector<16xf32> to vector<1x16xf32>
    tpu.vector_store %arg9[%swap3A_743, %swap3A_744], %swap3A_747 {strides = array<i32>} : memref<2x1024xf32, #tpu.memory_space<vmem>>, vector<1x16xf32>,
    %get3A_748 = arith.constant 0 : i32
    %get3A_749 = arith.index_cast %get3A_748 : i32 to index
    %get3A_750 = arith.constant 288 : index
    %get3A_751 = tpu.vector_load %arg7[%get3A_749, %get3A_750] {strides = array<i32>} : memref<16x1024xf32, #tpu.memory_space<vmem>>, vector<1x16xf32>,
    %get3A_752 = vector.shape_cast %get3A_751 : vector<1x16xf32> to vector<16xf32>
    %mul3A_753 = arith.mulf %get3A_752, %sub3A_22 : vector<16xf32>
    %get3A_754 = arith.constant 1 : i32
    %get3A_755 = arith.index_cast %get3A_754 : i32 to index
    %get3A_756 = arith.constant 288 : index
    %get3A_757 = tpu.vector_load %arg7[%get3A_755, %get3A_756] {strides = array<i32>} : memref<16x1024xf32, #tpu.memory_space<vmem>>, vector<1x16xf32>,
    %get3A_758 = vector.shape_cast %get3A_757 : vector<1x16xf32> to vector<16xf32>
    %mul3A_759 = arith.mulf %get3A_758, %sub3A : vector<16xf32>
    %add3A_760 = arith.addf %mul3A_753, %mul3A_759 : vector<16xf32>
    %swap3A_761 = arith.constant 0 : i32
    %swap3A_762 = arith.index_cast %swap3A_761 : i32 to index
    %swap3A_763 = arith.constant 288 : index
    %swap3A_764 = tpu.vector_load %arg9[%swap3A_762, %swap3A_763] {strides = array<i32>} : memref<2x1024xf32, #tpu.memory_space<vmem>>, vector<1x16xf32>,
    %swap3A_765 = vector.shape_cast %swap3A_764 : vector<1x16xf32> to vector<16xf32>
    %swap3A_766 = vector.shape_cast %add3A_760 : vector<16xf32> to vector<1x16xf32>
    tpu.vector_store %arg9[%swap3A_762, %swap3A_763], %swap3A_766 {strides = array<i32>} : memref<2x1024xf32, #tpu.memory_space<vmem>>, vector<1x16xf32>,
    %get3A_767 = arith.constant 0 : i32
    %get3A_768 = arith.index_cast %get3A_767 : i32 to index
    %get3A_769 = arith.constant 288 : index
    %get3A_770 = tpu.vector_load %arg8[%get3A_768, %get3A_769] {strides = array<i32>} : memref<16x1024xf32, #tpu.memory_space<vmem>>, vector<1x16xf32>,
    %get3A_771 = vector.shape_cast %get3A_770 : vector<1x16xf32> to vector<16xf32>
    %mul3A_772 = arith.mulf %get3A_771, %sub3A_22 : vector<16xf32>
    %get3A_773 = arith.constant 1 : i32
    %get3A_774 = arith.index_cast %get3A_773 : i32 to index
    %get3A_775 = arith.constant 288 : index
    %get3A_776 = tpu.vector_load %arg8[%get3A_774, %get3A_775] {strides = array<i32>} : memref<16x1024xf32, #tpu.memory_space<vmem>>, vector<1x16xf32>,
    %get3A_777 = vector.shape_cast %get3A_776 : vector<1x16xf32> to vector<16xf32>
    %mul3A_778 = arith.mulf %get3A_777, %sub3A : vector<16xf32>
    %add3A_779 = arith.addf %mul3A_772, %mul3A_778 : vector<16xf32>
    %swap3A_780 = arith.constant 1 : i32
    %swap3A_781 = arith.index_cast %swap3A_780 : i32 to index
    %swap3A_782 = arith.constant 288 : index
    %swap3A_783 = tpu.vector_load %arg9[%swap3A_781, %swap3A_782] {strides = array<i32>} : memref<2x1024xf32, #tpu.memory_space<vmem>>, vector<1x16xf32>,
    %swap3A_784 = vector.shape_cast %swap3A_783 : vector<1x16xf32> to vector<16xf32>
    %swap3A_785 = vector.shape_cast %add3A_779 : vector<16xf32> to vector<1x16xf32>
    tpu.vector_store %arg9[%swap3A_781, %swap3A_782], %swap3A_785 {strides = array<i32>} : memref<2x1024xf32, #tpu.memory_space<vmem>>, vector<1x16xf32>,
    %get3A_786 = arith.constant 0 : i32
    %get3A_787 = arith.index_cast %get3A_786 : i32 to index
    %get3A_788 = arith.constant 304 : index
    %get3A_789 = tpu.vector_load %arg7[%get3A_787, %get3A_788] {strides = array<i32>} : memref<16x1024xf32, #tpu.memory_space<vmem>>, vector<1x16xf32>,
    %get3A_790 = vector.shape_cast %get3A_789 : vector<1x16xf32> to vector<16xf32>
    %mul3A_791 = arith.mulf %get3A_790, %sub3A_22 : vector<16xf32>
    %get3A_792 = arith.constant 1 : i32
    %get3A_793 = arith.index_cast %get3A_792 : i32 to index
    %get3A_794 = arith.constant 304 : index
    %get3A_795 = tpu.vector_load %arg7[%get3A_793, %get3A_794] {strides = array<i32>} : memref<16x1024xf32, #tpu.memory_space<vmem>>, vector<1x16xf32>,
    %get3A_796 = vector.shape_cast %get3A_795 : vector<1x16xf32> to vector<16xf32>
    %mul3A_797 = arith.mulf %get3A_796, %sub3A : vector<16xf32>
    %add3A_798 = arith.addf %mul3A_791, %mul3A_797 : vector<16xf32>
    %swap3A_799 = arith.constant 0 : i32
    %swap3A_800 = arith.index_cast %swap3A_799 : i32 to index
    %swap3A_801 = arith.constant 304 : index
    %swap3A_802 = tpu.vector_load %arg9[%swap3A_800, %swap3A_801] {strides = array<i32>} : memref<2x1024xf32, #tpu.memory_space<vmem>>, vector<1x16xf32>,
    %swap3A_803 = vector.shape_cast %swap3A_802 : vector<1x16xf32> to vector<16xf32>
    %swap3A_804 = vector.shape_cast %add3A_798 : vector<16xf32> to vector<1x16xf32>
    tpu.vector_store %arg9[%swap3A_800, %swap3A_801], %swap3A_804 {strides = array<i32>} : memref<2x1024xf32, #tpu.memory_space<vmem>>, vector<1x16xf32>,
    %get3A_805 = arith.constant 0 : i32
    %get3A_806 = arith.index_cast %get3A_805 : i32 to index
    %get3A_807 = arith.constant 304 : index
    %get3A_808 = tpu.vector_load %arg8[%get3A_806, %get3A_807] {strides = array<i32>} : memref<16x1024xf32, #tpu.memory_space<vmem>>, vector<1x16xf32>,
    %get3A_809 = vector.shape_cast %get3A_808 : vector<1x16xf32> to vector<16xf32>
    %mul3A_810 = arith.mulf %get3A_809, %sub3A_22 : vector<16xf32>
    %get3A_811 = arith.constant 1 : i32
    %get3A_812 = arith.index_cast %get3A_811 : i32 to index
    %get3A_813 = arith.constant 304 : index
    %get3A_814 = tpu.vector_load %arg8[%get3A_812, %get3A_813] {strides = array<i32>} : memref<16x1024xf32, #tpu.memory_space<vmem>>, vector<1x16xf32>,
    %get3A_815 = vector.shape_cast %get3A_814 : vector<1x16xf32> to vector<16xf32>
    %mul3A_816 = arith.mulf %get3A_815, %sub3A : vector<16xf32>
    %add3A_817 = arith.addf %mul3A_810, %mul3A_816 : vector<16xf32>
    %swap3A_818 = arith.constant 1 : i32
    %swap3A_819 = arith.index_cast %swap3A_818 : i32 to index
    %swap3A_820 = arith.constant 304 : index
    %swap3A_821 = tpu.vector_load %arg9[%swap3A_819, %swap3A_820] {strides = array<i32>} : memref<2x1024xf32, #tpu.memory_space<vmem>>, vector<1x16xf32>,
    %swap3A_822 = vector.shape_cast %swap3A_821 : vector<1x16xf32> to vector<16xf32>
    %swap3A_823 = vector.shape_cast %add3A_817 : vector<16xf32> to vector<1x16xf32>
    tpu.vector_store %arg9[%swap3A_819, %swap3A_820], %swap3A_823 {strides = array<i32>} : memref<2x1024xf32, #tpu.memory_space<vmem>>, vector<1x16xf32>,
    %get3A_824 = arith.constant 0 : i32
    %get3A_825 = arith.index_cast %get3A_824 : i32 to index
    %get3A_826 = arith.constant 320 : index
    %get3A_827 = tpu.vector_load %arg7[%get3A_825, %get3A_826] {strides = array<i32>} : memref<16x1024xf32, #tpu.memory_space<vmem>>, vector<1x16xf32>,
    %get3A_828 = vector.shape_cast %get3A_827 : vector<1x16xf32> to vector<16xf32>
    %mul3A_829 = arith.mulf %get3A_828, %sub3A_22 : vector<16xf32>
    %get3A_830 = arith.constant 1 : i32
    %get3A_831 = arith.index_cast %get3A_830 : i32 to index
    %get3A_832 = arith.constant 320 : index
    %get3A_833 = tpu.vector_load %arg7[%get3A_831, %get3A_832] {strides = array<i32>} : memref<16x1024xf32, #tpu.memory_space<vmem>>, vector<1x16xf32>,
    %get3A_834 = vector.shape_cast %get3A_833 : vector<1x16xf32> to vector<16xf32>
    %mul3A_835 = arith.mulf %get3A_834, %sub3A : vector<16xf32>
    %add3A_836 = arith.addf %mul3A_829, %mul3A_835 : vector<16xf32>
    %swap3A_837 = arith.constant 0 : i32
    %swap3A_838 = arith.index_cast %swap3A_837 : i32 to index
    %swap3A_839 = arith.constant 320 : index
    %swap3A_840 = tpu.vector_load %arg9[%swap3A_838, %swap3A_839] {strides = array<i32>} : memref<2x1024xf32, #tpu.memory_space<vmem>>, vector<1x16xf32>,
    %swap3A_841 = vector.shape_cast %swap3A_840 : vector<1x16xf32> to vector<16xf32>
    %swap3A_842 = vector.shape_cast %add3A_836 : vector<16xf32> to vector<1x16xf32>
    tpu.vector_store %arg9[%swap3A_838, %swap3A_839], %swap3A_842 {strides = array<i32>} : memref<2x1024xf32, #tpu.memory_space<vmem>>, vector<1x16xf32>,
    %get3A_843 = arith.constant 0 : i32
    %get3A_844 = arith.index_cast %get3A_843 : i32 to index
    %get3A_845 = arith.constant 320 : index
    %get3A_846 = tpu.vector_load %arg8[%get3A_844, %get3A_845] {strides = array<i32>} : memref<16x1024xf32, #tpu.memory_space<vmem>>, vector<1x16xf32>,
    %get3A_847 = vector.shape_cast %get3A_846 : vector<1x16xf32> to vector<16xf32>
    %mul3A_848 = arith.mulf %get3A_847, %sub3A_22 : vector<16xf32>
    %get3A_849 = arith.constant 1 : i32
    %get3A_850 = arith.index_cast %get3A_849 : i32 to index
    %get3A_851 = arith.constant 320 : index
    %get3A_852 = tpu.vector_load %arg8[%get3A_850, %get3A_851] {strides = array<i32>} : memref<16x1024xf32, #tpu.memory_space<vmem>>, vector<1x16xf32>,
    %get3A_853 = vector.shape_cast %get3A_852 : vector<1x16xf32> to vector<16xf32>
    %mul3A_854 = arith.mulf %get3A_853, %sub3A : vector<16xf32>
    %add3A_855 = arith.addf %mul3A_848, %mul3A_854 : vector<16xf32>
    %swap3A_856 = arith.constant 1 : i32
    %swap3A_857 = arith.index_cast %swap3A_856 : i32 to index
    %swap3A_858 = arith.constant 320 : index
    %swap3A_859 = tpu.vector_load %arg9[%swap3A_857, %swap3A_858] {strides = array<i32>} : memref<2x1024xf32, #tpu.memory_space<vmem>>, vector<1x16xf32>,
    %swap3A_860 = vector.shape_cast %swap3A_859 : vector<1x16xf32> to vector<16xf32>
    %swap3A_861 = vector.shape_cast %add3A_855 : vector<16xf32> to vector<1x16xf32>
    tpu.vector_store %arg9[%swap3A_857, %swap3A_858], %swap3A_861 {strides = array<i32>} : memref<2x1024xf32, #tpu.memory_space<vmem>>, vector<1x16xf32>,
    %get3A_862 = arith.constant 0 : i32
    %get3A_863 = arith.index_cast %get3A_862 : i32 to index
    %get3A_864 = arith.constant 336 : index
    %get3A_865 = tpu.vector_load %arg7[%get3A_863, %get3A_864] {strides = array<i32>} : memref<16x1024xf32, #tpu.memory_space<vmem>>, vector<1x16xf32>,
    %get3A_866 = vector.shape_cast %get3A_865 : vector<1x16xf32> to vector<16xf32>
    %mul3A_867 = arith.mulf %get3A_866, %sub3A_22 : vector<16xf32>
    %get3A_868 = arith.constant 1 : i32
    %get3A_869 = arith.index_cast %get3A_868 : i32 to index
    %get3A_870 = arith.constant 336 : index
    %get3A_871 = tpu.vector_load %arg7[%get3A_869, %get3A_870] {strides = array<i32>} : memref<16x1024xf32, #tpu.memory_space<vmem>>, vector<1x16xf32>,
    %get3A_872 = vector.shape_cast %get3A_871 : vector<1x16xf32> to vector<16xf32>
    %mul3A_873 = arith.mulf %get3A_872, %sub3A : vector<16xf32>
    %add3A_874 = arith.addf %mul3A_867, %mul3A_873 : vector<16xf32>
    %swap3A_875 = arith.constant 0 : i32
    %swap3A_876 = arith.index_cast %swap3A_875 : i32 to index
    %swap3A_877 = arith.constant 336 : index
    %swap3A_878 = tpu.vector_load %arg9[%swap3A_876, %swap3A_877] {strides = array<i32>} : memref<2x1024xf32, #tpu.memory_space<vmem>>, vector<1x16xf32>,
    %swap3A_879 = vector.shape_cast %swap3A_878 : vector<1x16xf32> to vector<16xf32>
    %swap3A_880 = vector.shape_cast %add3A_874 : vector<16xf32> to vector<1x16xf32>
    tpu.vector_store %arg9[%swap3A_876, %swap3A_877], %swap3A_880 {strides = array<i32>} : memref<2x1024xf32, #tpu.memory_space<vmem>>, vector<1x16xf32>,
    %get3A_881 = arith.constant 0 : i32
    %get3A_882 = arith.index_cast %get3A_881 : i32 to index
    %get3A_883 = arith.constant 336 : index
    %get3A_884 = tpu.vector_load %arg8[%get3A_882, %get3A_883] {strides = array<i32>} : memref<16x1024xf32, #tpu.memory_space<vmem>>, vector<1x16xf32>,
    %get3A_885 = vector.shape_cast %get3A_884 : vector<1x16xf32> to vector<16xf32>
    %mul3A_886 = arith.mulf %get3A_885, %sub3A_22 : vector<16xf32>
    %get3A_887 = arith.constant 1 : i32
    %get3A_888 = arith.index_cast %get3A_887 : i32 to index
    %get3A_889 = arith.constant 336 : index
    %get3A_890 = tpu.vector_load %arg8[%get3A_888, %get3A_889] {strides = array<i32>} : memref<16x1024xf32, #tpu.memory_space<vmem>>, vector<1x16xf32>,
    %get3A_891 = vector.shape_cast %get3A_890 : vector<1x16xf32> to vector<16xf32>
    %mul3A_892 = arith.mulf %get3A_891, %sub3A : vector<16xf32>
    %add3A_893 = arith.addf %mul3A_886, %mul3A_892 : vector<16xf32>
    %swap3A_894 = arith.constant 1 : i32
    %swap3A_895 = arith.index_cast %swap3A_894 : i32 to index
    %swap3A_896 = arith.constant 336 : index
    %swap3A_897 = tpu.vector_load %arg9[%swap3A_895, %swap3A_896] {strides = array<i32>} : memref<2x1024xf32, #tpu.memory_space<vmem>>, vector<1x16xf32>,
    %swap3A_898 = vector.shape_cast %swap3A_897 : vector<1x16xf32> to vector<16xf32>
    %swap3A_899 = vector.shape_cast %add3A_893 : vector<16xf32> to vector<1x16xf32>
    tpu.vector_store %arg9[%swap3A_895, %swap3A_896], %swap3A_899 {strides = array<i32>} : memref<2x1024xf32, #tpu.memory_space<vmem>>, vector<1x16xf32>,
    %get3A_900 = arith.constant 0 : i32
    %get3A_901 = arith.index_cast %get3A_900 : i32 to index
    %get3A_902 = arith.constant 352 : index
    %get3A_903 = tpu.vector_load %arg7[%get3A_901, %get3A_902] {strides = array<i32>} : memref<16x1024xf32, #tpu.memory_space<vmem>>, vector<1x16xf32>,
    %get3A_904 = vector.shape_cast %get3A_903 : vector<1x16xf32> to vector<16xf32>
    %mul3A_905 = arith.mulf %get3A_904, %sub3A_22 : vector<16xf32>
    %get3A_906 = arith.constant 1 : i32
    %get3A_907 = arith.index_cast %get3A_906 : i32 to index
    %get3A_908 = arith.constant 352 : index
    %get3A_909 = tpu.vector_load %arg7[%get3A_907, %get3A_908] {strides = array<i32>} : memref<16x1024xf32, #tpu.memory_space<vmem>>, vector<1x16xf32>,
    %get3A_910 = vector.shape_cast %get3A_909 : vector<1x16xf32> to vector<16xf32>
    %mul3A_911 = arith.mulf %get3A_910, %sub3A : vector<16xf32>
    %add3A_912 = arith.addf %mul3A_905, %mul3A_911 : vector<16xf32>
    %swap3A_913 = arith.constant 0 : i32
    %swap3A_914 = arith.index_cast %swap3A_913 : i32 to index
    %swap3A_915 = arith.constant 352 : index
    %swap3A_916 = tpu.vector_load %arg9[%swap3A_914, %swap3A_915] {strides = array<i32>} : memref<2x1024xf32, #tpu.memory_space<vmem>>, vector<1x16xf32>,
    %swap3A_917 = vector.shape_cast %swap3A_916 : vector<1x16xf32> to vector<16xf32>
    %swap3A_918 = vector.shape_cast %add3A_912 : vector<16xf32> to vector<1x16xf32>
    tpu.vector_store %arg9[%swap3A_914, %swap3A_915], %swap3A_918 {strides = array<i32>} : memref<2x1024xf32, #tpu.memory_space<vmem>>, vector<1x16xf32>,
    %get3A_919 = arith.constant 0 : i32
    %get3A_920 = arith.index_cast %get3A_919 : i32 to index
    %get3A_921 = arith.constant 352 : index
    %get3A_922 = tpu.vector_load %arg8[%get3A_920, %get3A_921] {strides = array<i32>} : memref<16x1024xf32, #tpu.memory_space<vmem>>, vector<1x16xf32>,
    %get3A_923 = vector.shape_cast %get3A_922 : vector<1x16xf32> to vector<16xf32>
    %mul3A_924 = arith.mulf %get3A_923, %sub3A_22 : vector<16xf32>
    %get3A_925 = arith.constant 1 : i32
    %get3A_926 = arith.index_cast %get3A_925 : i32 to index
    %get3A_927 = arith.constant 352 : index
    %get3A_928 = tpu.vector_load %arg8[%get3A_926, %get3A_927] {strides = array<i32>} : memref<16x1024xf32, #tpu.memory_space<vmem>>, vector<1x16xf32>,
    %get3A_929 = vector.shape_cast %get3A_928 : vector<1x16xf32> to vector<16xf32>
    %mul3A_930 = arith.mulf %get3A_929, %sub3A : vector<16xf32>
    %add3A_931 = arith.addf %mul3A_924, %mul3A_930 : vector<16xf32>
    %swap3A_932 = arith.constant 1 : i32
    %swap3A_933 = arith.index_cast %swap3A_932 : i32 to index
    %swap3A_934 = arith.constant 352 : index
    %swap3A_935 = tpu.vector_load %arg9[%swap3A_933, %swap3A_934] {strides = array<i32>} : memref<2x1024xf32, #tpu.memory_space<vmem>>, vector<1x16xf32>,
    %swap3A_936 = vector.shape_cast %swap3A_935 : vector<1x16xf32> to vector<16xf32>
    %swap3A_937 = vector.shape_cast %add3A_931 : vector<16xf32> to vector<1x16xf32>
    tpu.vector_store %arg9[%swap3A_933, %swap3A_934], %swap3A_937 {strides = array<i32>} : memref<2x1024xf32, #tpu.memory_space<vmem>>, vector<1x16xf32>,
    %get3A_938 = arith.constant 0 : i32
    %get3A_939 = arith.index_cast %get3A_938 : i32 to index
    %get3A_940 = arith.constant 368 : index
    %get3A_941 = tpu.vector_load %arg7[%get3A_939, %get3A_940] {strides = array<i32>} : memref<16x1024xf32, #tpu.memory_space<vmem>>, vector<1x16xf32>,
    %get3A_942 = vector.shape_cast %get3A_941 : vector<1x16xf32> to vector<16xf32>
    %mul3A_943 = arith.mulf %get3A_942, %sub3A_22 : vector<16xf32>
    %get3A_944 = arith.constant 1 : i32
    %get3A_945 = arith.index_cast %get3A_944 : i32 to index
    %get3A_946 = arith.constant 368 : index
    %get3A_947 = tpu.vector_load %arg7[%get3A_945, %get3A_946] {strides = array<i32>} : memref<16x1024xf32, #tpu.memory_space<vmem>>, vector<1x16xf32>,
    %get3A_948 = vector.shape_cast %get3A_947 : vector<1x16xf32> to vector<16xf32>
    %mul3A_949 = arith.mulf %get3A_948, %sub3A : vector<16xf32>
    %add3A_950 = arith.addf %mul3A_943, %mul3A_949 : vector<16xf32>
    %swap3A_951 = arith.constant 0 : i32
    %swap3A_952 = arith.index_cast %swap3A_951 : i32 to index
    %swap3A_953 = arith.constant 368 : index
    %swap3A_954 = tpu.vector_load %arg9[%swap3A_952, %swap3A_953] {strides = array<i32>} : memref<2x1024xf32, #tpu.memory_space<vmem>>, vector<1x16xf32>,
    %swap3A_955 = vector.shape_cast %swap3A_954 : vector<1x16xf32> to vector<16xf32>
    %swap3A_956 = vector.shape_cast %add3A_950 : vector<16xf32> to vector<1x16xf32>
    tpu.vector_store %arg9[%swap3A_952, %swap3A_953], %swap3A_956 {strides = array<i32>} : memref<2x1024xf32, #tpu.memory_space<vmem>>, vector<1x16xf32>,
    %get3A_957 = arith.constant 0 : i32
    %get3A_958 = arith.index_cast %get3A_957 : i32 to index
    %get3A_959 = arith.constant 368 : index
    %get3A_960 = tpu.vector_load %arg8[%get3A_958, %get3A_959] {strides = array<i32>} : memref<16x1024xf32, #tpu.memory_space<vmem>>, vector<1x16xf32>,
    %get3A_961 = vector.shape_cast %get3A_960 : vector<1x16xf32> to vector<16xf32>
    %mul3A_962 = arith.mulf %get3A_961, %sub3A_22 : vector<16xf32>
    %get3A_963 = arith.constant 1 : i32
    %get3A_964 = arith.index_cast %get3A_963 : i32 to index
    %get3A_965 = arith.constant 368 : index
    %get3A_966 = tpu.vector_load %arg8[%get3A_964, %get3A_965] {strides = array<i32>} : memref<16x1024xf32, #tpu.memory_space<vmem>>, vector<1x16xf32>,
    %get3A_967 = vector.shape_cast %get3A_966 : vector<1x16xf32> to vector<16xf32>
    %mul3A_968 = arith.mulf %get3A_967, %sub3A : vector<16xf32>
    %add3A_969 = arith.addf %mul3A_962, %mul3A_968 : vector<16xf32>
    %swap3A_970 = arith.constant 1 : i32
    %swap3A_971 = arith.index_cast %swap3A_970 : i32 to index
    %swap3A_972 = arith.constant 368 : index
    %swap3A_973 = tpu.vector_load %arg9[%swap3A_971, %swap3A_972] {strides = array<i32>} : memref<2x1024xf32, #tpu.memory_space<vmem>>, vector<1x16xf32>,
    %swap3A_974 = vector.shape_cast %swap3A_973 : vector<1x16xf32> to vector<16xf32>
    %swap3A_975 = vector.shape_cast %add3A_969 : vector<16xf32> to vector<1x16xf32>
    tpu.vector_store %arg9[%swap3A_971, %swap3A_972], %swap3A_975 {strides = array<i32>} : memref<2x1024xf32, #tpu.memory_space<vmem>>, vector<1x16xf32>,
    %get3A_976 = arith.constant 0 : i32
    %get3A_977 = arith.index_cast %get3A_976 : i32 to index
    %get3A_978 = arith.constant 384 : index
    %get3A_979 = tpu.vector_load %arg7[%get3A_977, %get3A_978] {strides = array<i32>} : memref<16x1024xf32, #tpu.memory_space<vmem>>, vector<1x16xf32>,
    %get3A_980 = vector.shape_cast %get3A_979 : vector<1x16xf32> to vector<16xf32>
    %mul3A_981 = arith.mulf %get3A_980, %sub3A_22 : vector<16xf32>
    %get3A_982 = arith.constant 1 : i32
    %get3A_983 = arith.index_cast %get3A_982 : i32 to index
    %get3A_984 = arith.constant 384 : index
    %get3A_985 = tpu.vector_load %arg7[%get3A_983, %get3A_984] {strides = array<i32>} : memref<16x1024xf32, #tpu.memory_space<vmem>>, vector<1x16xf32>,
    %get3A_986 = vector.shape_cast %get3A_985 : vector<1x16xf32> to vector<16xf32>
    %mul3A_987 = arith.mulf %get3A_986, %sub3A : vector<16xf32>
    %add3A_988 = arith.addf %mul3A_981, %mul3A_987 : vector<16xf32>
    %swap3A_989 = arith.constant 0 : i32
    %swap3A_990 = arith.index_cast %swap3A_989 : i32 to index
    %swap3A_991 = arith.constant 384 : index
    %swap3A_992 = tpu.vector_load %arg9[%swap3A_990, %swap3A_991] {strides = array<i32>} : memref<2x1024xf32, #tpu.memory_space<vmem>>, vector<1x16xf32>,
    %swap3A_993 = vector.shape_cast %swap3A_992 : vector<1x16xf32> to vector<16xf32>
    %swap3A_994 = vector.shape_cast %add3A_988 : vector<16xf32> to vector<1x16xf32>
    tpu.vector_store %arg9[%swap3A_990, %swap3A_991], %swap3A_994 {strides = array<i32>} : memref<2x1024xf32, #tpu.memory_space<vmem>>, vector<1x16xf32>,
    %get3A_995 = arith.constant 0 : i32
    %get3A_996 = arith.index_cast %get3A_995 : i32 to index
    %get3A_997 = arith.constant 384 : index
    %get3A_998 = tpu.vector_load %arg8[%get3A_996, %get3A_997] {strides = array<i32>} : memref<16x1024xf32, #tpu.memory_space<vmem>>, vector<1x16xf32>,
    %get3A_999 = vector.shape_cast %get3A_998 : vector<1x16xf32> to vector<16xf32>
    %mul3A_1000 = arith.mulf %get3A_999, %sub3A_22 : vector<16xf32>
    %get3A_1001 = arith.constant 1 : i32
    %get3A_1002 = arith.index_cast %get3A_1001 : i32 to index
    %get3A_1003 = arith.constant 384 : index
    %get3A_1004 = tpu.vector_load %arg8[%get3A_1002, %get3A_1003] {strides = array<i32>} : memref<16x1024xf32, #tpu.memory_space<vmem>>, vector<1x16xf32>,
    %get3A_1005 = vector.shape_cast %get3A_1004 : vector<1x16xf32> to vector<16xf32>
    %mul3A_1006 = arith.mulf %get3A_1005, %sub3A : vector<16xf32>
    %add3A_1007 = arith.addf %mul3A_1000, %mul3A_1006 : vector<16xf32>
    %swap3A_1008 = arith.constant 1 : i32
    %swap3A_1009 = arith.index_cast %swap3A_1008 : i32 to index
    %swap3A_1010 = arith.constant 384 : index
    %swap3A_1011 = tpu.vector_load %arg9[%swap3A_1009, %swap3A_1010] {strides = array<i32>} : memref<2x1024xf32, #tpu.memory_space<vmem>>, vector<1x16xf32>,
    %swap3A_1012 = vector.shape_cast %swap3A_1011 : vector<1x16xf32> to vector<16xf32>
    %swap3A_1013 = vector.shape_cast %add3A_1007 : vector<16xf32> to vector<1x16xf32>
    tpu.vector_store %arg9[%swap3A_1009, %swap3A_1010], %swap3A_1013 {strides = array<i32>} : memref<2x1024xf32, #tpu.memory_space<vmem>>, vector<1x16xf32>,
    %get3A_1014 = arith.constant 0 : i32
    %get3A_1015 = arith.index_cast %get3A_1014 : i32 to index
    %get3A_1016 = arith.constant 400 : index
    %get3A_1017 = tpu.vector_load %arg7[%get3A_1015, %get3A_1016] {strides = array<i32>} : memref<16x1024xf32, #tpu.memory_space<vmem>>, vector<1x16xf32>,
    %get3A_1018 = vector.shape_cast %get3A_1017 : vector<1x16xf32> to vector<16xf32>
    %mul3A_1019 = arith.mulf %get3A_1018, %sub3A_22 : vector<16xf32>
    %get3A_1020 = arith.constant 1 : i32
    %get3A_1021 = arith.index_cast %get3A_1020 : i32 to index
    %get3A_1022 = arith.constant 400 : index
    %get3A_1023 = tpu.vector_load %arg7[%get3A_1021, %get3A_1022] {strides = array<i32>} : memref<16x1024xf32, #tpu.memory_space<vmem>>, vector<1x16xf32>,
    %get3A_1024 = vector.shape_cast %get3A_1023 : vector<1x16xf32> to vector<16xf32>
    %mul3A_1025 = arith.mulf %get3A_1024, %sub3A : vector<16xf32>
    %add3A_1026 = arith.addf %mul3A_1019, %mul3A_1025 : vector<16xf32>
    %swap3A_1027 = arith.constant 0 : i32
    %swap3A_1028 = arith.index_cast %swap3A_1027 : i32 to index
    %swap3A_1029 = arith.constant 400 : index
    %swap3A_1030 = tpu.vector_load %arg9[%swap3A_1028, %swap3A_1029] {strides = array<i32>} : memref<2x1024xf32, #tpu.memory_space<vmem>>, vector<1x16xf32>,
    %swap3A_1031 = vector.shape_cast %swap3A_1030 : vector<1x16xf32> to vector<16xf32>
    %swap3A_1032 = vector.shape_cast %add3A_1026 : vector<16xf32> to vector<1x16xf32>
    tpu.vector_store %arg9[%swap3A_1028, %swap3A_1029], %swap3A_1032 {strides = array<i32>} : memref<2x1024xf32, #tpu.memory_space<vmem>>, vector<1x16xf32>,
    %get3A_1033 = arith.constant 0 : i32
    %get3A_1034 = arith.index_cast %get3A_1033 : i32 to index
    %get3A_1035 = arith.constant 400 : index
    %get3A_1036 = tpu.vector_load %arg8[%get3A_1034, %get3A_1035] {strides = array<i32>} : memref<16x1024xf32, #tpu.memory_space<vmem>>, vector<1x16xf32>,
    %get3A_1037 = vector.shape_cast %get3A_1036 : vector<1x16xf32> to vector<16xf32>
    %mul3A_1038 = arith.mulf %get3A_1037, %sub3A_22 : vector<16xf32>
    %get3A_1039 = arith.constant 1 : i32
    %get3A_1040 = arith.index_cast %get3A_1039 : i32 to index
    %get3A_1041 = arith.constant 400 : index
    %get3A_1042 = tpu.vector_load %arg8[%get3A_1040, %get3A_1041] {strides = array<i32>} : memref<16x1024xf32, #tpu.memory_space<vmem>>, vector<1x16xf32>,
    %get3A_1043 = vector.shape_cast %get3A_1042 : vector<1x16xf32> to vector<16xf32>
    %mul3A_1044 = arith.mulf %get3A_1043, %sub3A : vector<16xf32>
    %add3A_1045 = arith.addf %mul3A_1038, %mul3A_1044 : vector<16xf32>
    %swap3A_1046 = arith.constant 1 : i32
    %swap3A_1047 = arith.index_cast %swap3A_1046 : i32 to index
    %swap3A_1048 = arith.constant 400 : index
    %swap3A_1049 = tpu.vector_load %arg9[%swap3A_1047, %swap3A_1048] {strides = array<i32>} : memref<2x1024xf32, #tpu.memory_space<vmem>>, vector<1x16xf32>,
    %swap3A_1050 = vector.shape_cast %swap3A_1049 : vector<1x16xf32> to vector<16xf32>
    %swap3A_1051 = vector.shape_cast %add3A_1045 : vector<16xf32> to vector<1x16xf32>
    tpu.vector_store %arg9[%swap3A_1047, %swap3A_1048], %swap3A_1051 {strides = array<i32>} : memref<2x1024xf32, #tpu.memory_space<vmem>>, vector<1x16xf32>,
    %get3A_1052 = arith.constant 0 : i32
    %get3A_1053 = arith.index_cast %get3A_1052 : i32 to index
    %get3A_1054 = arith.constant 416 : index
    %get3A_1055 = tpu.vector_load %arg7[%get3A_1053, %get3A_1054] {strides = array<i32>} : memref<16x1024xf32, #tpu.memory_space<vmem>>, vector<1x16xf32>,
    %get3A_1056 = vector.shape_cast %get3A_1055 : vector<1x16xf32> to vector<16xf32>
    %mul3A_1057 = arith.mulf %get3A_1056, %sub3A_22 : vector<16xf32>
    %get3A_1058 = arith.constant 1 : i32
    %get3A_1059 = arith.index_cast %get3A_1058 : i32 to index
    %get3A_1060 = arith.constant 416 : index
    %get3A_1061 = tpu.vector_load %arg7[%get3A_1059, %get3A_1060] {strides = array<i32>} : memref<16x1024xf32, #tpu.memory_space<vmem>>, vector<1x16xf32>,
    %get3A_1062 = vector.shape_cast %get3A_1061 : vector<1x16xf32> to vector<16xf32>
    %mul3A_1063 = arith.mulf %get3A_1062, %sub3A : vector<16xf32>
    %add3A_1064 = arith.addf %mul3A_1057, %mul3A_1063 : vector<16xf32>
    %swap3A_1065 = arith.constant 0 : i32
    %swap3A_1066 = arith.index_cast %swap3A_1065 : i32 to index
    %swap3A_1067 = arith.constant 416 : index
    %swap3A_1068 = tpu.vector_load %arg9[%swap3A_1066, %swap3A_1067] {strides = array<i32>} : memref<2x1024xf32, #tpu.memory_space<vmem>>, vector<1x16xf32>,
    %swap3A_1069 = vector.shape_cast %swap3A_1068 : vector<1x16xf32> to vector<16xf32>
    %swap3A_1070 = vector.shape_cast %add3A_1064 : vector<16xf32> to vector<1x16xf32>
    tpu.vector_store %arg9[%swap3A_1066, %swap3A_1067], %swap3A_1070 {strides = array<i32>} : memref<2x1024xf32, #tpu.memory_space<vmem>>, vector<1x16xf32>,
    %get3A_1071 = arith.constant 0 : i32
    %get3A_1072 = arith.index_cast %get3A_1071 : i32 to index
    %get3A_1073 = arith.constant 416 : index
    %get3A_1074 = tpu.vector_load %arg8[%get3A_1072, %get3A_1073] {strides = array<i32>} : memref<16x1024xf32, #tpu.memory_space<vmem>>, vector<1x16xf32>,
    %get3A_1075 = vector.shape_cast %get3A_1074 : vector<1x16xf32> to vector<16xf32>
    %mul3A_1076 = arith.mulf %get3A_1075, %sub3A_22 : vector<16xf32>
    %get3A_1077 = arith.constant 1 : i32
    %get3A_1078 = arith.index_cast %get3A_1077 : i32 to index
    %get3A_1079 = arith.constant 416 : index
    %get3A_1080 = tpu.vector_load %arg8[%get3A_1078, %get3A_1079] {strides = array<i32>} : memref<16x1024xf32, #tpu.memory_space<vmem>>, vector<1x16xf32>,
    %get3A_1081 = vector.shape_cast %get3A_1080 : vector<1x16xf32> to vector<16xf32>
    %mul3A_1082 = arith.mulf %get3A_1081, %sub3A : vector<16xf32>
    %add3A_1083 = arith.addf %mul3A_1076, %mul3A_1082 : vector<16xf32>
    %swap3A_1084 = arith.constant 1 : i32
    %swap3A_1085 = arith.index_cast %swap3A_1084 : i32 to index
    %swap3A_1086 = arith.constant 416 : index
    %swap3A_1087 = tpu.vector_load %arg9[%swap3A_1085, %swap3A_1086] {strides = array<i32>} : memref<2x1024xf32, #tpu.memory_space<vmem>>, vector<1x16xf32>,
    %swap3A_1088 = vector.shape_cast %swap3A_1087 : vector<1x16xf32> to vector<16xf32>
    %swap3A_1089 = vector.shape_cast %add3A_1083 : vector<16xf32> to vector<1x16xf32>
    tpu.vector_store %arg9[%swap3A_1085, %swap3A_1086], %swap3A_1089 {strides = array<i32>} : memref<2x1024xf32, #tpu.memory_space<vmem>>, vector<1x16xf32>,
    %get3A_1090 = arith.constant 0 : i32
    %get3A_1091 = arith.index_cast %get3A_1090 : i32 to index
    %get3A_1092 = arith.constant 432 : index
    %get3A_1093 = tpu.vector_load %arg7[%get3A_1091, %get3A_1092] {strides = array<i32>} : memref<16x1024xf32, #tpu.memory_space<vmem>>, vector<1x16xf32>,
    %get3A_1094 = vector.shape_cast %get3A_1093 : vector<1x16xf32> to vector<16xf32>
    %mul3A_1095 = arith.mulf %get3A_1094, %sub3A_22 : vector<16xf32>
    %get3A_1096 = arith.constant 1 : i32
    %get3A_1097 = arith.index_cast %get3A_1096 : i32 to index
    %get3A_1098 = arith.constant 432 : index
    %get3A_1099 = tpu.vector_load %arg7[%get3A_1097, %get3A_1098] {strides = array<i32>} : memref<16x1024xf32, #tpu.memory_space<vmem>>, vector<1x16xf32>,
    %get3A_1100 = vector.shape_cast %get3A_1099 : vector<1x16xf32> to vector<16xf32>
    %mul3A_1101 = arith.mulf %get3A_1100, %sub3A : vector<16xf32>
    %add3A_1102 = arith.addf %mul3A_1095, %mul3A_1101 : vector<16xf32>
    %swap3A_1103 = arith.constant 0 : i32
    %swap3A_1104 = arith.index_cast %swap3A_1103 : i32 to index
    %swap3A_1105 = arith.constant 432 : index
    %swap3A_1106 = tpu.vector_load %arg9[%swap3A_1104, %swap3A_1105] {strides = array<i32>} : memref<2x1024xf32, #tpu.memory_space<vmem>>, vector<1x16xf32>,
    %swap3A_1107 = vector.shape_cast %swap3A_1106 : vector<1x16xf32> to vector<16xf32>
    %swap3A_1108 = vector.shape_cast %add3A_1102 : vector<16xf32> to vector<1x16xf32>
    tpu.vector_store %arg9[%swap3A_1104, %swap3A_1105], %swap3A_1108 {strides = array<i32>} : memref<2x1024xf32, #tpu.memory_space<vmem>>, vector<1x16xf32>,
    %get3A_1109 = arith.constant 0 : i32
    %get3A_1110 = arith.index_cast %get3A_1109 : i32 to index
    %get3A_1111 = arith.constant 432 : index
    %get3A_1112 = tpu.vector_load %arg8[%get3A_1110, %get3A_1111] {strides = array<i32>} : memref<16x1024xf32, #tpu.memory_space<vmem>>, vector<1x16xf32>,
    %get3A_1113 = vector.shape_cast %get3A_1112 : vector<1x16xf32> to vector<16xf32>
    %mul3A_1114 = arith.mulf %get3A_1113, %sub3A_22 : vector<16xf32>
    %get3A_1115 = arith.constant 1 : i32
    %get3A_1116 = arith.index_cast %get3A_1115 : i32 to index
    %get3A_1117 = arith.constant 432 : index
    %get3A_1118 = tpu.vector_load %arg8[%get3A_1116, %get3A_1117] {strides = array<i32>} : memref<16x1024xf32, #tpu.memory_space<vmem>>, vector<1x16xf32>,
    %get3A_1119 = vector.shape_cast %get3A_1118 : vector<1x16xf32> to vector<16xf32>
    %mul3A_1120 = arith.mulf %get3A_1119, %sub3A : vector<16xf32>
    %add3A_1121 = arith.addf %mul3A_1114, %mul3A_1120 : vector<16xf32>
    %swap3A_1122 = arith.constant 1 : i32
    %swap3A_1123 = arith.index_cast %swap3A_1122 : i32 to index
    %swap3A_1124 = arith.constant 432 : index
    %swap3A_1125 = tpu.vector_load %arg9[%swap3A_1123, %swap3A_1124] {strides = array<i32>} : memref<2x1024xf32, #tpu.memory_space<vmem>>, vector<1x16xf32>,
    %swap3A_1126 = vector.shape_cast %swap3A_1125 : vector<1x16xf32> to vector<16xf32>
    %swap3A_1127 = vector.shape_cast %add3A_1121 : vector<16xf32> to vector<1x16xf32>
    tpu.vector_store %arg9[%swap3A_1123, %swap3A_1124], %swap3A_1127 {strides = array<i32>} : memref<2x1024xf32, #tpu.memory_space<vmem>>, vector<1x16xf32>,
    %get3A_1128 = arith.constant 0 : i32
    %get3A_1129 = arith.index_cast %get3A_1128 : i32 to index
    %get3A_1130 = arith.constant 448 : index
    %get3A_1131 = tpu.vector_load %arg7[%get3A_1129, %get3A_1130] {strides = array<i32>} : memref<16x1024xf32, #tpu.memory_space<vmem>>, vector<1x16xf32>,
    %get3A_1132 = vector.shape_cast %get3A_1131 : vector<1x16xf32> to vector<16xf32>
    %mul3A_1133 = arith.mulf %get3A_1132, %sub3A_22 : vector<16xf32>
    %get3A_1134 = arith.constant 1 : i32
    %get3A_1135 = arith.index_cast %get3A_1134 : i32 to index
    %get3A_1136 = arith.constant 448 : index
    %get3A_1137 = tpu.vector_load %arg7[%get3A_1135, %get3A_1136] {strides = array<i32>} : memref<16x1024xf32, #tpu.memory_space<vmem>>, vector<1x16xf32>,
    %get3A_1138 = vector.shape_cast %get3A_1137 : vector<1x16xf32> to vector<16xf32>
    %mul3A_1139 = arith.mulf %get3A_1138, %sub3A : vector<16xf32>
    %add3A_1140 = arith.addf %mul3A_1133, %mul3A_1139 : vector<16xf32>
    %swap3A_1141 = arith.constant 0 : i32
    %swap3A_1142 = arith.index_cast %swap3A_1141 : i32 to index
    %swap3A_1143 = arith.constant 448 : index
    %swap3A_1144 = tpu.vector_load %arg9[%swap3A_1142, %swap3A_1143] {strides = array<i32>} : memref<2x1024xf32, #tpu.memory_space<vmem>>, vector<1x16xf32>,
    %swap3A_1145 = vector.shape_cast %swap3A_1144 : vector<1x16xf32> to vector<16xf32>
    %swap3A_1146 = vector.shape_cast %add3A_1140 : vector<16xf32> to vector<1x16xf32>
    tpu.vector_store %arg9[%swap3A_1142, %swap3A_1143], %swap3A_1146 {strides = array<i32>} : memref<2x1024xf32, #tpu.memory_space<vmem>>, vector<1x16xf32>,
    %get3A_1147 = arith.constant 0 : i32
    %get3A_1148 = arith.index_cast %get3A_1147 : i32 to index
    %get3A_1149 = arith.constant 448 : index
    %get3A_1150 = tpu.vector_load %arg8[%get3A_1148, %get3A_1149] {strides = array<i32>} : memref<16x1024xf32, #tpu.memory_space<vmem>>, vector<1x16xf32>,
    %get3A_1151 = vector.shape_cast %get3A_1150 : vector<1x16xf32> to vector<16xf32>
    %mul3A_1152 = arith.mulf %get3A_1151, %sub3A_22 : vector<16xf32>
    %get3A_1153 = arith.constant 1 : i32
    %get3A_1154 = arith.index_cast %get3A_1153 : i32 to index
    %get3A_1155 = arith.constant 448 : index
    %get3A_1156 = tpu.vector_load %arg8[%get3A_1154, %get3A_1155] {strides = array<i32>} : memref<16x1024xf32, #tpu.memory_space<vmem>>, vector<1x16xf32>,
    %get3A_1157 = vector.shape_cast %get3A_1156 : vector<1x16xf32> to vector<16xf32>
    %mul3A_1158 = arith.mulf %get3A_1157, %sub3A : vector<16xf32>
    %add3A_1159 = arith.addf %mul3A_1152, %mul3A_1158 : vector<16xf32>
    %swap3A_1160 = arith.constant 1 : i32
    %swap3A_1161 = arith.index_cast %swap3A_1160 : i32 to index
    %swap3A_1162 = arith.constant 448 : index
    %swap3A_1163 = tpu.vector_load %arg9[%swap3A_1161, %swap3A_1162] {strides = array<i32>} : memref<2x1024xf32, #tpu.memory_space<vmem>>, vector<1x16xf32>,
    %swap3A_1164 = vector.shape_cast %swap3A_1163 : vector<1x16xf32> to vector<16xf32>
    %swap3A_1165 = vector.shape_cast %add3A_1159 : vector<16xf32> to vector<1x16xf32>
    tpu.vector_store %arg9[%swap3A_1161, %swap3A_1162], %swap3A_1165 {strides = array<i32>} : memref<2x1024xf32, #tpu.memory_space<vmem>>, vector<1x16xf32>,
    %get3A_1166 = arith.constant 0 : i32
    %get3A_1167 = arith.index_cast %get3A_1166 : i32 to index
    %get3A_1168 = arith.constant 464 : index
    %get3A_1169 = tpu.vector_load %arg7[%get3A_1167, %get3A_1168] {strides = array<i32>} : memref<16x1024xf32, #tpu.memory_space<vmem>>, vector<1x16xf32>,
    %get3A_1170 = vector.shape_cast %get3A_1169 : vector<1x16xf32> to vector<16xf32>
    %mul3A_1171 = arith.mulf %get3A_1170, %sub3A_22 : vector<16xf32>
    %get3A_1172 = arith.constant 1 : i32
    %get3A_1173 = arith.index_cast %get3A_1172 : i32 to index
    %get3A_1174 = arith.constant 464 : index
    %get3A_1175 = tpu.vector_load %arg7[%get3A_1173, %get3A_1174] {strides = array<i32>} : memref<16x1024xf32, #tpu.memory_space<vmem>>, vector<1x16xf32>,
    %get3A_1176 = vector.shape_cast %get3A_1175 : vector<1x16xf32> to vector<16xf32>
    %mul3A_1177 = arith.mulf %get3A_1176, %sub3A : vector<16xf32>
    %add3A_1178 = arith.addf %mul3A_1171, %mul3A_1177 : vector<16xf32>
    %swap3A_1179 = arith.constant 0 : i32
    %swap3A_1180 = arith.index_cast %swap3A_1179 : i32 to index
    %swap3A_1181 = arith.constant 464 : index
    %swap3A_1182 = tpu.vector_load %arg9[%swap3A_1180, %swap3A_1181] {strides = array<i32>} : memref<2x1024xf32, #tpu.memory_space<vmem>>, vector<1x16xf32>,
    %swap3A_1183 = vector.shape_cast %swap3A_1182 : vector<1x16xf32> to vector<16xf32>
    %swap3A_1184 = vector.shape_cast %add3A_1178 : vector<16xf32> to vector<1x16xf32>
    tpu.vector_store %arg9[%swap3A_1180, %swap3A_1181], %swap3A_1184 {strides = array<i32>} : memref<2x1024xf32, #tpu.memory_space<vmem>>, vector<1x16xf32>,
    %get3A_1185 = arith.constant 0 : i32
    %get3A_1186 = arith.index_cast %get3A_1185 : i32 to index
    %get3A_1187 = arith.constant 464 : index
    %get3A_1188 = tpu.vector_load %arg8[%get3A_1186, %get3A_1187] {strides = array<i32>} : memref<16x1024xf32, #tpu.memory_space<vmem>>, vector<1x16xf32>,
    %get3A_1189 = vector.shape_cast %get3A_1188 : vector<1x16xf32> to vector<16xf32>
    %mul3A_1190 = arith.mulf %get3A_1189, %sub3A_22 : vector<16xf32>
    %get3A_1191 = arith.constant 1 : i32
    %get3A_1192 = arith.index_cast %get3A_1191 : i32 to index
    %get3A_1193 = arith.constant 464 : index
    %get3A_1194 = tpu.vector_load %arg8[%get3A_1192, %get3A_1193] {strides = array<i32>} : memref<16x1024xf32, #tpu.memory_space<vmem>>, vector<1x16xf32>,
    %get3A_1195 = vector.shape_cast %get3A_1194 : vector<1x16xf32> to vector<16xf32>
    %mul3A_1196 = arith.mulf %get3A_1195, %sub3A : vector<16xf32>
    %add3A_1197 = arith.addf %mul3A_1190, %mul3A_1196 : vector<16xf32>
    %swap3A_1198 = arith.constant 1 : i32
    %swap3A_1199 = arith.index_cast %swap3A_1198 : i32 to index
    %swap3A_1200 = arith.constant 464 : index
    %swap3A_1201 = tpu.vector_load %arg9[%swap3A_1199, %swap3A_1200] {strides = array<i32>} : memref<2x1024xf32, #tpu.memory_space<vmem>>, vector<1x16xf32>,
    %swap3A_1202 = vector.shape_cast %swap3A_1201 : vector<1x16xf32> to vector<16xf32>
    %swap3A_1203 = vector.shape_cast %add3A_1197 : vector<16xf32> to vector<1x16xf32>
    tpu.vector_store %arg9[%swap3A_1199, %swap3A_1200], %swap3A_1203 {strides = array<i32>} : memref<2x1024xf32, #tpu.memory_space<vmem>>, vector<1x16xf32>,
    %get3A_1204 = arith.constant 0 : i32
    %get3A_1205 = arith.index_cast %get3A_1204 : i32 to index
    %get3A_1206 = arith.constant 480 : index
    %get3A_1207 = tpu.vector_load %arg7[%get3A_1205, %get3A_1206] {strides = array<i32>} : memref<16x1024xf32, #tpu.memory_space<vmem>>, vector<1x16xf32>,
    %get3A_1208 = vector.shape_cast %get3A_1207 : vector<1x16xf32> to vector<16xf32>
    %mul3A_1209 = arith.mulf %get3A_1208, %sub3A_22 : vector<16xf32>
    %get3A_1210 = arith.constant 1 : i32
    %get3A_1211 = arith.index_cast %get3A_1210 : i32 to index
    %get3A_1212 = arith.constant 480 : index
    %get3A_1213 = tpu.vector_load %arg7[%get3A_1211, %get3A_1212] {strides = array<i32>} : memref<16x1024xf32, #tpu.memory_space<vmem>>, vector<1x16xf32>,
    %get3A_1214 = vector.shape_cast %get3A_1213 : vector<1x16xf32> to vector<16xf32>
    %mul3A_1215 = arith.mulf %get3A_1214, %sub3A : vector<16xf32>
    %add3A_1216 = arith.addf %mul3A_1209, %mul3A_1215 : vector<16xf32>
    %swap3A_1217 = arith.constant 0 : i32
    %swap3A_1218 = arith.index_cast %swap3A_1217 : i32 to index
    %swap3A_1219 = arith.constant 480 : index
    %swap3A_1220 = tpu.vector_load %arg9[%swap3A_1218, %swap3A_1219] {strides = array<i32>} : memref<2x1024xf32, #tpu.memory_space<vmem>>, vector<1x16xf32>,
    %swap3A_1221 = vector.shape_cast %swap3A_1220 : vector<1x16xf32> to vector<16xf32>
    %swap3A_1222 = vector.shape_cast %add3A_1216 : vector<16xf32> to vector<1x16xf32>
    tpu.vector_store %arg9[%swap3A_1218, %swap3A_1219], %swap3A_1222 {strides = array<i32>} : memref<2x1024xf32, #tpu.memory_space<vmem>>, vector<1x16xf32>,
    %get3A_1223 = arith.constant 0 : i32
    %get3A_1224 = arith.index_cast %get3A_1223 : i32 to index
    %get3A_1225 = arith.constant 480 : index
    %get3A_1226 = tpu.vector_load %arg8[%get3A_1224, %get3A_1225] {strides = array<i32>} : memref<16x1024xf32, #tpu.memory_space<vmem>>, vector<1x16xf32>,
    %get3A_1227 = vector.shape_cast %get3A_1226 : vector<1x16xf32> to vector<16xf32>
    %mul3A_1228 = arith.mulf %get3A_1227, %sub3A_22 : vector<16xf32>
    %get3A_1229 = arith.constant 1 : i32
    %get3A_1230 = arith.index_cast %get3A_1229 : i32 to index
    %get3A_1231 = arith.constant 480 : index
    %get3A_1232 = tpu.vector_load %arg8[%get3A_1230, %get3A_1231] {strides = array<i32>} : memref<16x1024xf32, #tpu.memory_space<vmem>>, vector<1x16xf32>,
    %get3A_1233 = vector.shape_cast %get3A_1232 : vector<1x16xf32> to vector<16xf32>
    %mul3A_1234 = arith.mulf %get3A_1233, %sub3A : vector<16xf32>
    %add3A_1235 = arith.addf %mul3A_1228, %mul3A_1234 : vector<16xf32>
    %swap3A_1236 = arith.constant 1 : i32
    %swap3A_1237 = arith.index_cast %swap3A_1236 : i32 to index
    %swap3A_1238 = arith.constant 480 : index
    %swap3A_1239 = tpu.vector_load %arg9[%swap3A_1237, %swap3A_1238] {strides = array<i32>} : memref<2x1024xf32, #tpu.memory_space<vmem>>, vector<1x16xf32>,
    %swap3A_1240 = vector.shape_cast %swap3A_1239 : vector<1x16xf32> to vector<16xf32>
    %swap3A_1241 = vector.shape_cast %add3A_1235 : vector<16xf32> to vector<1x16xf32>
    tpu.vector_store %arg9[%swap3A_1237, %swap3A_1238], %swap3A_1241 {strides = array<i32>} : memref<2x1024xf32, #tpu.memory_space<vmem>>, vector<1x16xf32>,
    %get3A_1242 = arith.constant 0 : i32
    %get3A_1243 = arith.index_cast %get3A_1242 : i32 to index
    %get3A_1244 = arith.constant 496 : index
    %get3A_1245 = tpu.vector_load %arg7[%get3A_1243, %get3A_1244] {strides = array<i32>} : memref<16x1024xf32, #tpu.memory_space<vmem>>, vector<1x16xf32>,
    %get3A_1246 = vector.shape_cast %get3A_1245 : vector<1x16xf32> to vector<16xf32>
    %mul3A_1247 = arith.mulf %get3A_1246, %sub3A_22 : vector<16xf32>
    %get3A_1248 = arith.constant 1 : i32
    %get3A_1249 = arith.index_cast %get3A_1248 : i32 to index
    %get3A_1250 = arith.constant 496 : index
    %get3A_1251 = tpu.vector_load %arg7[%get3A_1249, %get3A_1250] {strides = array<i32>} : memref<16x1024xf32, #tpu.memory_space<vmem>>, vector<1x16xf32>,
    %get3A_1252 = vector.shape_cast %get3A_1251 : vector<1x16xf32> to vector<16xf32>
    %mul3A_1253 = arith.mulf %get3A_1252, %sub3A : vector<16xf32>
    %add3A_1254 = arith.addf %mul3A_1247, %mul3A_1253 : vector<16xf32>
    %swap3A_1255 = arith.constant 0 : i32
    %swap3A_1256 = arith.index_cast %swap3A_1255 : i32 to index
    %swap3A_1257 = arith.constant 496 : index
    %swap3A_1258 = tpu.vector_load %arg9[%swap3A_1256, %swap3A_1257] {strides = array<i32>} : memref<2x1024xf32, #tpu.memory_space<vmem>>, vector<1x16xf32>,
    %swap3A_1259 = vector.shape_cast %swap3A_1258 : vector<1x16xf32> to vector<16xf32>
    %swap3A_1260 = vector.shape_cast %add3A_1254 : vector<16xf32> to vector<1x16xf32>
    tpu.vector_store %arg9[%swap3A_1256, %swap3A_1257], %swap3A_1260 {strides = array<i32>} : memref<2x1024xf32, #tpu.memory_space<vmem>>, vector<1x16xf32>,
    %get3A_1261 = arith.constant 0 : i32
    %get3A_1262 = arith.index_cast %get3A_1261 : i32 to index
    %get3A_1263 = arith.constant 496 : index
    %get3A_1264 = tpu.vector_load %arg8[%get3A_1262, %get3A_1263] {strides = array<i32>} : memref<16x1024xf32, #tpu.memory_space<vmem>>, vector<1x16xf32>,
    %get3A_1265 = vector.shape_cast %get3A_1264 : vector<1x16xf32> to vector<16xf32>
    %mul3A_1266 = arith.mulf %get3A_1265, %sub3A_22 : vector<16xf32>
    %get3A_1267 = arith.constant 1 : i32
    %get3A_1268 = arith.index_cast %get3A_1267 : i32 to index
    %get3A_1269 = arith.constant 496 : index
    %get3A_1270 = tpu.vector_load %arg8[%get3A_1268, %get3A_1269] {strides = array<i32>} : memref<16x1024xf32, #tpu.memory_space<vmem>>, vector<1x16xf32>,
    %get3A_1271 = vector.shape_cast %get3A_1270 : vector<1x16xf32> to vector<16xf32>
    %mul3A_1272 = arith.mulf %get3A_1271, %sub3A : vector<16xf32>
    %add3A_1273 = arith.addf %mul3A_1266, %mul3A_1272 : vector<16xf32>
    %swap3A_1274 = arith.constant 1 : i32
    %swap3A_1275 = arith.index_cast %swap3A_1274 : i32 to index
    %swap3A_1276 = arith.constant 496 : index
    %swap3A_1277 = tpu.vector_load %arg9[%swap3A_1275, %swap3A_1276] {strides = array<i32>} : memref<2x1024xf32, #tpu.memory_space<vmem>>, vector<1x16xf32>,
    %swap3A_1278 = vector.shape_cast %swap3A_1277 : vector<1x16xf32> to vector<16xf32>
    %swap3A_1279 = vector.shape_cast %add3A_1273 : vector<16xf32> to vector<1x16xf32>
    tpu.vector_store %arg9[%swap3A_1275, %swap3A_1276], %swap3A_1279 {strides = array<i32>} : memref<2x1024xf32, #tpu.memory_space<vmem>>, vector<1x16xf32>,
    %get3A_1280 = arith.constant 0 : i32
    %get3A_1281 = arith.index_cast %get3A_1280 : i32 to index
    %get3A_1282 = arith.constant 512 : index
    %get3A_1283 = tpu.vector_load %arg7[%get3A_1281, %get3A_1282] {strides = array<i32>} : memref<16x1024xf32, #tpu.memory_space<vmem>>, vector<1x16xf32>,
    %get3A_1284 = vector.shape_cast %get3A_1283 : vector<1x16xf32> to vector<16xf32>
    %mul3A_1285 = arith.mulf %get3A_1284, %sub3A_22 : vector<16xf32>
    %get3A_1286 = arith.constant 1 : i32
    %get3A_1287 = arith.index_cast %get3A_1286 : i32 to index
    %get3A_1288 = arith.constant 512 : index
    %get3A_1289 = tpu.vector_load %arg7[%get3A_1287, %get3A_1288] {strides = array<i32>} : memref<16x1024xf32, #tpu.memory_space<vmem>>, vector<1x16xf32>,
    %get3A_1290 = vector.shape_cast %get3A_1289 : vector<1x16xf32> to vector<16xf32>
    %mul3A_1291 = arith.mulf %get3A_1290, %sub3A : vector<16xf32>
    %add3A_1292 = arith.addf %mul3A_1285, %mul3A_1291 : vector<16xf32>
    %swap3A_1293 = arith.constant 0 : i32
    %swap3A_1294 = arith.index_cast %swap3A_1293 : i32 to index
    %swap3A_1295 = arith.constant 512 : index
    %swap3A_1296 = tpu.vector_load %arg9[%swap3A_1294, %swap3A_1295] {strides = array<i32>} : memref<2x1024xf32, #tpu.memory_space<vmem>>, vector<1x16xf32>,
    %swap3A_1297 = vector.shape_cast %swap3A_1296 : vector<1x16xf32> to vector<16xf32>
    %swap3A_1298 = vector.shape_cast %add3A_1292 : vector<16xf32> to vector<1x16xf32>
    tpu.vector_store %arg9[%swap3A_1294, %swap3A_1295], %swap3A_1298 {strides = array<i32>} : memref<2x1024xf32, #tpu.memory_space<vmem>>, vector<1x16xf32>,
    %get3A_1299 = arith.constant 0 : i32
    %get3A_1300 = arith.index_cast %get3A_1299 : i32 to index
    %get3A_1301 = arith.constant 512 : index
    %get3A_1302 = tpu.vector_load %arg8[%get3A_1300, %get3A_1301] {strides = array<i32>} : memref<16x1024xf32, #tpu.memory_space<vmem>>, vector<1x16xf32>,
    %get3A_1303 = vector.shape_cast %get3A_1302 : vector<1x16xf32> to vector<16xf32>
    %mul3A_1304 = arith.mulf %get3A_1303, %sub3A_22 : vector<16xf32>
    %get3A_1305 = arith.constant 1 : i32
    %get3A_1306 = arith.index_cast %get3A_1305 : i32 to index
    %get3A_1307 = arith.constant 512 : index
    %get3A_1308 = tpu.vector_load %arg8[%get3A_1306, %get3A_1307] {strides = array<i32>} : memref<16x1024xf32, #tpu.memory_space<vmem>>, vector<1x16xf32>,
    %get3A_1309 = vector.shape_cast %get3A_1308 : vector<1x16xf32> to vector<16xf32>
    %mul3A_1310 = arith.mulf %get3A_1309, %sub3A : vector<16xf32>
    %add3A_1311 = arith.addf %mul3A_1304, %mul3A_1310 : vector<16xf32>
    %swap3A_1312 = arith.constant 1 : i32
    %swap3A_1313 = arith.index_cast %swap3A_1312 : i32 to index
    %swap3A_1314 = arith.constant 512 : index
    %swap3A_1315 = tpu.vector_load %arg9[%swap3A_1313, %swap3A_1314] {strides = array<i32>} : memref<2x1024xf32, #tpu.memory_space<vmem>>, vector<1x16xf32>,
    %swap3A_1316 = vector.shape_cast %swap3A_1315 : vector<1x16xf32> to vector<16xf32>
    %swap3A_1317 = vector.shape_cast %add3A_1311 : vector<16xf32> to vector<1x16xf32>
    tpu.vector_store %arg9[%swap3A_1313, %swap3A_1314], %swap3A_1317 {strides = array<i32>} : memref<2x1024xf32, #tpu.memory_space<vmem>>, vector<1x16xf32>,
    %get3A_1318 = arith.constant 0 : i32
    %get3A_1319 = arith.index_cast %get3A_1318 : i32 to index
    %get3A_1320 = arith.constant 528 : index
    %get3A_1321 = tpu.vector_load %arg7[%get3A_1319, %get3A_1320] {strides = array<i32>} : memref<16x1024xf32, #tpu.memory_space<vmem>>, vector<1x16xf32>,
    %get3A_1322 = vector.shape_cast %get3A_1321 : vector<1x16xf32> to vector<16xf32>
    %mul3A_1323 = arith.mulf %get3A_1322, %sub3A_22 : vector<16xf32>
    %get3A_1324 = arith.constant 1 : i32
    %get3A_1325 = arith.index_cast %get3A_1324 : i32 to index
    %get3A_1326 = arith.constant 528 : index
    %get3A_1327 = tpu.vector_load %arg7[%get3A_1325, %get3A_1326] {strides = array<i32>} : memref<16x1024xf32, #tpu.memory_space<vmem>>, vector<1x16xf32>,
    %get3A_1328 = vector.shape_cast %get3A_1327 : vector<1x16xf32> to vector<16xf32>
    %mul3A_1329 = arith.mulf %get3A_1328, %sub3A : vector<16xf32>
    %add3A_1330 = arith.addf %mul3A_1323, %mul3A_1329 : vector<16xf32>
    %swap3A_1331 = arith.constant 0 : i32
    %swap3A_1332 = arith.index_cast %swap3A_1331 : i32 to index
    %swap3A_1333 = arith.constant 528 : index
    %swap3A_1334 = tpu.vector_load %arg9[%swap3A_1332, %swap3A_1333] {strides = array<i32>} : memref<2x1024xf32, #tpu.memory_space<vmem>>, vector<1x16xf32>,
    %swap3A_1335 = vector.shape_cast %swap3A_1334 : vector<1x16xf32> to vector<16xf32>
    %swap3A_1336 = vector.shape_cast %add3A_1330 : vector<16xf32> to vector<1x16xf32>
    tpu.vector_store %arg9[%swap3A_1332, %swap3A_1333], %swap3A_1336 {strides = array<i32>} : memref<2x1024xf32, #tpu.memory_space<vmem>>, vector<1x16xf32>,
    %get3A_1337 = arith.constant 0 : i32
    %get3A_1338 = arith.index_cast %get3A_1337 : i32 to index
    %get3A_1339 = arith.constant 528 : index
    %get3A_1340 = tpu.vector_load %arg8[%get3A_1338, %get3A_1339] {strides = array<i32>} : memref<16x1024xf32, #tpu.memory_space<vmem>>, vector<1x16xf32>,
    %get3A_1341 = vector.shape_cast %get3A_1340 : vector<1x16xf32> to vector<16xf32>
    %mul3A_1342 = arith.mulf %get3A_1341, %sub3A_22 : vector<16xf32>
    %get3A_1343 = arith.constant 1 : i32
    %get3A_1344 = arith.index_cast %get3A_1343 : i32 to index
    %get3A_1345 = arith.constant 528 : index
    %get3A_1346 = tpu.vector_load %arg8[%get3A_1344, %get3A_1345] {strides = array<i32>} : memref<16x1024xf32, #tpu.memory_space<vmem>>, vector<1x16xf32>,
    %get3A_1347 = vector.shape_cast %get3A_1346 : vector<1x16xf32> to vector<16xf32>
    %mul3A_1348 = arith.mulf %get3A_1347, %sub3A : vector<16xf32>
    %add3A_1349 = arith.addf %mul3A_1342, %mul3A_1348 : vector<16xf32>
    %swap3A_1350 = arith.constant 1 : i32
    %swap3A_1351 = arith.index_cast %swap3A_1350 : i32 to index
    %swap3A_1352 = arith.constant 528 : index
    %swap3A_1353 = tpu.vector_load %arg9[%swap3A_1351, %swap3A_1352] {strides = array<i32>} : memref<2x1024xf32, #tpu.memory_space<vmem>>, vector<1x16xf32>,
    %swap3A_1354 = vector.shape_cast %swap3A_1353 : vector<1x16xf32> to vector<16xf32>
    %swap3A_1355 = vector.shape_cast %add3A_1349 : vector<16xf32> to vector<1x16xf32>
    tpu.vector_store %arg9[%swap3A_1351, %swap3A_1352], %swap3A_1355 {strides = array<i32>} : memref<2x1024xf32, #tpu.memory_space<vmem>>, vector<1x16xf32>,
    %get3A_1356 = arith.constant 0 : i32
    %get3A_1357 = arith.index_cast %get3A_1356 : i32 to index
    %get3A_1358 = arith.constant 544 : index
    %get3A_1359 = tpu.vector_load %arg7[%get3A_1357, %get3A_1358] {strides = array<i32>} : memref<16x1024xf32, #tpu.memory_space<vmem>>, vector<1x16xf32>,
    %get3A_1360 = vector.shape_cast %get3A_1359 : vector<1x16xf32> to vector<16xf32>
    %mul3A_1361 = arith.mulf %get3A_1360, %sub3A_22 : vector<16xf32>
    %get3A_1362 = arith.constant 1 : i32
    %get3A_1363 = arith.index_cast %get3A_1362 : i32 to index
    %get3A_1364 = arith.constant 544 : index
    %get3A_1365 = tpu.vector_load %arg7[%get3A_1363, %get3A_1364] {strides = array<i32>} : memref<16x1024xf32, #tpu.memory_space<vmem>>, vector<1x16xf32>,
    %get3A_1366 = vector.shape_cast %get3A_1365 : vector<1x16xf32> to vector<16xf32>
    %mul3A_1367 = arith.mulf %get3A_1366, %sub3A : vector<16xf32>
    %add3A_1368 = arith.addf %mul3A_1361, %mul3A_1367 : vector<16xf32>
    %swap3A_1369 = arith.constant 0 : i32
    %swap3A_1370 = arith.index_cast %swap3A_1369 : i32 to index
    %swap3A_1371 = arith.constant 544 : index
    %swap3A_1372 = tpu.vector_load %arg9[%swap3A_1370, %swap3A_1371] {strides = array<i32>} : memref<2x1024xf32, #tpu.memory_space<vmem>>, vector<1x16xf32>,
    %swap3A_1373 = vector.shape_cast %swap3A_1372 : vector<1x16xf32> to vector<16xf32>
    %swap3A_1374 = vector.shape_cast %add3A_1368 : vector<16xf32> to vector<1x16xf32>
    tpu.vector_store %arg9[%swap3A_1370, %swap3A_1371], %swap3A_1374 {strides = array<i32>} : memref<2x1024xf32, #tpu.memory_space<vmem>>, vector<1x16xf32>,
    %get3A_1375 = arith.constant 0 : i32
    %get3A_1376 = arith.index_cast %get3A_1375 : i32 to index
    %get3A_1377 = arith.constant 544 : index
    %get3A_1378 = tpu.vector_load %arg8[%get3A_1376, %get3A_1377] {strides = array<i32>} : memref<16x1024xf32, #tpu.memory_space<vmem>>, vector<1x16xf32>,
    %get3A_1379 = vector.shape_cast %get3A_1378 : vector<1x16xf32> to vector<16xf32>
    %mul3A_1380 = arith.mulf %get3A_1379, %sub3A_22 : vector<16xf32>
    %get3A_1381 = arith.constant 1 : i32
    %get3A_1382 = arith.index_cast %get3A_1381 : i32 to index
    %get3A_1383 = arith.constant 544 : index
    %get3A_1384 = tpu.vector_load %arg8[%get3A_1382, %get3A_1383] {strides = array<i32>} : memref<16x1024xf32, #tpu.memory_space<vmem>>, vector<1x16xf32>,
    %get3A_1385 = vector.shape_cast %get3A_1384 : vector<1x16xf32> to vector<16xf32>
    %mul3A_1386 = arith.mulf %get3A_1385, %sub3A : vector<16xf32>
    %add3A_1387 = arith.addf %mul3A_1380, %mul3A_1386 : vector<16xf32>
    %swap3A_1388 = arith.constant 1 : i32
    %swap3A_1389 = arith.index_cast %swap3A_1388 : i32 to index
    %swap3A_1390 = arith.constant 544 : index
    %swap3A_1391 = tpu.vector_load %arg9[%swap3A_1389, %swap3A_1390] {strides = array<i32>} : memref<2x1024xf32, #tpu.memory_space<vmem>>, vector<1x16xf32>,
    %swap3A_1392 = vector.shape_cast %swap3A_1391 : vector<1x16xf32> to vector<16xf32>
    %swap3A_1393 = vector.shape_cast %add3A_1387 : vector<16xf32> to vector<1x16xf32>
    tpu.vector_store %arg9[%swap3A_1389, %swap3A_1390], %swap3A_1393 {strides = array<i32>} : memref<2x1024xf32, #tpu.memory_space<vmem>>, vector<1x16xf32>,
    %get3A_1394 = arith.constant 0 : i32
    %get3A_1395 = arith.index_cast %get3A_1394 : i32 to index
    %get3A_1396 = arith.constant 560 : index
    %get3A_1397 = tpu.vector_load %arg7[%get3A_1395, %get3A_1396] {strides = array<i32>} : memref<16x1024xf32, #tpu.memory_space<vmem>>, vector<1x16xf32>,
    %get3A_1398 = vector.shape_cast %get3A_1397 : vector<1x16xf32> to vector<16xf32>
    %mul3A_1399 = arith.mulf %get3A_1398, %sub3A_22 : vector<16xf32>
    %get3A_1400 = arith.constant 1 : i32
    %get3A_1401 = arith.index_cast %get3A_1400 : i32 to index
    %get3A_1402 = arith.constant 560 : index
    %get3A_1403 = tpu.vector_load %arg7[%get3A_1401, %get3A_1402] {strides = array<i32>} : memref<16x1024xf32, #tpu.memory_space<vmem>>, vector<1x16xf32>,
    %get3A_1404 = vector.shape_cast %get3A_1403 : vector<1x16xf32> to vector<16xf32>
    %mul3A_1405 = arith.mulf %get3A_1404, %sub3A : vector<16xf32>
    %add3A_1406 = arith.addf %mul3A_1399, %mul3A_1405 : vector<16xf32>
    %swap3A_1407 = arith.constant 0 : i32
    %swap3A_1408 = arith.index_cast %swap3A_1407 : i32 to index
    %swap3A_1409 = arith.constant 560 : index
    %swap3A_1410 = tpu.vector_load %arg9[%swap3A_1408, %swap3A_1409] {strides = array<i32>} : memref<2x1024xf32, #tpu.memory_space<vmem>>, vector<1x16xf32>,
    %swap3A_1411 = vector.shape_cast %swap3A_1410 : vector<1x16xf32> to vector<16xf32>
    %swap3A_1412 = vector.shape_cast %add3A_1406 : vector<16xf32> to vector<1x16xf32>
    tpu.vector_store %arg9[%swap3A_1408, %swap3A_1409], %swap3A_1412 {strides = array<i32>} : memref<2x1024xf32, #tpu.memory_space<vmem>>, vector<1x16xf32>,
    %get3A_1413 = arith.constant 0 : i32
    %get3A_1414 = arith.index_cast %get3A_1413 : i32 to index
    %get3A_1415 = arith.constant 560 : index
    %get3A_1416 = tpu.vector_load %arg8[%get3A_1414, %get3A_1415] {strides = array<i32>} : memref<16x1024xf32, #tpu.memory_space<vmem>>, vector<1x16xf32>,
    %get3A_1417 = vector.shape_cast %get3A_1416 : vector<1x16xf32> to vector<16xf32>
    %mul3A_1418 = arith.mulf %get3A_1417, %sub3A_22 : vector<16xf32>
    %get3A_1419 = arith.constant 1 : i32
    %get3A_1420 = arith.index_cast %get3A_1419 : i32 to index
    %get3A_1421 = arith.constant 560 : index
    %get3A_1422 = tpu.vector_load %arg8[%get3A_1420, %get3A_1421] {strides = array<i32>} : memref<16x1024xf32, #tpu.memory_space<vmem>>, vector<1x16xf32>,
    %get3A_1423 = vector.shape_cast %get3A_1422 : vector<1x16xf32> to vector<16xf32>
    %mul3A_1424 = arith.mulf %get3A_1423, %sub3A : vector<16xf32>
    %add3A_1425 = arith.addf %mul3A_1418, %mul3A_1424 : vector<16xf32>
    %swap3A_1426 = arith.constant 1 : i32
    %swap3A_1427 = arith.index_cast %swap3A_1426 : i32 to index
    %swap3A_1428 = arith.constant 560 : index
    %swap3A_1429 = tpu.vector_load %arg9[%swap3A_1427, %swap3A_1428] {strides = array<i32>} : memref<2x1024xf32, #tpu.memory_space<vmem>>, vector<1x16xf32>,
    %swap3A_1430 = vector.shape_cast %swap3A_1429 : vector<1x16xf32> to vector<16xf32>
    %swap3A_1431 = vector.shape_cast %add3A_1425 : vector<16xf32> to vector<1x16xf32>
    tpu.vector_store %arg9[%swap3A_1427, %swap3A_1428], %swap3A_1431 {strides = array<i32>} : memref<2x1024xf32, #tpu.memory_space<vmem>>, vector<1x16xf32>,
    %get3A_1432 = arith.constant 0 : i32
    %get3A_1433 = arith.index_cast %get3A_1432 : i32 to index
    %get3A_1434 = arith.constant 576 : index
    %get3A_1435 = tpu.vector_load %arg7[%get3A_1433, %get3A_1434] {strides = array<i32>} : memref<16x1024xf32, #tpu.memory_space<vmem>>, vector<1x16xf32>,
    %get3A_1436 = vector.shape_cast %get3A_1435 : vector<1x16xf32> to vector<16xf32>
    %mul3A_1437 = arith.mulf %get3A_1436, %sub3A_22 : vector<16xf32>
    %get3A_1438 = arith.constant 1 : i32
    %get3A_1439 = arith.index_cast %get3A_1438 : i32 to index
    %get3A_1440 = arith.constant 576 : index
    %get3A_1441 = tpu.vector_load %arg7[%get3A_1439, %get3A_1440] {strides = array<i32>} : memref<16x1024xf32, #tpu.memory_space<vmem>>, vector<1x16xf32>,
    %get3A_1442 = vector.shape_cast %get3A_1441 : vector<1x16xf32> to vector<16xf32>
    %mul3A_1443 = arith.mulf %get3A_1442, %sub3A : vector<16xf32>
    %add3A_1444 = arith.addf %mul3A_1437, %mul3A_1443 : vector<16xf32>
    %swap3A_1445 = arith.constant 0 : i32
    %swap3A_1446 = arith.index_cast %swap3A_1445 : i32 to index
    %swap3A_1447 = arith.constant 576 : index
    %swap3A_1448 = tpu.vector_load %arg9[%swap3A_1446, %swap3A_1447] {strides = array<i32>} : memref<2x1024xf32, #tpu.memory_space<vmem>>, vector<1x16xf32>,
    %swap3A_1449 = vector.shape_cast %swap3A_1448 : vector<1x16xf32> to vector<16xf32>
    %swap3A_1450 = vector.shape_cast %add3A_1444 : vector<16xf32> to vector<1x16xf32>
    tpu.vector_store %arg9[%swap3A_1446, %swap3A_1447], %swap3A_1450 {strides = array<i32>} : memref<2x1024xf32, #tpu.memory_space<vmem>>, vector<1x16xf32>,
    %get3A_1451 = arith.constant 0 : i32
    %get3A_1452 = arith.index_cast %get3A_1451 : i32 to index
    %get3A_1453 = arith.constant 576 : index
    %get3A_1454 = tpu.vector_load %arg8[%get3A_1452, %get3A_1453] {strides = array<i32>} : memref<16x1024xf32, #tpu.memory_space<vmem>>, vector<1x16xf32>,
    %get3A_1455 = vector.shape_cast %get3A_1454 : vector<1x16xf32> to vector<16xf32>
    %mul3A_1456 = arith.mulf %get3A_1455, %sub3A_22 : vector<16xf32>
    %get3A_1457 = arith.constant 1 : i32
    %get3A_1458 = arith.index_cast %get3A_1457 : i32 to index
    %get3A_1459 = arith.constant 576 : index
    %get3A_1460 = tpu.vector_load %arg8[%get3A_1458, %get3A_1459] {strides = array<i32>} : memref<16x1024xf32, #tpu.memory_space<vmem>>, vector<1x16xf32>,
    %get3A_1461 = vector.shape_cast %get3A_1460 : vector<1x16xf32> to vector<16xf32>
    %mul3A_1462 = arith.mulf %get3A_1461, %sub3A : vector<16xf32>
    %add3A_1463 = arith.addf %mul3A_1456, %mul3A_1462 : vector<16xf32>
    %swap3A_1464 = arith.constant 1 : i32
    %swap3A_1465 = arith.index_cast %swap3A_1464 : i32 to index
    %swap3A_1466 = arith.constant 576 : index
    %swap3A_1467 = tpu.vector_load %arg9[%swap3A_1465, %swap3A_1466] {strides = array<i32>} : memref<2x1024xf32, #tpu.memory_space<vmem>>, vector<1x16xf32>,
    %swap3A_1468 = vector.shape_cast %swap3A_1467 : vector<1x16xf32> to vector<16xf32>
    %swap3A_1469 = vector.shape_cast %add3A_1463 : vector<16xf32> to vector<1x16xf32>
    tpu.vector_store %arg9[%swap3A_1465, %swap3A_1466], %swap3A_1469 {strides = array<i32>} : memref<2x1024xf32, #tpu.memory_space<vmem>>, vector<1x16xf32>,
    %get3A_1470 = arith.constant 0 : i32
    %get3A_1471 = arith.index_cast %get3A_1470 : i32 to index
    %get3A_1472 = arith.constant 592 : index
    %get3A_1473 = tpu.vector_load %arg7[%get3A_1471, %get3A_1472] {strides = array<i32>} : memref<16x1024xf32, #tpu.memory_space<vmem>>, vector<1x16xf32>,
    %get3A_1474 = vector.shape_cast %get3A_1473 : vector<1x16xf32> to vector<16xf32>
    %mul3A_1475 = arith.mulf %get3A_1474, %sub3A_22 : vector<16xf32>
    %get3A_1476 = arith.constant 1 : i32
    %get3A_1477 = arith.index_cast %get3A_1476 : i32 to index
    %get3A_1478 = arith.constant 592 : index
    %get3A_1479 = tpu.vector_load %arg7[%get3A_1477, %get3A_1478] {strides = array<i32>} : memref<16x1024xf32, #tpu.memory_space<vmem>>, vector<1x16xf32>,
    %get3A_1480 = vector.shape_cast %get3A_1479 : vector<1x16xf32> to vector<16xf32>
    %mul3A_1481 = arith.mulf %get3A_1480, %sub3A : vector<16xf32>
    %add3A_1482 = arith.addf %mul3A_1475, %mul3A_1481 : vector<16xf32>
    %swap3A_1483 = arith.constant 0 : i32
    %swap3A_1484 = arith.index_cast %swap3A_1483 : i32 to index
    %swap3A_1485 = arith.constant 592 : index
    %swap3A_1486 = tpu.vector_load %arg9[%swap3A_1484, %swap3A_1485] {strides = array<i32>} : memref<2x1024xf32, #tpu.memory_space<vmem>>, vector<1x16xf32>,
    %swap3A_1487 = vector.shape_cast %swap3A_1486 : vector<1x16xf32> to vector<16xf32>
    %swap3A_1488 = vector.shape_cast %add3A_1482 : vector<16xf32> to vector<1x16xf32>
    tpu.vector_store %arg9[%swap3A_1484, %swap3A_1485], %swap3A_1488 {strides = array<i32>} : memref<2x1024xf32, #tpu.memory_space<vmem>>, vector<1x16xf32>,
    %get3A_1489 = arith.constant 0 : i32
    %get3A_1490 = arith.index_cast %get3A_1489 : i32 to index
    %get3A_1491 = arith.constant 592 : index
    %get3A_1492 = tpu.vector_load %arg8[%get3A_1490, %get3A_1491] {strides = array<i32>} : memref<16x1024xf32, #tpu.memory_space<vmem>>, vector<1x16xf32>,
    %get3A_1493 = vector.shape_cast %get3A_1492 : vector<1x16xf32> to vector<16xf32>
    %mul3A_1494 = arith.mulf %get3A_1493, %sub3A_22 : vector<16xf32>
    %get3A_1495 = arith.constant 1 : i32
    %get3A_1496 = arith.index_cast %get3A_1495 : i32 to index
    %get3A_1497 = arith.constant 592 : index
    %get3A_1498 = tpu.vector_load %arg8[%get3A_1496, %get3A_1497] {strides = array<i32>} : memref<16x1024xf32, #tpu.memory_space<vmem>>, vector<1x16xf32>,
    %get3A_1499 = vector.shape_cast %get3A_1498 : vector<1x16xf32> to vector<16xf32>
    %mul3A_1500 = arith.mulf %get3A_1499, %sub3A : vector<16xf32>
    %add3A_1501 = arith.addf %mul3A_1494, %mul3A_1500 : vector<16xf32>
    %swap3A_1502 = arith.constant 1 : i32
    %swap3A_1503 = arith.index_cast %swap3A_1502 : i32 to index
    %swap3A_1504 = arith.constant 592 : index
    %swap3A_1505 = tpu.vector_load %arg9[%swap3A_1503, %swap3A_1504] {strides = array<i32>} : memref<2x1024xf32, #tpu.memory_space<vmem>>, vector<1x16xf32>,
    %swap3A_1506 = vector.shape_cast %swap3A_1505 : vector<1x16xf32> to vector<16xf32>
    %swap3A_1507 = vector.shape_cast %add3A_1501 : vector<16xf32> to vector<1x16xf32>
    tpu.vector_store %arg9[%swap3A_1503, %swap3A_1504], %swap3A_1507 {strides = array<i32>} : memref<2x1024xf32, #tpu.memory_space<vmem>>, vector<1x16xf32>,
    %get3A_1508 = arith.constant 0 : i32
    %get3A_1509 = arith.index_cast %get3A_1508 : i32 to index
    %get3A_1510 = arith.constant 608 : index
    %get3A_1511 = tpu.vector_load %arg7[%get3A_1509, %get3A_1510] {strides = array<i32>} : memref<16x1024xf32, #tpu.memory_space<vmem>>, vector<1x16xf32>,
    %get3A_1512 = vector.shape_cast %get3A_1511 : vector<1x16xf32> to vector<16xf32>
    %mul3A_1513 = arith.mulf %get3A_1512, %sub3A_22 : vector<16xf32>
    %get3A_1514 = arith.constant 1 : i32
    %get3A_1515 = arith.index_cast %get3A_1514 : i32 to index
    %get3A_1516 = arith.constant 608 : index
    %get3A_1517 = tpu.vector_load %arg7[%get3A_1515, %get3A_1516] {strides = array<i32>} : memref<16x1024xf32, #tpu.memory_space<vmem>>, vector<1x16xf32>,
    %get3A_1518 = vector.shape_cast %get3A_1517 : vector<1x16xf32> to vector<16xf32>
    %mul3A_1519 = arith.mulf %get3A_1518, %sub3A : vector<16xf32>
    %add3A_1520 = arith.addf %mul3A_1513, %mul3A_1519 : vector<16xf32>
    %swap3A_1521 = arith.constant 0 : i32
    %swap3A_1522 = arith.index_cast %swap3A_1521 : i32 to index
    %swap3A_1523 = arith.constant 608 : index
    %swap3A_1524 = tpu.vector_load %arg9[%swap3A_1522, %swap3A_1523] {strides = array<i32>} : memref<2x1024xf32, #tpu.memory_space<vmem>>, vector<1x16xf32>,
    %swap3A_1525 = vector.shape_cast %swap3A_1524 : vector<1x16xf32> to vector<16xf32>
    %swap3A_1526 = vector.shape_cast %add3A_1520 : vector<16xf32> to vector<1x16xf32>
    tpu.vector_store %arg9[%swap3A_1522, %swap3A_1523], %swap3A_1526 {strides = array<i32>} : memref<2x1024xf32, #tpu.memory_space<vmem>>, vector<1x16xf32>,
    %get3A_1527 = arith.constant 0 : i32
    %get3A_1528 = arith.index_cast %get3A_1527 : i32 to index
    %get3A_1529 = arith.constant 608 : index
    %get3A_1530 = tpu.vector_load %arg8[%get3A_1528, %get3A_1529] {strides = array<i32>} : memref<16x1024xf32, #tpu.memory_space<vmem>>, vector<1x16xf32>,
    %get3A_1531 = vector.shape_cast %get3A_1530 : vector<1x16xf32> to vector<16xf32>
    %mul3A_1532 = arith.mulf %get3A_1531, %sub3A_22 : vector<16xf32>
    %get3A_1533 = arith.constant 1 : i32
    %get3A_1534 = arith.index_cast %get3A_1533 : i32 to index
    %get3A_1535 = arith.constant 608 : index
    %get3A_1536 = tpu.vector_load %arg8[%get3A_1534, %get3A_1535] {strides = array<i32>} : memref<16x1024xf32, #tpu.memory_space<vmem>>, vector<1x16xf32>,
    %get3A_1537 = vector.shape_cast %get3A_1536 : vector<1x16xf32> to vector<16xf32>
    %mul3A_1538 = arith.mulf %get3A_1537, %sub3A : vector<16xf32>
    %add3A_1539 = arith.addf %mul3A_1532, %mul3A_1538 : vector<16xf32>
    %swap3A_1540 = arith.constant 1 : i32
    %swap3A_1541 = arith.index_cast %swap3A_1540 : i32 to index
    %swap3A_1542 = arith.constant 608 : index
    %swap3A_1543 = tpu.vector_load %arg9[%swap3A_1541, %swap3A_1542] {strides = array<i32>} : memref<2x1024xf32, #tpu.memory_space<vmem>>, vector<1x16xf32>,
    %swap3A_1544 = vector.shape_cast %swap3A_1543 : vector<1x16xf32> to vector<16xf32>
    %swap3A_1545 = vector.shape_cast %add3A_1539 : vector<16xf32> to vector<1x16xf32>
    tpu.vector_store %arg9[%swap3A_1541, %swap3A_1542], %swap3A_1545 {strides = array<i32>} : memref<2x1024xf32, #tpu.memory_space<vmem>>, vector<1x16xf32>,
    %get3A_1546 = arith.constant 0 : i32
    %get3A_1547 = arith.index_cast %get3A_1546 : i32 to index
    %get3A_1548 = arith.constant 624 : index
    %get3A_1549 = tpu.vector_load %arg7[%get3A_1547, %get3A_1548] {strides = array<i32>} : memref<16x1024xf32, #tpu.memory_space<vmem>>, vector<1x16xf32>,
    %get3A_1550 = vector.shape_cast %get3A_1549 : vector<1x16xf32> to vector<16xf32>
    %mul3A_1551 = arith.mulf %get3A_1550, %sub3A_22 : vector<16xf32>
    %get3A_1552 = arith.constant 1 : i32
    %get3A_1553 = arith.index_cast %get3A_1552 : i32 to index
    %get3A_1554 = arith.constant 624 : index
    %get3A_1555 = tpu.vector_load %arg7[%get3A_1553, %get3A_1554] {strides = array<i32>} : memref<16x1024xf32, #tpu.memory_space<vmem>>, vector<1x16xf32>,
    %get3A_1556 = vector.shape_cast %get3A_1555 : vector<1x16xf32> to vector<16xf32>
    %mul3A_1557 = arith.mulf %get3A_1556, %sub3A : vector<16xf32>
    %add3A_1558 = arith.addf %mul3A_1551, %mul3A_1557 : vector<16xf32>
    %swap3A_1559 = arith.constant 0 : i32
    %swap3A_1560 = arith.index_cast %swap3A_1559 : i32 to index
    %swap3A_1561 = arith.constant 624 : index
    %swap3A_1562 = tpu.vector_load %arg9[%swap3A_1560, %swap3A_1561] {strides = array<i32>} : memref<2x1024xf32, #tpu.memory_space<vmem>>, vector<1x16xf32>,
    %swap3A_1563 = vector.shape_cast %swap3A_1562 : vector<1x16xf32> to vector<16xf32>
    %swap3A_1564 = vector.shape_cast %add3A_1558 : vector<16xf32> to vector<1x16xf32>
    tpu.vector_store %arg9[%swap3A_1560, %swap3A_1561], %swap3A_1564 {strides = array<i32>} : memref<2x1024xf32, #tpu.memory_space<vmem>>, vector<1x16xf32>,
    %get3A_1565 = arith.constant 0 : i32
    %get3A_1566 = arith.index_cast %get3A_1565 : i32 to index
    %get3A_1567 = arith.constant 624 : index
    %get3A_1568 = tpu.vector_load %arg8[%get3A_1566, %get3A_1567] {strides = array<i32>} : memref<16x1024xf32, #tpu.memory_space<vmem>>, vector<1x16xf32>,
    %get3A_1569 = vector.shape_cast %get3A_1568 : vector<1x16xf32> to vector<16xf32>
    %mul3A_1570 = arith.mulf %get3A_1569, %sub3A_22 : vector<16xf32>
    %get3A_1571 = arith.constant 1 : i32
    %get3A_1572 = arith.index_cast %get3A_1571 : i32 to index
    %get3A_1573 = arith.constant 624 : index
    %get3A_1574 = tpu.vector_load %arg8[%get3A_1572, %get3A_1573] {strides = array<i32>} : memref<16x1024xf32, #tpu.memory_space<vmem>>, vector<1x16xf32>,
    %get3A_1575 = vector.shape_cast %get3A_1574 : vector<1x16xf32> to vector<16xf32>
    %mul3A_1576 = arith.mulf %get3A_1575, %sub3A : vector<16xf32>
    %add3A_1577 = arith.addf %mul3A_1570, %mul3A_1576 : vector<16xf32>
    %swap3A_1578 = arith.constant 1 : i32
    %swap3A_1579 = arith.index_cast %swap3A_1578 : i32 to index
    %swap3A_1580 = arith.constant 624 : index
    %swap3A_1581 = tpu.vector_load %arg9[%swap3A_1579, %swap3A_1580] {strides = array<i32>} : memref<2x1024xf32, #tpu.memory_space<vmem>>, vector<1x16xf32>,
    %swap3A_1582 = vector.shape_cast %swap3A_1581 : vector<1x16xf32> to vector<16xf32>
    %swap3A_1583 = vector.shape_cast %add3A_1577 : vector<16xf32> to vector<1x16xf32>
    tpu.vector_store %arg9[%swap3A_1579, %swap3A_1580], %swap3A_1583 {strides = array<i32>} : memref<2x1024xf32, #tpu.memory_space<vmem>>, vector<1x16xf32>,
    %get3A_1584 = arith.constant 0 : i32
    %get3A_1585 = arith.index_cast %get3A_1584 : i32 to index
    %get3A_1586 = arith.constant 640 : index
    %get3A_1587 = tpu.vector_load %arg7[%get3A_1585, %get3A_1586] {strides = array<i32>} : memref<16x1024xf32, #tpu.memory_space<vmem>>, vector<1x16xf32>,
    %get3A_1588 = vector.shape_cast %get3A_1587 : vector<1x16xf32> to vector<16xf32>
    %mul3A_1589 = arith.mulf %get3A_1588, %sub3A_22 : vector<16xf32>
    %get3A_1590 = arith.constant 1 : i32
    %get3A_1591 = arith.index_cast %get3A_1590 : i32 to index
    %get3A_1592 = arith.constant 640 : index
    %get3A_1593 = tpu.vector_load %arg7[%get3A_1591, %get3A_1592] {strides = array<i32>} : memref<16x1024xf32, #tpu.memory_space<vmem>>, vector<1x16xf32>,
    %get3A_1594 = vector.shape_cast %get3A_1593 : vector<1x16xf32> to vector<16xf32>
    %mul3A_1595 = arith.mulf %get3A_1594, %sub3A : vector<16xf32>
    %add3A_1596 = arith.addf %mul3A_1589, %mul3A_1595 : vector<16xf32>
    %swap3A_1597 = arith.constant 0 : i32
    %swap3A_1598 = arith.index_cast %swap3A_1597 : i32 to index
    %swap3A_1599 = arith.constant 640 : index
    %swap3A_1600 = tpu.vector_load %arg9[%swap3A_1598, %swap3A_1599] {strides = array<i32>} : memref<2x1024xf32, #tpu.memory_space<vmem>>, vector<1x16xf32>,
    %swap3A_1601 = vector.shape_cast %swap3A_1600 : vector<1x16xf32> to vector<16xf32>
    %swap3A_1602 = vector.shape_cast %add3A_1596 : vector<16xf32> to vector<1x16xf32>
    tpu.vector_store %arg9[%swap3A_1598, %swap3A_1599], %swap3A_1602 {strides = array<i32>} : memref<2x1024xf32, #tpu.memory_space<vmem>>, vector<1x16xf32>,
    %get3A_1603 = arith.constant 0 : i32
    %get3A_1604 = arith.index_cast %get3A_1603 : i32 to index
    %get3A_1605 = arith.constant 640 : index
    %get3A_1606 = tpu.vector_load %arg8[%get3A_1604, %get3A_1605] {strides = array<i32>} : memref<16x1024xf32, #tpu.memory_space<vmem>>, vector<1x16xf32>,
    %get3A_1607 = vector.shape_cast %get3A_1606 : vector<1x16xf32> to vector<16xf32>
    %mul3A_1608 = arith.mulf %get3A_1607, %sub3A_22 : vector<16xf32>
    %get3A_1609 = arith.constant 1 : i32
    %get3A_1610 = arith.index_cast %get3A_1609 : i32 to index
    %get3A_1611 = arith.constant 640 : index
    %get3A_1612 = tpu.vector_load %arg8[%get3A_1610, %get3A_1611] {strides = array<i32>} : memref<16x1024xf32, #tpu.memory_space<vmem>>, vector<1x16xf32>,
    %get3A_1613 = vector.shape_cast %get3A_1612 : vector<1x16xf32> to vector<16xf32>
    %mul3A_1614 = arith.mulf %get3A_1613, %sub3A : vector<16xf32>
    %add3A_1615 = arith.addf %mul3A_1608, %mul3A_1614 : vector<16xf32>
    %swap3A_1616 = arith.constant 1 : i32
    %swap3A_1617 = arith.index_cast %swap3A_1616 : i32 to index
    %swap3A_1618 = arith.constant 640 : index
    %swap3A_1619 = tpu.vector_load %arg9[%swap3A_1617, %swap3A_1618] {strides = array<i32>} : memref<2x1024xf32, #tpu.memory_space<vmem>>, vector<1x16xf32>,
    %swap3A_1620 = vector.shape_cast %swap3A_1619 : vector<1x16xf32> to vector<16xf32>
    %swap3A_1621 = vector.shape_cast %add3A_1615 : vector<16xf32> to vector<1x16xf32>
    tpu.vector_store %arg9[%swap3A_1617, %swap3A_1618], %swap3A_1621 {strides = array<i32>} : memref<2x1024xf32, #tpu.memory_space<vmem>>, vector<1x16xf32>,
    %get3A_1622 = arith.constant 0 : i32
    %get3A_1623 = arith.index_cast %get3A_1622 : i32 to index
    %get3A_1624 = arith.constant 656 : index
    %get3A_1625 = tpu.vector_load %arg7[%get3A_1623, %get3A_1624] {strides = array<i32>} : memref<16x1024xf32, #tpu.memory_space<vmem>>, vector<1x16xf32>,
    %get3A_1626 = vector.shape_cast %get3A_1625 : vector<1x16xf32> to vector<16xf32>
    %mul3A_1627 = arith.mulf %get3A_1626, %sub3A_22 : vector<16xf32>
    %get3A_1628 = arith.constant 1 : i32
    %get3A_1629 = arith.index_cast %get3A_1628 : i32 to index
    %get3A_1630 = arith.constant 656 : index
    %get3A_1631 = tpu.vector_load %arg7[%get3A_1629, %get3A_1630] {strides = array<i32>} : memref<16x1024xf32, #tpu.memory_space<vmem>>, vector<1x16xf32>,
    %get3A_1632 = vector.shape_cast %get3A_1631 : vector<1x16xf32> to vector<16xf32>
    %mul3A_1633 = arith.mulf %get3A_1632, %sub3A : vector<16xf32>
    %add3A_1634 = arith.addf %mul3A_1627, %mul3A_1633 : vector<16xf32>
    %swap3A_1635 = arith.constant 0 : i32
    %swap3A_1636 = arith.index_cast %swap3A_1635 : i32 to index
    %swap3A_1637 = arith.constant 656 : index
    %swap3A_1638 = tpu.vector_load %arg9[%swap3A_1636, %swap3A_1637] {strides = array<i32>} : memref<2x1024xf32, #tpu.memory_space<vmem>>, vector<1x16xf32>,
    %swap3A_1639 = vector.shape_cast %swap3A_1638 : vector<1x16xf32> to vector<16xf32>
    %swap3A_1640 = vector.shape_cast %add3A_1634 : vector<16xf32> to vector<1x16xf32>
    tpu.vector_store %arg9[%swap3A_1636, %swap3A_1637], %swap3A_1640 {strides = array<i32>} : memref<2x1024xf32, #tpu.memory_space<vmem>>, vector<1x16xf32>,
    %get3A_1641 = arith.constant 0 : i32
    %get3A_1642 = arith.index_cast %get3A_1641 : i32 to index
    %get3A_1643 = arith.constant 656 : index
    %get3A_1644 = tpu.vector_load %arg8[%get3A_1642, %get3A_1643] {strides = array<i32>} : memref<16x1024xf32, #tpu.memory_space<vmem>>, vector<1x16xf32>,
    %get3A_1645 = vector.shape_cast %get3A_1644 : vector<1x16xf32> to vector<16xf32>
    %mul3A_1646 = arith.mulf %get3A_1645, %sub3A_22 : vector<16xf32>
    %get3A_1647 = arith.constant 1 : i32
    %get3A_1648 = arith.index_cast %get3A_1647 : i32 to index
    %get3A_1649 = arith.constant 656 : index
    %get3A_1650 = tpu.vector_load %arg8[%get3A_1648, %get3A_1649] {strides = array<i32>} : memref<16x1024xf32, #tpu.memory_space<vmem>>, vector<1x16xf32>,
    %get3A_1651 = vector.shape_cast %get3A_1650 : vector<1x16xf32> to vector<16xf32>
    %mul3A_1652 = arith.mulf %get3A_1651, %sub3A : vector<16xf32>
    %add3A_1653 = arith.addf %mul3A_1646, %mul3A_1652 : vector<16xf32>
    %swap3A_1654 = arith.constant 1 : i32
    %swap3A_1655 = arith.index_cast %swap3A_1654 : i32 to index
    %swap3A_1656 = arith.constant 656 : index
    %swap3A_1657 = tpu.vector_load %arg9[%swap3A_1655, %swap3A_1656] {strides = array<i32>} : memref<2x1024xf32, #tpu.memory_space<vmem>>, vector<1x16xf32>,
    %swap3A_1658 = vector.shape_cast %swap3A_1657 : vector<1x16xf32> to vector<16xf32>
    %swap3A_1659 = vector.shape_cast %add3A_1653 : vector<16xf32> to vector<1x16xf32>
    tpu.vector_store %arg9[%swap3A_1655, %swap3A_1656], %swap3A_1659 {strides = array<i32>} : memref<2x1024xf32, #tpu.memory_space<vmem>>, vector<1x16xf32>,
    %get3A_1660 = arith.constant 0 : i32
    %get3A_1661 = arith.index_cast %get3A_1660 : i32 to index
    %get3A_1662 = arith.constant 672 : index
    %get3A_1663 = tpu.vector_load %arg7[%get3A_1661, %get3A_1662] {strides = array<i32>} : memref<16x1024xf32, #tpu.memory_space<vmem>>, vector<1x16xf32>,
    %get3A_1664 = vector.shape_cast %get3A_1663 : vector<1x16xf32> to vector<16xf32>
    %mul3A_1665 = arith.mulf %get3A_1664, %sub3A_22 : vector<16xf32>
    %get3A_1666 = arith.constant 1 : i32
    %get3A_1667 = arith.index_cast %get3A_1666 : i32 to index
    %get3A_1668 = arith.constant 672 : index
    %get3A_1669 = tpu.vector_load %arg7[%get3A_1667, %get3A_1668] {strides = array<i32>} : memref<16x1024xf32, #tpu.memory_space<vmem>>, vector<1x16xf32>,
    %get3A_1670 = vector.shape_cast %get3A_1669 : vector<1x16xf32> to vector<16xf32>
    %mul3A_1671 = arith.mulf %get3A_1670, %sub3A : vector<16xf32>
    %add3A_1672 = arith.addf %mul3A_1665, %mul3A_1671 : vector<16xf32>
    %swap3A_1673 = arith.constant 0 : i32
    %swap3A_1674 = arith.index_cast %swap3A_1673 : i32 to index
    %swap3A_1675 = arith.constant 672 : index
    %swap3A_1676 = tpu.vector_load %arg9[%swap3A_1674, %swap3A_1675] {strides = array<i32>} : memref<2x1024xf32, #tpu.memory_space<vmem>>, vector<1x16xf32>,
    %swap3A_1677 = vector.shape_cast %swap3A_1676 : vector<1x16xf32> to vector<16xf32>
    %swap3A_1678 = vector.shape_cast %add3A_1672 : vector<16xf32> to vector<1x16xf32>
    tpu.vector_store %arg9[%swap3A_1674, %swap3A_1675], %swap3A_1678 {strides = array<i32>} : memref<2x1024xf32, #tpu.memory_space<vmem>>, vector<1x16xf32>,
    %get3A_1679 = arith.constant 0 : i32
    %get3A_1680 = arith.index_cast %get3A_1679 : i32 to index
    %get3A_1681 = arith.constant 672 : index
    %get3A_1682 = tpu.vector_load %arg8[%get3A_1680, %get3A_1681] {strides = array<i32>} : memref<16x1024xf32, #tpu.memory_space<vmem>>, vector<1x16xf32>,
    %get3A_1683 = vector.shape_cast %get3A_1682 : vector<1x16xf32> to vector<16xf32>
    %mul3A_1684 = arith.mulf %get3A_1683, %sub3A_22 : vector<16xf32>
    %get3A_1685 = arith.constant 1 : i32
    %get3A_1686 = arith.index_cast %get3A_1685 : i32 to index
    %get3A_1687 = arith.constant 672 : index
    %get3A_1688 = tpu.vector_load %arg8[%get3A_1686, %get3A_1687] {strides = array<i32>} : memref<16x1024xf32, #tpu.memory_space<vmem>>, vector<1x16xf32>,
    %get3A_1689 = vector.shape_cast %get3A_1688 : vector<1x16xf32> to vector<16xf32>
    %mul3A_1690 = arith.mulf %get3A_1689, %sub3A : vector<16xf32>
    %add3A_1691 = arith.addf %mul3A_1684, %mul3A_1690 : vector<16xf32>
    %swap3A_1692 = arith.constant 1 : i32
    %swap3A_1693 = arith.index_cast %swap3A_1692 : i32 to index
    %swap3A_1694 = arith.constant 672 : index
    %swap3A_1695 = tpu.vector_load %arg9[%swap3A_1693, %swap3A_1694] {strides = array<i32>} : memref<2x1024xf32, #tpu.memory_space<vmem>>, vector<1x16xf32>,
    %swap3A_1696 = vector.shape_cast %swap3A_1695 : vector<1x16xf32> to vector<16xf32>
    %swap3A_1697 = vector.shape_cast %add3A_1691 : vector<16xf32> to vector<1x16xf32>
    tpu.vector_store %arg9[%swap3A_1693, %swap3A_1694], %swap3A_1697 {strides = array<i32>} : memref<2x1024xf32, #tpu.memory_space<vmem>>, vector<1x16xf32>,
    %get3A_1698 = arith.constant 0 : i32
    %get3A_1699 = arith.index_cast %get3A_1698 : i32 to index
    %get3A_1700 = arith.constant 688 : index
    %get3A_1701 = tpu.vector_load %arg7[%get3A_1699, %get3A_1700] {strides = array<i32>} : memref<16x1024xf32, #tpu.memory_space<vmem>>, vector<1x16xf32>,
    %get3A_1702 = vector.shape_cast %get3A_1701 : vector<1x16xf32> to vector<16xf32>
    %mul3A_1703 = arith.mulf %get3A_1702, %sub3A_22 : vector<16xf32>
    %get3A_1704 = arith.constant 1 : i32
    %get3A_1705 = arith.index_cast %get3A_1704 : i32 to index
    %get3A_1706 = arith.constant 688 : index
    %get3A_1707 = tpu.vector_load %arg7[%get3A_1705, %get3A_1706] {strides = array<i32>} : memref<16x1024xf32, #tpu.memory_space<vmem>>, vector<1x16xf32>,
    %get3A_1708 = vector.shape_cast %get3A_1707 : vector<1x16xf32> to vector<16xf32>
    %mul3A_1709 = arith.mulf %get3A_1708, %sub3A : vector<16xf32>
    %add3A_1710 = arith.addf %mul3A_1703, %mul3A_1709 : vector<16xf32>
    %swap3A_1711 = arith.constant 0 : i32
    %swap3A_1712 = arith.index_cast %swap3A_1711 : i32 to index
    %swap3A_1713 = arith.constant 688 : index
    %swap3A_1714 = tpu.vector_load %arg9[%swap3A_1712, %swap3A_1713] {strides = array<i32>} : memref<2x1024xf32, #tpu.memory_space<vmem>>, vector<1x16xf32>,
    %swap3A_1715 = vector.shape_cast %swap3A_1714 : vector<1x16xf32> to vector<16xf32>
    %swap3A_1716 = vector.shape_cast %add3A_1710 : vector<16xf32> to vector<1x16xf32>
    tpu.vector_store %arg9[%swap3A_1712, %swap3A_1713], %swap3A_1716 {strides = array<i32>} : memref<2x1024xf32, #tpu.memory_space<vmem>>, vector<1x16xf32>,
    %get3A_1717 = arith.constant 0 : i32
    %get3A_1718 = arith.index_cast %get3A_1717 : i32 to index
    %get3A_1719 = arith.constant 688 : index
    %get3A_1720 = tpu.vector_load %arg8[%get3A_1718, %get3A_1719] {strides = array<i32>} : memref<16x1024xf32, #tpu.memory_space<vmem>>, vector<1x16xf32>,
    %get3A_1721 = vector.shape_cast %get3A_1720 : vector<1x16xf32> to vector<16xf32>
    %mul3A_1722 = arith.mulf %get3A_1721, %sub3A_22 : vector<16xf32>
    %get3A_1723 = arith.constant 1 : i32
    %get3A_1724 = arith.index_cast %get3A_1723 : i32 to index
    %get3A_1725 = arith.constant 688 : index
    %get3A_1726 = tpu.vector_load %arg8[%get3A_1724, %get3A_1725] {strides = array<i32>} : memref<16x1024xf32, #tpu.memory_space<vmem>>, vector<1x16xf32>,
    %get3A_1727 = vector.shape_cast %get3A_1726 : vector<1x16xf32> to vector<16xf32>
    %mul3A_1728 = arith.mulf %get3A_1727, %sub3A : vector<16xf32>
    %add3A_1729 = arith.addf %mul3A_1722, %mul3A_1728 : vector<16xf32>
    %swap3A_1730 = arith.constant 1 : i32
    %swap3A_1731 = arith.index_cast %swap3A_1730 : i32 to index
    %swap3A_1732 = arith.constant 688 : index
    %swap3A_1733 = tpu.vector_load %arg9[%swap3A_1731, %swap3A_1732] {strides = array<i32>} : memref<2x1024xf32, #tpu.memory_space<vmem>>, vector<1x16xf32>,
    %swap3A_1734 = vector.shape_cast %swap3A_1733 : vector<1x16xf32> to vector<16xf32>
    %swap3A_1735 = vector.shape_cast %add3A_1729 : vector<16xf32> to vector<1x16xf32>
    tpu.vector_store %arg9[%swap3A_1731, %swap3A_1732], %swap3A_1735 {strides = array<i32>} : memref<2x1024xf32, #tpu.memory_space<vmem>>, vector<1x16xf32>,
    %get3A_1736 = arith.constant 0 : i32
    %get3A_1737 = arith.index_cast %get3A_1736 : i32 to index
    %get3A_1738 = arith.constant 704 : index
    %get3A_1739 = tpu.vector_load %arg7[%get3A_1737, %get3A_1738] {strides = array<i32>} : memref<16x1024xf32, #tpu.memory_space<vmem>>, vector<1x16xf32>,
    %get3A_1740 = vector.shape_cast %get3A_1739 : vector<1x16xf32> to vector<16xf32>
    %mul3A_1741 = arith.mulf %get3A_1740, %sub3A_22 : vector<16xf32>
    %get3A_1742 = arith.constant 1 : i32
    %get3A_1743 = arith.index_cast %get3A_1742 : i32 to index
    %get3A_1744 = arith.constant 704 : index
    %get3A_1745 = tpu.vector_load %arg7[%get3A_1743, %get3A_1744] {strides = array<i32>} : memref<16x1024xf32, #tpu.memory_space<vmem>>, vector<1x16xf32>,
    %get3A_1746 = vector.shape_cast %get3A_1745 : vector<1x16xf32> to vector<16xf32>
    %mul3A_1747 = arith.mulf %get3A_1746, %sub3A : vector<16xf32>
    %add3A_1748 = arith.addf %mul3A_1741, %mul3A_1747 : vector<16xf32>
    %swap3A_1749 = arith.constant 0 : i32
    %swap3A_1750 = arith.index_cast %swap3A_1749 : i32 to index
    %swap3A_1751 = arith.constant 704 : index
    %swap3A_1752 = tpu.vector_load %arg9[%swap3A_1750, %swap3A_1751] {strides = array<i32>} : memref<2x1024xf32, #tpu.memory_space<vmem>>, vector<1x16xf32>,
    %swap3A_1753 = vector.shape_cast %swap3A_1752 : vector<1x16xf32> to vector<16xf32>
    %swap3A_1754 = vector.shape_cast %add3A_1748 : vector<16xf32> to vector<1x16xf32>
    tpu.vector_store %arg9[%swap3A_1750, %swap3A_1751], %swap3A_1754 {strides = array<i32>} : memref<2x1024xf32, #tpu.memory_space<vmem>>, vector<1x16xf32>,
    %get3A_1755 = arith.constant 0 : i32
    %get3A_1756 = arith.index_cast %get3A_1755 : i32 to index
    %get3A_1757 = arith.constant 704 : index
    %get3A_1758 = tpu.vector_load %arg8[%get3A_1756, %get3A_1757] {strides = array<i32>} : memref<16x1024xf32, #tpu.memory_space<vmem>>, vector<1x16xf32>,
    %get3A_1759 = vector.shape_cast %get3A_1758 : vector<1x16xf32> to vector<16xf32>
    %mul3A_1760 = arith.mulf %get3A_1759, %sub3A_22 : vector<16xf32>
    %get3A_1761 = arith.constant 1 : i32
    %get3A_1762 = arith.index_cast %get3A_1761 : i32 to index
    %get3A_1763 = arith.constant 704 : index
    %get3A_1764 = tpu.vector_load %arg8[%get3A_1762, %get3A_1763] {strides = array<i32>} : memref<16x1024xf32, #tpu.memory_space<vmem>>, vector<1x16xf32>,
    %get3A_1765 = vector.shape_cast %get3A_1764 : vector<1x16xf32> to vector<16xf32>
    %mul3A_1766 = arith.mulf %get3A_1765, %sub3A : vector<16xf32>
    %add3A_1767 = arith.addf %mul3A_1760, %mul3A_1766 : vector<16xf32>
    %swap3A_1768 = arith.constant 1 : i32
    %swap3A_1769 = arith.index_cast %swap3A_1768 : i32 to index
    %swap3A_1770 = arith.constant 704 : index
    %swap3A_1771 = tpu.vector_load %arg9[%swap3A_1769, %swap3A_1770] {strides = array<i32>} : memref<2x1024xf32, #tpu.memory_space<vmem>>, vector<1x16xf32>,
    %swap3A_1772 = vector.shape_cast %swap3A_1771 : vector<1x16xf32> to vector<16xf32>
    %swap3A_1773 = vector.shape_cast %add3A_1767 : vector<16xf32> to vector<1x16xf32>
    tpu.vector_store %arg9[%swap3A_1769, %swap3A_1770], %swap3A_1773 {strides = array<i32>} : memref<2x1024xf32, #tpu.memory_space<vmem>>, vector<1x16xf32>,
    %get3A_1774 = arith.constant 0 : i32
    %get3A_1775 = arith.index_cast %get3A_1774 : i32 to index
    %get3A_1776 = arith.constant 720 : index
    %get3A_1777 = tpu.vector_load %arg7[%get3A_1775, %get3A_1776] {strides = array<i32>} : memref<16x1024xf32, #tpu.memory_space<vmem>>, vector<1x16xf32>,
    %get3A_1778 = vector.shape_cast %get3A_1777 : vector<1x16xf32> to vector<16xf32>
    %mul3A_1779 = arith.mulf %get3A_1778, %sub3A_22 : vector<16xf32>
    %get3A_1780 = arith.constant 1 : i32
    %get3A_1781 = arith.index_cast %get3A_1780 : i32 to index
    %get3A_1782 = arith.constant 720 : index
    %get3A_1783 = tpu.vector_load %arg7[%get3A_1781, %get3A_1782] {strides = array<i32>} : memref<16x1024xf32, #tpu.memory_space<vmem>>, vector<1x16xf32>,
    %get3A_1784 = vector.shape_cast %get3A_1783 : vector<1x16xf32> to vector<16xf32>
    %mul3A_1785 = arith.mulf %get3A_1784, %sub3A : vector<16xf32>
    %add3A_1786 = arith.addf %mul3A_1779, %mul3A_1785 : vector<16xf32>
    %swap3A_1787 = arith.constant 0 : i32
    %swap3A_1788 = arith.index_cast %swap3A_1787 : i32 to index
    %swap3A_1789 = arith.constant 720 : index
    %swap3A_1790 = tpu.vector_load %arg9[%swap3A_1788, %swap3A_1789] {strides = array<i32>} : memref<2x1024xf32, #tpu.memory_space<vmem>>, vector<1x16xf32>,
    %swap3A_1791 = vector.shape_cast %swap3A_1790 : vector<1x16xf32> to vector<16xf32>
    %swap3A_1792 = vector.shape_cast %add3A_1786 : vector<16xf32> to vector<1x16xf32>
    tpu.vector_store %arg9[%swap3A_1788, %swap3A_1789], %swap3A_1792 {strides = array<i32>} : memref<2x1024xf32, #tpu.memory_space<vmem>>, vector<1x16xf32>,
    %get3A_1793 = arith.constant 0 : i32
    %get3A_1794 = arith.index_cast %get3A_1793 : i32 to index
    %get3A_1795 = arith.constant 720 : index
    %get3A_1796 = tpu.vector_load %arg8[%get3A_1794, %get3A_1795] {strides = array<i32>} : memref<16x1024xf32, #tpu.memory_space<vmem>>, vector<1x16xf32>,
    %get3A_1797 = vector.shape_cast %get3A_1796 : vector<1x16xf32> to vector<16xf32>
    %mul3A_1798 = arith.mulf %get3A_1797, %sub3A_22 : vector<16xf32>
    %get3A_1799 = arith.constant 1 : i32
    %get3A_1800 = arith.index_cast %get3A_1799 : i32 to index
    %get3A_1801 = arith.constant 720 : index
    %get3A_1802 = tpu.vector_load %arg8[%get3A_1800, %get3A_1801] {strides = array<i32>} : memref<16x1024xf32, #tpu.memory_space<vmem>>, vector<1x16xf32>,
    %get3A_1803 = vector.shape_cast %get3A_1802 : vector<1x16xf32> to vector<16xf32>
    %mul3A_1804 = arith.mulf %get3A_1803, %sub3A : vector<16xf32>
    %add3A_1805 = arith.addf %mul3A_1798, %mul3A_1804 : vector<16xf32>
    %swap3A_1806 = arith.constant 1 : i32
    %swap3A_1807 = arith.index_cast %swap3A_1806 : i32 to index
    %swap3A_1808 = arith.constant 720 : index
    %swap3A_1809 = tpu.vector_load %arg9[%swap3A_1807, %swap3A_1808] {strides = array<i32>} : memref<2x1024xf32, #tpu.memory_space<vmem>>, vector<1x16xf32>,
    %swap3A_1810 = vector.shape_cast %swap3A_1809 : vector<1x16xf32> to vector<16xf32>
    %swap3A_1811 = vector.shape_cast %add3A_1805 : vector<16xf32> to vector<1x16xf32>
    tpu.vector_store %arg9[%swap3A_1807, %swap3A_1808], %swap3A_1811 {strides = array<i32>} : memref<2x1024xf32, #tpu.memory_space<vmem>>, vector<1x16xf32>,
    %get3A_1812 = arith.constant 0 : i32
    %get3A_1813 = arith.index_cast %get3A_1812 : i32 to index
    %get3A_1814 = arith.constant 736 : index
    %get3A_1815 = tpu.vector_load %arg7[%get3A_1813, %get3A_1814] {strides = array<i32>} : memref<16x1024xf32, #tpu.memory_space<vmem>>, vector<1x16xf32>,
    %get3A_1816 = vector.shape_cast %get3A_1815 : vector<1x16xf32> to vector<16xf32>
    %mul3A_1817 = arith.mulf %get3A_1816, %sub3A_22 : vector<16xf32>
    %get3A_1818 = arith.constant 1 : i32
    %get3A_1819 = arith.index_cast %get3A_1818 : i32 to index
    %get3A_1820 = arith.constant 736 : index
    %get3A_1821 = tpu.vector_load %arg7[%get3A_1819, %get3A_1820] {strides = array<i32>} : memref<16x1024xf32, #tpu.memory_space<vmem>>, vector<1x16xf32>,
    %get3A_1822 = vector.shape_cast %get3A_1821 : vector<1x16xf32> to vector<16xf32>
    %mul3A_1823 = arith.mulf %get3A_1822, %sub3A : vector<16xf32>
    %add3A_1824 = arith.addf %mul3A_1817, %mul3A_1823 : vector<16xf32>
    %swap3A_1825 = arith.constant 0 : i32
    %swap3A_1826 = arith.index_cast %swap3A_1825 : i32 to index
    %swap3A_1827 = arith.constant 736 : index
    %swap3A_1828 = tpu.vector_load %arg9[%swap3A_1826, %swap3A_1827] {strides = array<i32>} : memref<2x1024xf32, #tpu.memory_space<vmem>>, vector<1x16xf32>,
    %swap3A_1829 = vector.shape_cast %swap3A_1828 : vector<1x16xf32> to vector<16xf32>
    %swap3A_1830 = vector.shape_cast %add3A_1824 : vector<16xf32> to vector<1x16xf32>
    tpu.vector_store %arg9[%swap3A_1826, %swap3A_1827], %swap3A_1830 {strides = array<i32>} : memref<2x1024xf32, #tpu.memory_space<vmem>>, vector<1x16xf32>,
    %get3A_1831 = arith.constant 0 : i32
    %get3A_1832 = arith.index_cast %get3A_1831 : i32 to index
    %get3A_1833 = arith.constant 736 : index
    %get3A_1834 = tpu.vector_load %arg8[%get3A_1832, %get3A_1833] {strides = array<i32>} : memref<16x1024xf32, #tpu.memory_space<vmem>>, vector<1x16xf32>,
    %get3A_1835 = vector.shape_cast %get3A_1834 : vector<1x16xf32> to vector<16xf32>
    %mul3A_1836 = arith.mulf %get3A_1835, %sub3A_22 : vector<16xf32>
    %get3A_1837 = arith.constant 1 : i32
    %get3A_1838 = arith.index_cast %get3A_1837 : i32 to index
    %get3A_1839 = arith.constant 736 : index
    %get3A_1840 = tpu.vector_load %arg8[%get3A_1838, %get3A_1839] {strides = array<i32>} : memref<16x1024xf32, #tpu.memory_space<vmem>>, vector<1x16xf32>,
    %get3A_1841 = vector.shape_cast %get3A_1840 : vector<1x16xf32> to vector<16xf32>
    %mul3A_1842 = arith.mulf %get3A_1841, %sub3A : vector<16xf32>
    %add3A_1843 = arith.addf %mul3A_1836, %mul3A_1842 : vector<16xf32>
    %swap3A_1844 = arith.constant 1 : i32
    %swap3A_1845 = arith.index_cast %swap3A_1844 : i32 to index
    %swap3A_1846 = arith.constant 736 : index
    %swap3A_1847 = tpu.vector_load %arg9[%swap3A_1845, %swap3A_1846] {strides = array<i32>} : memref<2x1024xf32, #tpu.memory_space<vmem>>, vector<1x16xf32>,
    %swap3A_1848 = vector.shape_cast %swap3A_1847 : vector<1x16xf32> to vector<16xf32>
    %swap3A_1849 = vector.shape_cast %add3A_1843 : vector<16xf32> to vector<1x16xf32>
    tpu.vector_store %arg9[%swap3A_1845, %swap3A_1846], %swap3A_1849 {strides = array<i32>} : memref<2x1024xf32, #tpu.memory_space<vmem>>, vector<1x16xf32>,
    %get3A_1850 = arith.constant 0 : i32
    %get3A_1851 = arith.index_cast %get3A_1850 : i32 to index
    %get3A_1852 = arith.constant 752 : index
    %get3A_1853 = tpu.vector_load %arg7[%get3A_1851, %get3A_1852] {strides = array<i32>} : memref<16x1024xf32, #tpu.memory_space<vmem>>, vector<1x16xf32>,
    %get3A_1854 = vector.shape_cast %get3A_1853 : vector<1x16xf32> to vector<16xf32>
    %mul3A_1855 = arith.mulf %get3A_1854, %sub3A_22 : vector<16xf32>
    %get3A_1856 = arith.constant 1 : i32
    %get3A_1857 = arith.index_cast %get3A_1856 : i32 to index
    %get3A_1858 = arith.constant 752 : index
    %get3A_1859 = tpu.vector_load %arg7[%get3A_1857, %get3A_1858] {strides = array<i32>} : memref<16x1024xf32, #tpu.memory_space<vmem>>, vector<1x16xf32>,
    %get3A_1860 = vector.shape_cast %get3A_1859 : vector<1x16xf32> to vector<16xf32>
    %mul3A_1861 = arith.mulf %get3A_1860, %sub3A : vector<16xf32>
    %add3A_1862 = arith.addf %mul3A_1855, %mul3A_1861 : vector<16xf32>
    %swap3A_1863 = arith.constant 0 : i32
    %swap3A_1864 = arith.index_cast %swap3A_1863 : i32 to index
    %swap3A_1865 = arith.constant 752 : index
    %swap3A_1866 = tpu.vector_load %arg9[%swap3A_1864, %swap3A_1865] {strides = array<i32>} : memref<2x1024xf32, #tpu.memory_space<vmem>>, vector<1x16xf32>,
    %swap3A_1867 = vector.shape_cast %swap3A_1866 : vector<1x16xf32> to vector<16xf32>
    %swap3A_1868 = vector.shape_cast %add3A_1862 : vector<16xf32> to vector<1x16xf32>
    tpu.vector_store %arg9[%swap3A_1864, %swap3A_1865], %swap3A_1868 {strides = array<i32>} : memref<2x1024xf32, #tpu.memory_space<vmem>>, vector<1x16xf32>,
    %get3A_1869 = arith.constant 0 : i32
    %get3A_1870 = arith.index_cast %get3A_1869 : i32 to index
    %get3A_1871 = arith.constant 752 : index
    %get3A_1872 = tpu.vector_load %arg8[%get3A_1870, %get3A_1871] {strides = array<i32>} : memref<16x1024xf32, #tpu.memory_space<vmem>>, vector<1x16xf32>,
    %get3A_1873 = vector.shape_cast %get3A_1872 : vector<1x16xf32> to vector<16xf32>
    %mul3A_1874 = arith.mulf %get3A_1873, %sub3A_22 : vector<16xf32>
    %get3A_1875 = arith.constant 1 : i32
    %get3A_1876 = arith.index_cast %get3A_1875 : i32 to index
    %get3A_1877 = arith.constant 752 : index
    %get3A_1878 = tpu.vector_load %arg8[%get3A_1876, %get3A_1877] {strides = array<i32>} : memref<16x1024xf32, #tpu.memory_space<vmem>>, vector<1x16xf32>,
    %get3A_1879 = vector.shape_cast %get3A_1878 : vector<1x16xf32> to vector<16xf32>
    %mul3A_1880 = arith.mulf %get3A_1879, %sub3A : vector<16xf32>
    %add3A_1881 = arith.addf %mul3A_1874, %mul3A_1880 : vector<16xf32>
    %swap3A_1882 = arith.constant 1 : i32
    %swap3A_1883 = arith.index_cast %swap3A_1882 : i32 to index
    %swap3A_1884 = arith.constant 752 : index
    %swap3A_1885 = tpu.vector_load %arg9[%swap3A_1883, %swap3A_1884] {strides = array<i32>} : memref<2x1024xf32, #tpu.memory_space<vmem>>, vector<1x16xf32>,
    %swap3A_1886 = vector.shape_cast %swap3A_1885 : vector<1x16xf32> to vector<16xf32>
    %swap3A_1887 = vector.shape_cast %add3A_1881 : vector<16xf32> to vector<1x16xf32>
    tpu.vector_store %arg9[%swap3A_1883, %swap3A_1884], %swap3A_1887 {strides = array<i32>} : memref<2x1024xf32, #tpu.memory_space<vmem>>, vector<1x16xf32>,
    %get3A_1888 = arith.constant 0 : i32
    %get3A_1889 = arith.index_cast %get3A_1888 : i32 to index
    %get3A_1890 = arith.constant 768 : index
    %get3A_1891 = tpu.vector_load %arg7[%get3A_1889, %get3A_1890] {strides = array<i32>} : memref<16x1024xf32, #tpu.memory_space<vmem>>, vector<1x16xf32>,
    %get3A_1892 = vector.shape_cast %get3A_1891 : vector<1x16xf32> to vector<16xf32>
    %mul3A_1893 = arith.mulf %get3A_1892, %sub3A_22 : vector<16xf32>
    %get3A_1894 = arith.constant 1 : i32
    %get3A_1895 = arith.index_cast %get3A_1894 : i32 to index
    %get3A_1896 = arith.constant 768 : index
    %get3A_1897 = tpu.vector_load %arg7[%get3A_1895, %get3A_1896] {strides = array<i32>} : memref<16x1024xf32, #tpu.memory_space<vmem>>, vector<1x16xf32>,
    %get3A_1898 = vector.shape_cast %get3A_1897 : vector<1x16xf32> to vector<16xf32>
    %mul3A_1899 = arith.mulf %get3A_1898, %sub3A : vector<16xf32>
    %add3A_1900 = arith.addf %mul3A_1893, %mul3A_1899 : vector<16xf32>
    %swap3A_1901 = arith.constant 0 : i32
    %swap3A_1902 = arith.index_cast %swap3A_1901 : i32 to index
    %swap3A_1903 = arith.constant 768 : index
    %swap3A_1904 = tpu.vector_load %arg9[%swap3A_1902, %swap3A_1903] {strides = array<i32>} : memref<2x1024xf32, #tpu.memory_space<vmem>>, vector<1x16xf32>,
    %swap3A_1905 = vector.shape_cast %swap3A_1904 : vector<1x16xf32> to vector<16xf32>
    %swap3A_1906 = vector.shape_cast %add3A_1900 : vector<16xf32> to vector<1x16xf32>
    tpu.vector_store %arg9[%swap3A_1902, %swap3A_1903], %swap3A_1906 {strides = array<i32>} : memref<2x1024xf32, #tpu.memory_space<vmem>>, vector<1x16xf32>,
    %get3A_1907 = arith.constant 0 : i32
    %get3A_1908 = arith.index_cast %get3A_1907 : i32 to index
    %get3A_1909 = arith.constant 768 : index
    %get3A_1910 = tpu.vector_load %arg8[%get3A_1908, %get3A_1909] {strides = array<i32>} : memref<16x1024xf32, #tpu.memory_space<vmem>>, vector<1x16xf32>,
    %get3A_1911 = vector.shape_cast %get3A_1910 : vector<1x16xf32> to vector<16xf32>
    %mul3A_1912 = arith.mulf %get3A_1911, %sub3A_22 : vector<16xf32>
    %get3A_1913 = arith.constant 1 : i32
    %get3A_1914 = arith.index_cast %get3A_1913 : i32 to index
    %get3A_1915 = arith.constant 768 : index
    %get3A_1916 = tpu.vector_load %arg8[%get3A_1914, %get3A_1915] {strides = array<i32>} : memref<16x1024xf32, #tpu.memory_space<vmem>>, vector<1x16xf32>,
    %get3A_1917 = vector.shape_cast %get3A_1916 : vector<1x16xf32> to vector<16xf32>
    %mul3A_1918 = arith.mulf %get3A_1917, %sub3A : vector<16xf32>
    %add3A_1919 = arith.addf %mul3A_1912, %mul3A_1918 : vector<16xf32>
    %swap3A_1920 = arith.constant 1 : i32
    %swap3A_1921 = arith.index_cast %swap3A_1920 : i32 to index
    %swap3A_1922 = arith.constant 768 : index
    %swap3A_1923 = tpu.vector_load %arg9[%swap3A_1921, %swap3A_1922] {strides = array<i32>} : memref<2x1024xf32, #tpu.memory_space<vmem>>, vector<1x16xf32>,
    %swap3A_1924 = vector.shape_cast %swap3A_1923 : vector<1x16xf32> to vector<16xf32>
    %swap3A_1925 = vector.shape_cast %add3A_1919 : vector<16xf32> to vector<1x16xf32>
    tpu.vector_store %arg9[%swap3A_1921, %swap3A_1922], %swap3A_1925 {strides = array<i32>} : memref<2x1024xf32, #tpu.memory_space<vmem>>, vector<1x16xf32>,
    %get3A_1926 = arith.constant 0 : i32
    %get3A_1927 = arith.index_cast %get3A_1926 : i32 to index
    %get3A_1928 = arith.constant 784 : index
    %get3A_1929 = tpu.vector_load %arg7[%get3A_1927, %get3A_1928] {strides = array<i32>} : memref<16x1024xf32, #tpu.memory_space<vmem>>, vector<1x16xf32>,
    %get3A_1930 = vector.shape_cast %get3A_1929 : vector<1x16xf32> to vector<16xf32>
    %mul3A_1931 = arith.mulf %get3A_1930, %sub3A_22 : vector<16xf32>
    %get3A_1932 = arith.constant 1 : i32
    %get3A_1933 = arith.index_cast %get3A_1932 : i32 to index
    %get3A_1934 = arith.constant 784 : index
    %get3A_1935 = tpu.vector_load %arg7[%get3A_1933, %get3A_1934] {strides = array<i32>} : memref<16x1024xf32, #tpu.memory_space<vmem>>, vector<1x16xf32>,
    %get3A_1936 = vector.shape_cast %get3A_1935 : vector<1x16xf32> to vector<16xf32>
    %mul3A_1937 = arith.mulf %get3A_1936, %sub3A : vector<16xf32>
    %add3A_1938 = arith.addf %mul3A_1931, %mul3A_1937 : vector<16xf32>
    %swap3A_1939 = arith.constant 0 : i32
    %swap3A_1940 = arith.index_cast %swap3A_1939 : i32 to index
    %swap3A_1941 = arith.constant 784 : index
    %swap3A_1942 = tpu.vector_load %arg9[%swap3A_1940, %swap3A_1941] {strides = array<i32>} : memref<2x1024xf32, #tpu.memory_space<vmem>>, vector<1x16xf32>,
    %swap3A_1943 = vector.shape_cast %swap3A_1942 : vector<1x16xf32> to vector<16xf32>
    %swap3A_1944 = vector.shape_cast %add3A_1938 : vector<16xf32> to vector<1x16xf32>
    tpu.vector_store %arg9[%swap3A_1940, %swap3A_1941], %swap3A_1944 {strides = array<i32>} : memref<2x1024xf32, #tpu.memory_space<vmem>>, vector<1x16xf32>,
    %get3A_1945 = arith.constant 0 : i32
    %get3A_1946 = arith.index_cast %get3A_1945 : i32 to index
    %get3A_1947 = arith.constant 784 : index
    %get3A_1948 = tpu.vector_load %arg8[%get3A_1946, %get3A_1947] {strides = array<i32>} : memref<16x1024xf32, #tpu.memory_space<vmem>>, vector<1x16xf32>,
    %get3A_1949 = vector.shape_cast %get3A_1948 : vector<1x16xf32> to vector<16xf32>
    %mul3A_1950 = arith.mulf %get3A_1949, %sub3A_22 : vector<16xf32>
    %get3A_1951 = arith.constant 1 : i32
    %get3A_1952 = arith.index_cast %get3A_1951 : i32 to index
    %get3A_1953 = arith.constant 784 : index
    %get3A_1954 = tpu.vector_load %arg8[%get3A_1952, %get3A_1953] {strides = array<i32>} : memref<16x1024xf32, #tpu.memory_space<vmem>>, vector<1x16xf32>,
    %get3A_1955 = vector.shape_cast %get3A_1954 : vector<1x16xf32> to vector<16xf32>
    %mul3A_1956 = arith.mulf %get3A_1955, %sub3A : vector<16xf32>
    %add3A_1957 = arith.addf %mul3A_1950, %mul3A_1956 : vector<16xf32>
    %swap3A_1958 = arith.constant 1 : i32
    %swap3A_1959 = arith.index_cast %swap3A_1958 : i32 to index
    %swap3A_1960 = arith.constant 784 : index
    %swap3A_1961 = tpu.vector_load %arg9[%swap3A_1959, %swap3A_1960] {strides = array<i32>} : memref<2x1024xf32, #tpu.memory_space<vmem>>, vector<1x16xf32>,
    %swap3A_1962 = vector.shape_cast %swap3A_1961 : vector<1x16xf32> to vector<16xf32>
    %swap3A_1963 = vector.shape_cast %add3A_1957 : vector<16xf32> to vector<1x16xf32>
    tpu.vector_store %arg9[%swap3A_1959, %swap3A_1960], %swap3A_1963 {strides = array<i32>} : memref<2x1024xf32, #tpu.memory_space<vmem>>, vector<1x16xf32>,
    %get3A_1964 = arith.constant 0 : i32
    %get3A_1965 = arith.index_cast %get3A_1964 : i32 to index
    %get3A_1966 = arith.constant 800 : index
    %get3A_1967 = tpu.vector_load %arg7[%get3A_1965, %get3A_1966] {strides = array<i32>} : memref<16x1024xf32, #tpu.memory_space<vmem>>, vector<1x16xf32>,
    %get3A_1968 = vector.shape_cast %get3A_1967 : vector<1x16xf32> to vector<16xf32>
    %mul3A_1969 = arith.mulf %get3A_1968, %sub3A_22 : vector<16xf32>
    %get3A_1970 = arith.constant 1 : i32
    %get3A_1971 = arith.index_cast %get3A_1970 : i32 to index
    %get3A_1972 = arith.constant 800 : index
    %get3A_1973 = tpu.vector_load %arg7[%get3A_1971, %get3A_1972] {strides = array<i32>} : memref<16x1024xf32, #tpu.memory_space<vmem>>, vector<1x16xf32>,
    %get3A_1974 = vector.shape_cast %get3A_1973 : vector<1x16xf32> to vector<16xf32>
    %mul3A_1975 = arith.mulf %get3A_1974, %sub3A : vector<16xf32>
    %add3A_1976 = arith.addf %mul3A_1969, %mul3A_1975 : vector<16xf32>
    %swap3A_1977 = arith.constant 0 : i32
    %swap3A_1978 = arith.index_cast %swap3A_1977 : i32 to index
    %swap3A_1979 = arith.constant 800 : index
    %swap3A_1980 = tpu.vector_load %arg9[%swap3A_1978, %swap3A_1979] {strides = array<i32>} : memref<2x1024xf32, #tpu.memory_space<vmem>>, vector<1x16xf32>,
    %swap3A_1981 = vector.shape_cast %swap3A_1980 : vector<1x16xf32> to vector<16xf32>
    %swap3A_1982 = vector.shape_cast %add3A_1976 : vector<16xf32> to vector<1x16xf32>
    tpu.vector_store %arg9[%swap3A_1978, %swap3A_1979], %swap3A_1982 {strides = array<i32>} : memref<2x1024xf32, #tpu.memory_space<vmem>>, vector<1x16xf32>,
    %get3A_1983 = arith.constant 0 : i32
    %get3A_1984 = arith.index_cast %get3A_1983 : i32 to index
    %get3A_1985 = arith.constant 800 : index
    %get3A_1986 = tpu.vector_load %arg8[%get3A_1984, %get3A_1985] {strides = array<i32>} : memref<16x1024xf32, #tpu.memory_space<vmem>>, vector<1x16xf32>,
    %get3A_1987 = vector.shape_cast %get3A_1986 : vector<1x16xf32> to vector<16xf32>
    %mul3A_1988 = arith.mulf %get3A_1987, %sub3A_22 : vector<16xf32>
    %get3A_1989 = arith.constant 1 : i32
    %get3A_1990 = arith.index_cast %get3A_1989 : i32 to index
    %get3A_1991 = arith.constant 800 : index
    %get3A_1992 = tpu.vector_load %arg8[%get3A_1990, %get3A_1991] {strides = array<i32>} : memref<16x1024xf32, #tpu.memory_space<vmem>>, vector<1x16xf32>,
    %get3A_1993 = vector.shape_cast %get3A_1992 : vector<1x16xf32> to vector<16xf32>
    %mul3A_1994 = arith.mulf %get3A_1993, %sub3A : vector<16xf32>
    %add3A_1995 = arith.addf %mul3A_1988, %mul3A_1994 : vector<16xf32>
    %swap3A_1996 = arith.constant 1 : i32
    %swap3A_1997 = arith.index_cast %swap3A_1996 : i32 to index
    %swap3A_1998 = arith.constant 800 : index
    %swap3A_1999 = tpu.vector_load %arg9[%swap3A_1997, %swap3A_1998] {strides = array<i32>} : memref<2x1024xf32, #tpu.memory_space<vmem>>, vector<1x16xf32>,
    %swap3A_2000 = vector.shape_cast %swap3A_1999 : vector<1x16xf32> to vector<16xf32>
    %swap3A_2001 = vector.shape_cast %add3A_1995 : vector<16xf32> to vector<1x16xf32>
    tpu.vector_store %arg9[%swap3A_1997, %swap3A_1998], %swap3A_2001 {strides = array<i32>} : memref<2x1024xf32, #tpu.memory_space<vmem>>, vector<1x16xf32>,
    %get3A_2002 = arith.constant 0 : i32
    %get3A_2003 = arith.index_cast %get3A_2002 : i32 to index
    %get3A_2004 = arith.constant 816 : index
    %get3A_2005 = tpu.vector_load %arg7[%get3A_2003, %get3A_2004] {strides = array<i32>} : memref<16x1024xf32, #tpu.memory_space<vmem>>, vector<1x16xf32>,
    %get3A_2006 = vector.shape_cast %get3A_2005 : vector<1x16xf32> to vector<16xf32>
    %mul3A_2007 = arith.mulf %get3A_2006, %sub3A_22 : vector<16xf32>
    %get3A_2008 = arith.constant 1 : i32
    %get3A_2009 = arith.index_cast %get3A_2008 : i32 to index
    %get3A_2010 = arith.constant 816 : index
    %get3A_2011 = tpu.vector_load %arg7[%get3A_2009, %get3A_2010] {strides = array<i32>} : memref<16x1024xf32, #tpu.memory_space<vmem>>, vector<1x16xf32>,
    %get3A_2012 = vector.shape_cast %get3A_2011 : vector<1x16xf32> to vector<16xf32>
    %mul3A_2013 = arith.mulf %get3A_2012, %sub3A : vector<16xf32>
    %add3A_2014 = arith.addf %mul3A_2007, %mul3A_2013 : vector<16xf32>
    %swap3A_2015 = arith.constant 0 : i32
    %swap3A_2016 = arith.index_cast %swap3A_2015 : i32 to index
    %swap3A_2017 = arith.constant 816 : index
    %swap3A_2018 = tpu.vector_load %arg9[%swap3A_2016, %swap3A_2017] {strides = array<i32>} : memref<2x1024xf32, #tpu.memory_space<vmem>>, vector<1x16xf32>,
    %swap3A_2019 = vector.shape_cast %swap3A_2018 : vector<1x16xf32> to vector<16xf32>
    %swap3A_2020 = vector.shape_cast %add3A_2014 : vector<16xf32> to vector<1x16xf32>
    tpu.vector_store %arg9[%swap3A_2016, %swap3A_2017], %swap3A_2020 {strides = array<i32>} : memref<2x1024xf32, #tpu.memory_space<vmem>>, vector<1x16xf32>,
    %get3A_2021 = arith.constant 0 : i32
    %get3A_2022 = arith.index_cast %get3A_2021 : i32 to index
    %get3A_2023 = arith.constant 816 : index
    %get3A_2024 = tpu.vector_load %arg8[%get3A_2022, %get3A_2023] {strides = array<i32>} : memref<16x1024xf32, #tpu.memory_space<vmem>>, vector<1x16xf32>,
    %get3A_2025 = vector.shape_cast %get3A_2024 : vector<1x16xf32> to vector<16xf32>
    %mul3A_2026 = arith.mulf %get3A_2025, %sub3A_22 : vector<16xf32>
    %get3A_2027 = arith.constant 1 : i32
    %get3A_2028 = arith.index_cast %get3A_2027 : i32 to index
    %get3A_2029 = arith.constant 816 : index
    %get3A_2030 = tpu.vector_load %arg8[%get3A_2028, %get3A_2029] {strides = array<i32>} : memref<16x1024xf32, #tpu.memory_space<vmem>>, vector<1x16xf32>,
    %get3A_2031 = vector.shape_cast %get3A_2030 : vector<1x16xf32> to vector<16xf32>
    %mul3A_2032 = arith.mulf %get3A_2031, %sub3A : vector<16xf32>
    %add3A_2033 = arith.addf %mul3A_2026, %mul3A_2032 : vector<16xf32>
    %swap3A_2034 = arith.constant 1 : i32
    %swap3A_2035 = arith.index_cast %swap3A_2034 : i32 to index
    %swap3A_2036 = arith.constant 816 : index
    %swap3A_2037 = tpu.vector_load %arg9[%swap3A_2035, %swap3A_2036] {strides = array<i32>} : memref<2x1024xf32, #tpu.memory_space<vmem>>, vector<1x16xf32>,
    %swap3A_2038 = vector.shape_cast %swap3A_2037 : vector<1x16xf32> to vector<16xf32>
    %swap3A_2039 = vector.shape_cast %add3A_2033 : vector<16xf32> to vector<1x16xf32>
    tpu.vector_store %arg9[%swap3A_2035, %swap3A_2036], %swap3A_2039 {strides = array<i32>} : memref<2x1024xf32, #tpu.memory_space<vmem>>, vector<1x16xf32>,
    %get3A_2040 = arith.constant 0 : i32
    %get3A_2041 = arith.index_cast %get3A_2040 : i32 to index
    %get3A_2042 = arith.constant 832 : index
    %get3A_2043 = tpu.vector_load %arg7[%get3A_2041, %get3A_2042] {strides = array<i32>} : memref<16x1024xf32, #tpu.memory_space<vmem>>, vector<1x16xf32>,
    %get3A_2044 = vector.shape_cast %get3A_2043 : vector<1x16xf32> to vector<16xf32>
    %mul3A_2045 = arith.mulf %get3A_2044, %sub3A_22 : vector<16xf32>
    %get3A_2046 = arith.constant 1 : i32
    %get3A_2047 = arith.index_cast %get3A_2046 : i32 to index
    %get3A_2048 = arith.constant 832 : index
    %get3A_2049 = tpu.vector_load %arg7[%get3A_2047, %get3A_2048] {strides = array<i32>} : memref<16x1024xf32, #tpu.memory_space<vmem>>, vector<1x16xf32>,
    %get3A_2050 = vector.shape_cast %get3A_2049 : vector<1x16xf32> to vector<16xf32>
    %mul3A_2051 = arith.mulf %get3A_2050, %sub3A : vector<16xf32>
    %add3A_2052 = arith.addf %mul3A_2045, %mul3A_2051 : vector<16xf32>
    %swap3A_2053 = arith.constant 0 : i32
    %swap3A_2054 = arith.index_cast %swap3A_2053 : i32 to index
    %swap3A_2055 = arith.constant 832 : index
    %swap3A_2056 = tpu.vector_load %arg9[%swap3A_2054, %swap3A_2055] {strides = array<i32>} : memref<2x1024xf32, #tpu.memory_space<vmem>>, vector<1x16xf32>,
    %swap3A_2057 = vector.shape_cast %swap3A_2056 : vector<1x16xf32> to vector<16xf32>
    %swap3A_2058 = vector.shape_cast %add3A_2052 : vector<16xf32> to vector<1x16xf32>
    tpu.vector_store %arg9[%swap3A_2054, %swap3A_2055], %swap3A_2058 {strides = array<i32>} : memref<2x1024xf32, #tpu.memory_space<vmem>>, vector<1x16xf32>,
    %get3A_2059 = arith.constant 0 : i32
    %get3A_2060 = arith.index_cast %get3A_2059 : i32 to index
    %get3A_2061 = arith.constant 832 : index
    %get3A_2062 = tpu.vector_load %arg8[%get3A_2060, %get3A_2061] {strides = array<i32>} : memref<16x1024xf32, #tpu.memory_space<vmem>>, vector<1x16xf32>,
    %get3A_2063 = vector.shape_cast %get3A_2062 : vector<1x16xf32> to vector<16xf32>
    %mul3A_2064 = arith.mulf %get3A_2063, %sub3A_22 : vector<16xf32>
    %get3A_2065 = arith.constant 1 : i32
    %get3A_2066 = arith.index_cast %get3A_2065 : i32 to index
    %get3A_2067 = arith.constant 832 : index
    %get3A_2068 = tpu.vector_load %arg8[%get3A_2066, %get3A_2067] {strides = array<i32>} : memref<16x1024xf32, #tpu.memory_space<vmem>>, vector<1x16xf32>,
    %get3A_2069 = vector.shape_cast %get3A_2068 : vector<1x16xf32> to vector<16xf32>
    %mul3A_2070 = arith.mulf %get3A_2069, %sub3A : vector<16xf32>
    %add3A_2071 = arith.addf %mul3A_2064, %mul3A_2070 : vector<16xf32>
    %swap3A_2072 = arith.constant 1 : i32
    %swap3A_2073 = arith.index_cast %swap3A_2072 : i32 to index
    %swap3A_2074 = arith.constant 832 : index
    %swap3A_2075 = tpu.vector_load %arg9[%swap3A_2073, %swap3A_2074] {strides = array<i32>} : memref<2x1024xf32, #tpu.memory_space<vmem>>, vector<1x16xf32>,
    %swap3A_2076 = vector.shape_cast %swap3A_2075 : vector<1x16xf32> to vector<16xf32>
    %swap3A_2077 = vector.shape_cast %add3A_2071 : vector<16xf32> to vector<1x16xf32>
    tpu.vector_store %arg9[%swap3A_2073, %swap3A_2074], %swap3A_2077 {strides = array<i32>} : memref<2x1024xf32, #tpu.memory_space<vmem>>, vector<1x16xf32>,
    %get3A_2078 = arith.constant 0 : i32
    %get3A_2079 = arith.index_cast %get3A_2078 : i32 to index
    %get3A_2080 = arith.constant 848 : index
    %get3A_2081 = tpu.vector_load %arg7[%get3A_2079, %get3A_2080] {strides = array<i32>} : memref<16x1024xf32, #tpu.memory_space<vmem>>, vector<1x16xf32>,
    %get3A_2082 = vector.shape_cast %get3A_2081 : vector<1x16xf32> to vector<16xf32>
    %mul3A_2083 = arith.mulf %get3A_2082, %sub3A_22 : vector<16xf32>
    %get3A_2084 = arith.constant 1 : i32
    %get3A_2085 = arith.index_cast %get3A_2084 : i32 to index
    %get3A_2086 = arith.constant 848 : index
    %get3A_2087 = tpu.vector_load %arg7[%get3A_2085, %get3A_2086] {strides = array<i32>} : memref<16x1024xf32, #tpu.memory_space<vmem>>, vector<1x16xf32>,
    %get3A_2088 = vector.shape_cast %get3A_2087 : vector<1x16xf32> to vector<16xf32>
    %mul3A_2089 = arith.mulf %get3A_2088, %sub3A : vector<16xf32>
    %add3A_2090 = arith.addf %mul3A_2083, %mul3A_2089 : vector<16xf32>
    %swap3A_2091 = arith.constant 0 : i32
    %swap3A_2092 = arith.index_cast %swap3A_2091 : i32 to index
    %swap3A_2093 = arith.constant 848 : index
    %swap3A_2094 = tpu.vector_load %arg9[%swap3A_2092, %swap3A_2093] {strides = array<i32>} : memref<2x1024xf32, #tpu.memory_space<vmem>>, vector<1x16xf32>,
    %swap3A_2095 = vector.shape_cast %swap3A_2094 : vector<1x16xf32> to vector<16xf32>
    %swap3A_2096 = vector.shape_cast %add3A_2090 : vector<16xf32> to vector<1x16xf32>
    tpu.vector_store %arg9[%swap3A_2092, %swap3A_2093], %swap3A_2096 {strides = array<i32>} : memref<2x1024xf32, #tpu.memory_space<vmem>>, vector<1x16xf32>,
    %get3A_2097 = arith.constant 0 : i32
    %get3A_2098 = arith.index_cast %get3A_2097 : i32 to index
    %get3A_2099 = arith.constant 848 : index
    %get3A_2100 = tpu.vector_load %arg8[%get3A_2098, %get3A_2099] {strides = array<i32>} : memref<16x1024xf32, #tpu.memory_space<vmem>>, vector<1x16xf32>,
    %get3A_2101 = vector.shape_cast %get3A_2100 : vector<1x16xf32> to vector<16xf32>
    %mul3A_2102 = arith.mulf %get3A_2101, %sub3A_22 : vector<16xf32>
    %get3A_2103 = arith.constant 1 : i32
    %get3A_2104 = arith.index_cast %get3A_2103 : i32 to index
    %get3A_2105 = arith.constant 848 : index
    %get3A_2106 = tpu.vector_load %arg8[%get3A_2104, %get3A_2105] {strides = array<i32>} : memref<16x1024xf32, #tpu.memory_space<vmem>>, vector<1x16xf32>,
    %get3A_2107 = vector.shape_cast %get3A_2106 : vector<1x16xf32> to vector<16xf32>
    %mul3A_2108 = arith.mulf %get3A_2107, %sub3A : vector<16xf32>
    %add3A_2109 = arith.addf %mul3A_2102, %mul3A_2108 : vector<16xf32>
    %swap3A_2110 = arith.constant 1 : i32
    %swap3A_2111 = arith.index_cast %swap3A_2110 : i32 to index
    %swap3A_2112 = arith.constant 848 : index
    %swap3A_2113 = tpu.vector_load %arg9[%swap3A_2111, %swap3A_2112] {strides = array<i32>} : memref<2x1024xf32, #tpu.memory_space<vmem>>, vector<1x16xf32>,
    %swap3A_2114 = vector.shape_cast %swap3A_2113 : vector<1x16xf32> to vector<16xf32>
    %swap3A_2115 = vector.shape_cast %add3A_2109 : vector<16xf32> to vector<1x16xf32>
    tpu.vector_store %arg9[%swap3A_2111, %swap3A_2112], %swap3A_2115 {strides = array<i32>} : memref<2x1024xf32, #tpu.memory_space<vmem>>, vector<1x16xf32>,
    %get3A_2116 = arith.constant 0 : i32
    %get3A_2117 = arith.index_cast %get3A_2116 : i32 to index
    %get3A_2118 = arith.constant 864 : index
    %get3A_2119 = tpu.vector_load %arg7[%get3A_2117, %get3A_2118] {strides = array<i32>} : memref<16x1024xf32, #tpu.memory_space<vmem>>, vector<1x16xf32>,
    %get3A_2120 = vector.shape_cast %get3A_2119 : vector<1x16xf32> to vector<16xf32>
    %mul3A_2121 = arith.mulf %get3A_2120, %sub3A_22 : vector<16xf32>
    %get3A_2122 = arith.constant 1 : i32
    %get3A_2123 = arith.index_cast %get3A_2122 : i32 to index
    %get3A_2124 = arith.constant 864 : index
    %get3A_2125 = tpu.vector_load %arg7[%get3A_2123, %get3A_2124] {strides = array<i32>} : memref<16x1024xf32, #tpu.memory_space<vmem>>, vector<1x16xf32>,
    %get3A_2126 = vector.shape_cast %get3A_2125 : vector<1x16xf32> to vector<16xf32>
    %mul3A_2127 = arith.mulf %get3A_2126, %sub3A : vector<16xf32>
    %add3A_2128 = arith.addf %mul3A_2121, %mul3A_2127 : vector<16xf32>
    %swap3A_2129 = arith.constant 0 : i32
    %swap3A_2130 = arith.index_cast %swap3A_2129 : i32 to index
    %swap3A_2131 = arith.constant 864 : index
    %swap3A_2132 = tpu.vector_load %arg9[%swap3A_2130, %swap3A_2131] {strides = array<i32>} : memref<2x1024xf32, #tpu.memory_space<vmem>>, vector<1x16xf32>,
    %swap3A_2133 = vector.shape_cast %swap3A_2132 : vector<1x16xf32> to vector<16xf32>
    %swap3A_2134 = vector.shape_cast %add3A_2128 : vector<16xf32> to vector<1x16xf32>
    tpu.vector_store %arg9[%swap3A_2130, %swap3A_2131], %swap3A_2134 {strides = array<i32>} : memref<2x1024xf32, #tpu.memory_space<vmem>>, vector<1x16xf32>,
    %get3A_2135 = arith.constant 0 : i32
    %get3A_2136 = arith.index_cast %get3A_2135 : i32 to index
    %get3A_2137 = arith.constant 864 : index
    %get3A_2138 = tpu.vector_load %arg8[%get3A_2136, %get3A_2137] {strides = array<i32>} : memref<16x1024xf32, #tpu.memory_space<vmem>>, vector<1x16xf32>,
    %get3A_2139 = vector.shape_cast %get3A_2138 : vector<1x16xf32> to vector<16xf32>
    %mul3A_2140 = arith.mulf %get3A_2139, %sub3A_22 : vector<16xf32>
    %get3A_2141 = arith.constant 1 : i32
    %get3A_2142 = arith.index_cast %get3A_2141 : i32 to index
    %get3A_2143 = arith.constant 864 : index
    %get3A_2144 = tpu.vector_load %arg8[%get3A_2142, %get3A_2143] {strides = array<i32>} : memref<16x1024xf32, #tpu.memory_space<vmem>>, vector<1x16xf32>,
    %get3A_2145 = vector.shape_cast %get3A_2144 : vector<1x16xf32> to vector<16xf32>
    %mul3A_2146 = arith.mulf %get3A_2145, %sub3A : vector<16xf32>
    %add3A_2147 = arith.addf %mul3A_2140, %mul3A_2146 : vector<16xf32>
    %swap3A_2148 = arith.constant 1 : i32
    %swap3A_2149 = arith.index_cast %swap3A_2148 : i32 to index
    %swap3A_2150 = arith.constant 864 : index
    %swap3A_2151 = tpu.vector_load %arg9[%swap3A_2149, %swap3A_2150] {strides = array<i32>} : memref<2x1024xf32, #tpu.memory_space<vmem>>, vector<1x16xf32>,
    %swap3A_2152 = vector.shape_cast %swap3A_2151 : vector<1x16xf32> to vector<16xf32>
    %swap3A_2153 = vector.shape_cast %add3A_2147 : vector<16xf32> to vector<1x16xf32>
    tpu.vector_store %arg9[%swap3A_2149, %swap3A_2150], %swap3A_2153 {strides = array<i32>} : memref<2x1024xf32, #tpu.memory_space<vmem>>, vector<1x16xf32>,
    %get3A_2154 = arith.constant 0 : i32
    %get3A_2155 = arith.index_cast %get3A_2154 : i32 to index
    %get3A_2156 = arith.constant 880 : index
    %get3A_2157 = tpu.vector_load %arg7[%get3A_2155, %get3A_2156] {strides = array<i32>} : memref<16x1024xf32, #tpu.memory_space<vmem>>, vector<1x16xf32>,
    %get3A_2158 = vector.shape_cast %get3A_2157 : vector<1x16xf32> to vector<16xf32>
    %mul3A_2159 = arith.mulf %get3A_2158, %sub3A_22 : vector<16xf32>
    %get3A_2160 = arith.constant 1 : i32
    %get3A_2161 = arith.index_cast %get3A_2160 : i32 to index
    %get3A_2162 = arith.constant 880 : index
    %get3A_2163 = tpu.vector_load %arg7[%get3A_2161, %get3A_2162] {strides = array<i32>} : memref<16x1024xf32, #tpu.memory_space<vmem>>, vector<1x16xf32>,
    %get3A_2164 = vector.shape_cast %get3A_2163 : vector<1x16xf32> to vector<16xf32>
    %mul3A_2165 = arith.mulf %get3A_2164, %sub3A : vector<16xf32>
    %add3A_2166 = arith.addf %mul3A_2159, %mul3A_2165 : vector<16xf32>
    %swap3A_2167 = arith.constant 0 : i32
    %swap3A_2168 = arith.index_cast %swap3A_2167 : i32 to index
    %swap3A_2169 = arith.constant 880 : index
    %swap3A_2170 = tpu.vector_load %arg9[%swap3A_2168, %swap3A_2169] {strides = array<i32>} : memref<2x1024xf32, #tpu.memory_space<vmem>>, vector<1x16xf32>,
    %swap3A_2171 = vector.shape_cast %swap3A_2170 : vector<1x16xf32> to vector<16xf32>
    %swap3A_2172 = vector.shape_cast %add3A_2166 : vector<16xf32> to vector<1x16xf32>
    tpu.vector_store %arg9[%swap3A_2168, %swap3A_2169], %swap3A_2172 {strides = array<i32>} : memref<2x1024xf32, #tpu.memory_space<vmem>>, vector<1x16xf32>,
    %get3A_2173 = arith.constant 0 : i32
    %get3A_2174 = arith.index_cast %get3A_2173 : i32 to index
    %get3A_2175 = arith.constant 880 : index
    %get3A_2176 = tpu.vector_load %arg8[%get3A_2174, %get3A_2175] {strides = array<i32>} : memref<16x1024xf32, #tpu.memory_space<vmem>>, vector<1x16xf32>,
    %get3A_2177 = vector.shape_cast %get3A_2176 : vector<1x16xf32> to vector<16xf32>
    %mul3A_2178 = arith.mulf %get3A_2177, %sub3A_22 : vector<16xf32>
    %get3A_2179 = arith.constant 1 : i32
    %get3A_2180 = arith.index_cast %get3A_2179 : i32 to index
    %get3A_2181 = arith.constant 880 : index
    %get3A_2182 = tpu.vector_load %arg8[%get3A_2180, %get3A_2181] {strides = array<i32>} : memref<16x1024xf32, #tpu.memory_space<vmem>>, vector<1x16xf32>,
    %get3A_2183 = vector.shape_cast %get3A_2182 : vector<1x16xf32> to vector<16xf32>
    %mul3A_2184 = arith.mulf %get3A_2183, %sub3A : vector<16xf32>
    %add3A_2185 = arith.addf %mul3A_2178, %mul3A_2184 : vector<16xf32>
    %swap3A_2186 = arith.constant 1 : i32
    %swap3A_2187 = arith.index_cast %swap3A_2186 : i32 to index
    %swap3A_2188 = arith.constant 880 : index
    %swap3A_2189 = tpu.vector_load %arg9[%swap3A_2187, %swap3A_2188] {strides = array<i32>} : memref<2x1024xf32, #tpu.memory_space<vmem>>, vector<1x16xf32>,
    %swap3A_2190 = vector.shape_cast %swap3A_2189 : vector<1x16xf32> to vector<16xf32>
    %swap3A_2191 = vector.shape_cast %add3A_2185 : vector<16xf32> to vector<1x16xf32>
    tpu.vector_store %arg9[%swap3A_2187, %swap3A_2188], %swap3A_2191 {strides = array<i32>} : memref<2x1024xf32, #tpu.memory_space<vmem>>, vector<1x16xf32>,
    %get3A_2192 = arith.constant 0 : i32
    %get3A_2193 = arith.index_cast %get3A_2192 : i32 to index
    %get3A_2194 = arith.constant 896 : index
    %get3A_2195 = tpu.vector_load %arg7[%get3A_2193, %get3A_2194] {strides = array<i32>} : memref<16x1024xf32, #tpu.memory_space<vmem>>, vector<1x16xf32>,
    %get3A_2196 = vector.shape_cast %get3A_2195 : vector<1x16xf32> to vector<16xf32>
    %mul3A_2197 = arith.mulf %get3A_2196, %sub3A_22 : vector<16xf32>
    %get3A_2198 = arith.constant 1 : i32
    %get3A_2199 = arith.index_cast %get3A_2198 : i32 to index
    %get3A_2200 = arith.constant 896 : index
    %get3A_2201 = tpu.vector_load %arg7[%get3A_2199, %get3A_2200] {strides = array<i32>} : memref<16x1024xf32, #tpu.memory_space<vmem>>, vector<1x16xf32>,
    %get3A_2202 = vector.shape_cast %get3A_2201 : vector<1x16xf32> to vector<16xf32>
    %mul3A_2203 = arith.mulf %get3A_2202, %sub3A : vector<16xf32>
    %add3A_2204 = arith.addf %mul3A_2197, %mul3A_2203 : vector<16xf32>
    %swap3A_2205 = arith.constant 0 : i32
    %swap3A_2206 = arith.index_cast %swap3A_2205 : i32 to index
    %swap3A_2207 = arith.constant 896 : index
    %swap3A_2208 = tpu.vector_load %arg9[%swap3A_2206, %swap3A_2207] {strides = array<i32>} : memref<2x1024xf32, #tpu.memory_space<vmem>>, vector<1x16xf32>,
    %swap3A_2209 = vector.shape_cast %swap3A_2208 : vector<1x16xf32> to vector<16xf32>
    %swap3A_2210 = vector.shape_cast %add3A_2204 : vector<16xf32> to vector<1x16xf32>
    tpu.vector_store %arg9[%swap3A_2206, %swap3A_2207], %swap3A_2210 {strides = array<i32>} : memref<2x1024xf32, #tpu.memory_space<vmem>>, vector<1x16xf32>,
    %get3A_2211 = arith.constant 0 : i32
    %get3A_2212 = arith.index_cast %get3A_2211 : i32 to index
    %get3A_2213 = arith.constant 896 : index
    %get3A_2214 = tpu.vector_load %arg8[%get3A_2212, %get3A_2213] {strides = array<i32>} : memref<16x1024xf32, #tpu.memory_space<vmem>>, vector<1x16xf32>,
    %get3A_2215 = vector.shape_cast %get3A_2214 : vector<1x16xf32> to vector<16xf32>
    %mul3A_2216 = arith.mulf %get3A_2215, %sub3A_22 : vector<16xf32>
    %get3A_2217 = arith.constant 1 : i32
    %get3A_2218 = arith.index_cast %get3A_2217 : i32 to index
    %get3A_2219 = arith.constant 896 : index
    %get3A_2220 = tpu.vector_load %arg8[%get3A_2218, %get3A_2219] {strides = array<i32>} : memref<16x1024xf32, #tpu.memory_space<vmem>>, vector<1x16xf32>,
    %get3A_2221 = vector.shape_cast %get3A_2220 : vector<1x16xf32> to vector<16xf32>
    %mul3A_2222 = arith.mulf %get3A_2221, %sub3A : vector<16xf32>
    %add3A_2223 = arith.addf %mul3A_2216, %mul3A_2222 : vector<16xf32>
    %swap3A_2224 = arith.constant 1 : i32
    %swap3A_2225 = arith.index_cast %swap3A_2224 : i32 to index
    %swap3A_2226 = arith.constant 896 : index
    %swap3A_2227 = tpu.vector_load %arg9[%swap3A_2225, %swap3A_2226] {strides = array<i32>} : memref<2x1024xf32, #tpu.memory_space<vmem>>, vector<1x16xf32>,
    %swap3A_2228 = vector.shape_cast %swap3A_2227 : vector<1x16xf32> to vector<16xf32>
    %swap3A_2229 = vector.shape_cast %add3A_2223 : vector<16xf32> to vector<1x16xf32>
    tpu.vector_store %arg9[%swap3A_2225, %swap3A_2226], %swap3A_2229 {strides = array<i32>} : memref<2x1024xf32, #tpu.memory_space<vmem>>, vector<1x16xf32>,
    %get3A_2230 = arith.constant 0 : i32
    %get3A_2231 = arith.index_cast %get3A_2230 : i32 to index
    %get3A_2232 = arith.constant 912 : index
    %get3A_2233 = tpu.vector_load %arg7[%get3A_2231, %get3A_2232] {strides = array<i32>} : memref<16x1024xf32, #tpu.memory_space<vmem>>, vector<1x16xf32>,
    %get3A_2234 = vector.shape_cast %get3A_2233 : vector<1x16xf32> to vector<16xf32>
    %mul3A_2235 = arith.mulf %get3A_2234, %sub3A_22 : vector<16xf32>
    %get3A_2236 = arith.constant 1 : i32
    %get3A_2237 = arith.index_cast %get3A_2236 : i32 to index
    %get3A_2238 = arith.constant 912 : index
    %get3A_2239 = tpu.vector_load %arg7[%get3A_2237, %get3A_2238] {strides = array<i32>} : memref<16x1024xf32, #tpu.memory_space<vmem>>, vector<1x16xf32>,
    %get3A_2240 = vector.shape_cast %get3A_2239 : vector<1x16xf32> to vector<16xf32>
    %mul3A_2241 = arith.mulf %get3A_2240, %sub3A : vector<16xf32>
    %add3A_2242 = arith.addf %mul3A_2235, %mul3A_2241 : vector<16xf32>
    %swap3A_2243 = arith.constant 0 : i32
    %swap3A_2244 = arith.index_cast %swap3A_2243 : i32 to index
    %swap3A_2245 = arith.constant 912 : index
    %swap3A_2246 = tpu.vector_load %arg9[%swap3A_2244, %swap3A_2245] {strides = array<i32>} : memref<2x1024xf32, #tpu.memory_space<vmem>>, vector<1x16xf32>,
    %swap3A_2247 = vector.shape_cast %swap3A_2246 : vector<1x16xf32> to vector<16xf32>
    %swap3A_2248 = vector.shape_cast %add3A_2242 : vector<16xf32> to vector<1x16xf32>
    tpu.vector_store %arg9[%swap3A_2244, %swap3A_2245], %swap3A_2248 {strides = array<i32>} : memref<2x1024xf32, #tpu.memory_space<vmem>>, vector<1x16xf32>,
    %get3A_2249 = arith.constant 0 : i32
    %get3A_2250 = arith.index_cast %get3A_2249 : i32 to index
    %get3A_2251 = arith.constant 912 : index
    %get3A_2252 = tpu.vector_load %arg8[%get3A_2250, %get3A_2251] {strides = array<i32>} : memref<16x1024xf32, #tpu.memory_space<vmem>>, vector<1x16xf32>,
    %get3A_2253 = vector.shape_cast %get3A_2252 : vector<1x16xf32> to vector<16xf32>
    %mul3A_2254 = arith.mulf %get3A_2253, %sub3A_22 : vector<16xf32>
    %get3A_2255 = arith.constant 1 : i32
    %get3A_2256 = arith.index_cast %get3A_2255 : i32 to index
    %get3A_2257 = arith.constant 912 : index
    %get3A_2258 = tpu.vector_load %arg8[%get3A_2256, %get3A_2257] {strides = array<i32>} : memref<16x1024xf32, #tpu.memory_space<vmem>>, vector<1x16xf32>,
    %get3A_2259 = vector.shape_cast %get3A_2258 : vector<1x16xf32> to vector<16xf32>
    %mul3A_2260 = arith.mulf %get3A_2259, %sub3A : vector<16xf32>
    %add3A_2261 = arith.addf %mul3A_2254, %mul3A_2260 : vector<16xf32>
    %swap3A_2262 = arith.constant 1 : i32
    %swap3A_2263 = arith.index_cast %swap3A_2262 : i32 to index
    %swap3A_2264 = arith.constant 912 : index
    %swap3A_2265 = tpu.vector_load %arg9[%swap3A_2263, %swap3A_2264] {strides = array<i32>} : memref<2x1024xf32, #tpu.memory_space<vmem>>, vector<1x16xf32>,
    %swap3A_2266 = vector.shape_cast %swap3A_2265 : vector<1x16xf32> to vector<16xf32>
    %swap3A_2267 = vector.shape_cast %add3A_2261 : vector<16xf32> to vector<1x16xf32>
    tpu.vector_store %arg9[%swap3A_2263, %swap3A_2264], %swap3A_2267 {strides = array<i32>} : memref<2x1024xf32, #tpu.memory_space<vmem>>, vector<1x16xf32>,
    %get3A_2268 = arith.constant 0 : i32
    %get3A_2269 = arith.index_cast %get3A_2268 : i32 to index
    %get3A_2270 = arith.constant 928 : index
    %get3A_2271 = tpu.vector_load %arg7[%get3A_2269, %get3A_2270] {strides = array<i32>} : memref<16x1024xf32, #tpu.memory_space<vmem>>, vector<1x16xf32>,
    %get3A_2272 = vector.shape_cast %get3A_2271 : vector<1x16xf32> to vector<16xf32>
    %mul3A_2273 = arith.mulf %get3A_2272, %sub3A_22 : vector<16xf32>
    %get3A_2274 = arith.constant 1 : i32
    %get3A_2275 = arith.index_cast %get3A_2274 : i32 to index
    %get3A_2276 = arith.constant 928 : index
    %get3A_2277 = tpu.vector_load %arg7[%get3A_2275, %get3A_2276] {strides = array<i32>} : memref<16x1024xf32, #tpu.memory_space<vmem>>, vector<1x16xf32>,
    %get3A_2278 = vector.shape_cast %get3A_2277 : vector<1x16xf32> to vector<16xf32>
    %mul3A_2279 = arith.mulf %get3A_2278, %sub3A : vector<16xf32>
    %add3A_2280 = arith.addf %mul3A_2273, %mul3A_2279 : vector<16xf32>
    %swap3A_2281 = arith.constant 0 : i32
    %swap3A_2282 = arith.index_cast %swap3A_2281 : i32 to index
    %swap3A_2283 = arith.constant 928 : index
    %swap3A_2284 = tpu.vector_load %arg9[%swap3A_2282, %swap3A_2283] {strides = array<i32>} : memref<2x1024xf32, #tpu.memory_space<vmem>>, vector<1x16xf32>,
    %swap3A_2285 = vector.shape_cast %swap3A_2284 : vector<1x16xf32> to vector<16xf32>
    %swap3A_2286 = vector.shape_cast %add3A_2280 : vector<16xf32> to vector<1x16xf32>
    tpu.vector_store %arg9[%swap3A_2282, %swap3A_2283], %swap3A_2286 {strides = array<i32>} : memref<2x1024xf32, #tpu.memory_space<vmem>>, vector<1x16xf32>,
    %get3A_2287 = arith.constant 0 : i32
    %get3A_2288 = arith.index_cast %get3A_2287 : i32 to index
    %get3A_2289 = arith.constant 928 : index
    %get3A_2290 = tpu.vector_load %arg8[%get3A_2288, %get3A_2289] {strides = array<i32>} : memref<16x1024xf32, #tpu.memory_space<vmem>>, vector<1x16xf32>,
    %get3A_2291 = vector.shape_cast %get3A_2290 : vector<1x16xf32> to vector<16xf32>
    %mul3A_2292 = arith.mulf %get3A_2291, %sub3A_22 : vector<16xf32>
    %get3A_2293 = arith.constant 1 : i32
    %get3A_2294 = arith.index_cast %get3A_2293 : i32 to index
    %get3A_2295 = arith.constant 928 : index
    %get3A_2296 = tpu.vector_load %arg8[%get3A_2294, %get3A_2295] {strides = array<i32>} : memref<16x1024xf32, #tpu.memory_space<vmem>>, vector<1x16xf32>,
    %get3A_2297 = vector.shape_cast %get3A_2296 : vector<1x16xf32> to vector<16xf32>
    %mul3A_2298 = arith.mulf %get3A_2297, %sub3A : vector<16xf32>
    %add3A_2299 = arith.addf %mul3A_2292, %mul3A_2298 : vector<16xf32>
    %swap3A_2300 = arith.constant 1 : i32
    %swap3A_2301 = arith.index_cast %swap3A_2300 : i32 to index
    %swap3A_2302 = arith.constant 928 : index
    %swap3A_2303 = tpu.vector_load %arg9[%swap3A_2301, %swap3A_2302] {strides = array<i32>} : memref<2x1024xf32, #tpu.memory_space<vmem>>, vector<1x16xf32>,
    %swap3A_2304 = vector.shape_cast %swap3A_2303 : vector<1x16xf32> to vector<16xf32>
    %swap3A_2305 = vector.shape_cast %add3A_2299 : vector<16xf32> to vector<1x16xf32>
    tpu.vector_store %arg9[%swap3A_2301, %swap3A_2302], %swap3A_2305 {strides = array<i32>} : memref<2x1024xf32, #tpu.memory_space<vmem>>, vector<1x16xf32>,
    %get3A_2306 = arith.constant 0 : i32
    %get3A_2307 = arith.index_cast %get3A_2306 : i32 to index
    %get3A_2308 = arith.constant 944 : index
    %get3A_2309 = tpu.vector_load %arg7[%get3A_2307, %get3A_2308] {strides = array<i32>} : memref<16x1024xf32, #tpu.memory_space<vmem>>, vector<1x16xf32>,
    %get3A_2310 = vector.shape_cast %get3A_2309 : vector<1x16xf32> to vector<16xf32>
    %mul3A_2311 = arith.mulf %get3A_2310, %sub3A_22 : vector<16xf32>
    %get3A_2312 = arith.constant 1 : i32
    %get3A_2313 = arith.index_cast %get3A_2312 : i32 to index
    %get3A_2314 = arith.constant 944 : index
    %get3A_2315 = tpu.vector_load %arg7[%get3A_2313, %get3A_2314] {strides = array<i32>} : memref<16x1024xf32, #tpu.memory_space<vmem>>, vector<1x16xf32>,
    %get3A_2316 = vector.shape_cast %get3A_2315 : vector<1x16xf32> to vector<16xf32>
    %mul3A_2317 = arith.mulf %get3A_2316, %sub3A : vector<16xf32>
    %add3A_2318 = arith.addf %mul3A_2311, %mul3A_2317 : vector<16xf32>
    %swap3A_2319 = arith.constant 0 : i32
    %swap3A_2320 = arith.index_cast %swap3A_2319 : i32 to index
    %swap3A_2321 = arith.constant 944 : index
    %swap3A_2322 = tpu.vector_load %arg9[%swap3A_2320, %swap3A_2321] {strides = array<i32>} : memref<2x1024xf32, #tpu.memory_space<vmem>>, vector<1x16xf32>,
    %swap3A_2323 = vector.shape_cast %swap3A_2322 : vector<1x16xf32> to vector<16xf32>
    %swap3A_2324 = vector.shape_cast %add3A_2318 : vector<16xf32> to vector<1x16xf32>
    tpu.vector_store %arg9[%swap3A_2320, %swap3A_2321], %swap3A_2324 {strides = array<i32>} : memref<2x1024xf32, #tpu.memory_space<vmem>>, vector<1x16xf32>,
    %get3A_2325 = arith.constant 0 : i32
    %get3A_2326 = arith.index_cast %get3A_2325 : i32 to index
    %get3A_2327 = arith.constant 944 : index
    %get3A_2328 = tpu.vector_load %arg8[%get3A_2326, %get3A_2327] {strides = array<i32>} : memref<16x1024xf32, #tpu.memory_space<vmem>>, vector<1x16xf32>,
    %get3A_2329 = vector.shape_cast %get3A_2328 : vector<1x16xf32> to vector<16xf32>
    %mul3A_2330 = arith.mulf %get3A_2329, %sub3A_22 : vector<16xf32>
    %get3A_2331 = arith.constant 1 : i32
    %get3A_2332 = arith.index_cast %get3A_2331 : i32 to index
    %get3A_2333 = arith.constant 944 : index
    %get3A_2334 = tpu.vector_load %arg8[%get3A_2332, %get3A_2333] {strides = array<i32>} : memref<16x1024xf32, #tpu.memory_space<vmem>>, vector<1x16xf32>,
    %get3A_2335 = vector.shape_cast %get3A_2334 : vector<1x16xf32> to vector<16xf32>
    %mul3A_2336 = arith.mulf %get3A_2335, %sub3A : vector<16xf32>
    %add3A_2337 = arith.addf %mul3A_2330, %mul3A_2336 : vector<16xf32>
    %swap3A_2338 = arith.constant 1 : i32
    %swap3A_2339 = arith.index_cast %swap3A_2338 : i32 to index
    %swap3A_2340 = arith.constant 944 : index
    %swap3A_2341 = tpu.vector_load %arg9[%swap3A_2339, %swap3A_2340] {strides = array<i32>} : memref<2x1024xf32, #tpu.memory_space<vmem>>, vector<1x16xf32>,
    %swap3A_2342 = vector.shape_cast %swap3A_2341 : vector<1x16xf32> to vector<16xf32>
    %swap3A_2343 = vector.shape_cast %add3A_2337 : vector<16xf32> to vector<1x16xf32>
    tpu.vector_store %arg9[%swap3A_2339, %swap3A_2340], %swap3A_2343 {strides = array<i32>} : memref<2x1024xf32, #tpu.memory_space<vmem>>, vector<1x16xf32>,
    %get3A_2344 = arith.constant 0 : i32
    %get3A_2345 = arith.index_cast %get3A_2344 : i32 to index
    %get3A_2346 = arith.constant 960 : index
    %get3A_2347 = tpu.vector_load %arg7[%get3A_2345, %get3A_2346] {strides = array<i32>} : memref<16x1024xf32, #tpu.memory_space<vmem>>, vector<1x16xf32>,
    %get3A_2348 = vector.shape_cast %get3A_2347 : vector<1x16xf32> to vector<16xf32>
    %mul3A_2349 = arith.mulf %get3A_2348, %sub3A_22 : vector<16xf32>
    %get3A_2350 = arith.constant 1 : i32
    %get3A_2351 = arith.index_cast %get3A_2350 : i32 to index
    %get3A_2352 = arith.constant 960 : index
    %get3A_2353 = tpu.vector_load %arg7[%get3A_2351, %get3A_2352] {strides = array<i32>} : memref<16x1024xf32, #tpu.memory_space<vmem>>, vector<1x16xf32>,
    %get3A_2354 = vector.shape_cast %get3A_2353 : vector<1x16xf32> to vector<16xf32>
    %mul3A_2355 = arith.mulf %get3A_2354, %sub3A : vector<16xf32>
    %add3A_2356 = arith.addf %mul3A_2349, %mul3A_2355 : vector<16xf32>
    %swap3A_2357 = arith.constant 0 : i32
    %swap3A_2358 = arith.index_cast %swap3A_2357 : i32 to index
    %swap3A_2359 = arith.constant 960 : index
    %swap3A_2360 = tpu.vector_load %arg9[%swap3A_2358, %swap3A_2359] {strides = array<i32>} : memref<2x1024xf32, #tpu.memory_space<vmem>>, vector<1x16xf32>,
    %swap3A_2361 = vector.shape_cast %swap3A_2360 : vector<1x16xf32> to vector<16xf32>
    %swap3A_2362 = vector.shape_cast %add3A_2356 : vector<16xf32> to vector<1x16xf32>
    tpu.vector_store %arg9[%swap3A_2358, %swap3A_2359], %swap3A_2362 {strides = array<i32>} : memref<2x1024xf32, #tpu.memory_space<vmem>>, vector<1x16xf32>,
    %get3A_2363 = arith.constant 0 : i32
    %get3A_2364 = arith.index_cast %get3A_2363 : i32 to index
    %get3A_2365 = arith.constant 960 : index
    %get3A_2366 = tpu.vector_load %arg8[%get3A_2364, %get3A_2365] {strides = array<i32>} : memref<16x1024xf32, #tpu.memory_space<vmem>>, vector<1x16xf32>,
    %get3A_2367 = vector.shape_cast %get3A_2366 : vector<1x16xf32> to vector<16xf32>
    %mul3A_2368 = arith.mulf %get3A_2367, %sub3A_22 : vector<16xf32>
    %get3A_2369 = arith.constant 1 : i32
    %get3A_2370 = arith.index_cast %get3A_2369 : i32 to index
    %get3A_2371 = arith.constant 960 : index
    %get3A_2372 = tpu.vector_load %arg8[%get3A_2370, %get3A_2371] {strides = array<i32>} : memref<16x1024xf32, #tpu.memory_space<vmem>>, vector<1x16xf32>,
    %get3A_2373 = vector.shape_cast %get3A_2372 : vector<1x16xf32> to vector<16xf32>
    %mul3A_2374 = arith.mulf %get3A_2373, %sub3A : vector<16xf32>
    %add3A_2375 = arith.addf %mul3A_2368, %mul3A_2374 : vector<16xf32>
    %swap3A_2376 = arith.constant 1 : i32
    %swap3A_2377 = arith.index_cast %swap3A_2376 : i32 to index
    %swap3A_2378 = arith.constant 960 : index
    %swap3A_2379 = tpu.vector_load %arg9[%swap3A_2377, %swap3A_2378] {strides = array<i32>} : memref<2x1024xf32, #tpu.memory_space<vmem>>, vector<1x16xf32>,
    %swap3A_2380 = vector.shape_cast %swap3A_2379 : vector<1x16xf32> to vector<16xf32>
    %swap3A_2381 = vector.shape_cast %add3A_2375 : vector<16xf32> to vector<1x16xf32>
    tpu.vector_store %arg9[%swap3A_2377, %swap3A_2378], %swap3A_2381 {strides = array<i32>} : memref<2x1024xf32, #tpu.memory_space<vmem>>, vector<1x16xf32>,
    %get3A_2382 = arith.constant 0 : i32
    %get3A_2383 = arith.index_cast %get3A_2382 : i32 to index
    %get3A_2384 = arith.constant 976 : index
    %get3A_2385 = tpu.vector_load %arg7[%get3A_2383, %get3A_2384] {strides = array<i32>} : memref<16x1024xf32, #tpu.memory_space<vmem>>, vector<1x16xf32>,
    %get3A_2386 = vector.shape_cast %get3A_2385 : vector<1x16xf32> to vector<16xf32>
    %mul3A_2387 = arith.mulf %get3A_2386, %sub3A_22 : vector<16xf32>
    %get3A_2388 = arith.constant 1 : i32
    %get3A_2389 = arith.index_cast %get3A_2388 : i32 to index
    %get3A_2390 = arith.constant 976 : index
    %get3A_2391 = tpu.vector_load %arg7[%get3A_2389, %get3A_2390] {strides = array<i32>} : memref<16x1024xf32, #tpu.memory_space<vmem>>, vector<1x16xf32>,
    %get3A_2392 = vector.shape_cast %get3A_2391 : vector<1x16xf32> to vector<16xf32>
    %mul3A_2393 = arith.mulf %get3A_2392, %sub3A : vector<16xf32>
    %add3A_2394 = arith.addf %mul3A_2387, %mul3A_2393 : vector<16xf32>
    %swap3A_2395 = arith.constant 0 : i32
    %swap3A_2396 = arith.index_cast %swap3A_2395 : i32 to index
    %swap3A_2397 = arith.constant 976 : index
    %swap3A_2398 = tpu.vector_load %arg9[%swap3A_2396, %swap3A_2397] {strides = array<i32>} : memref<2x1024xf32, #tpu.memory_space<vmem>>, vector<1x16xf32>,
    %swap3A_2399 = vector.shape_cast %swap3A_2398 : vector<1x16xf32> to vector<16xf32>
    %swap3A_2400 = vector.shape_cast %add3A_2394 : vector<16xf32> to vector<1x16xf32>
    tpu.vector_store %arg9[%swap3A_2396, %swap3A_2397], %swap3A_2400 {strides = array<i32>} : memref<2x1024xf32, #tpu.memory_space<vmem>>, vector<1x16xf32>,
    %get3A_2401 = arith.constant 0 : i32
    %get3A_2402 = arith.index_cast %get3A_2401 : i32 to index
    %get3A_2403 = arith.constant 976 : index
    %get3A_2404 = tpu.vector_load %arg8[%get3A_2402, %get3A_2403] {strides = array<i32>} : memref<16x1024xf32, #tpu.memory_space<vmem>>, vector<1x16xf32>,
    %get3A_2405 = vector.shape_cast %get3A_2404 : vector<1x16xf32> to vector<16xf32>
    %mul3A_2406 = arith.mulf %get3A_2405, %sub3A_22 : vector<16xf32>
    %get3A_2407 = arith.constant 1 : i32
    %get3A_2408 = arith.index_cast %get3A_2407 : i32 to index
    %get3A_2409 = arith.constant 976 : index
    %get3A_2410 = tpu.vector_load %arg8[%get3A_2408, %get3A_2409] {strides = array<i32>} : memref<16x1024xf32, #tpu.memory_space<vmem>>, vector<1x16xf32>,
    %get3A_2411 = vector.shape_cast %get3A_2410 : vector<1x16xf32> to vector<16xf32>
    %mul3A_2412 = arith.mulf %get3A_2411, %sub3A : vector<16xf32>
    %add3A_2413 = arith.addf %mul3A_2406, %mul3A_2412 : vector<16xf32>
    %swap3A_2414 = arith.constant 1 : i32
    %swap3A_2415 = arith.index_cast %swap3A_2414 : i32 to index
    %swap3A_2416 = arith.constant 976 : index
    %swap3A_2417 = tpu.vector_load %arg9[%swap3A_2415, %swap3A_2416] {strides = array<i32>} : memref<2x1024xf32, #tpu.memory_space<vmem>>, vector<1x16xf32>,
    %swap3A_2418 = vector.shape_cast %swap3A_2417 : vector<1x16xf32> to vector<16xf32>
    %swap3A_2419 = vector.shape_cast %add3A_2413 : vector<16xf32> to vector<1x16xf32>
    tpu.vector_store %arg9[%swap3A_2415, %swap3A_2416], %swap3A_2419 {strides = array<i32>} : memref<2x1024xf32, #tpu.memory_space<vmem>>, vector<1x16xf32>,
    %get3A_2420 = arith.constant 0 : i32
    %get3A_2421 = arith.index_cast %get3A_2420 : i32 to index
    %get3A_2422 = arith.constant 992 : index
    %get3A_2423 = tpu.vector_load %arg7[%get3A_2421, %get3A_2422] {strides = array<i32>} : memref<16x1024xf32, #tpu.memory_space<vmem>>, vector<1x16xf32>,
    %get3A_2424 = vector.shape_cast %get3A_2423 : vector<1x16xf32> to vector<16xf32>
    %mul3A_2425 = arith.mulf %get3A_2424, %sub3A_22 : vector<16xf32>
    %get3A_2426 = arith.constant 1 : i32
    %get3A_2427 = arith.index_cast %get3A_2426 : i32 to index
    %get3A_2428 = arith.constant 992 : index
    %get3A_2429 = tpu.vector_load %arg7[%get3A_2427, %get3A_2428] {strides = array<i32>} : memref<16x1024xf32, #tpu.memory_space<vmem>>, vector<1x16xf32>,
    %get3A_2430 = vector.shape_cast %get3A_2429 : vector<1x16xf32> to vector<16xf32>
    %mul3A_2431 = arith.mulf %get3A_2430, %sub3A : vector<16xf32>
    %add3A_2432 = arith.addf %mul3A_2425, %mul3A_2431 : vector<16xf32>
    %swap3A_2433 = arith.constant 0 : i32
    %swap3A_2434 = arith.index_cast %swap3A_2433 : i32 to index
    %swap3A_2435 = arith.constant 992 : index
    %swap3A_2436 = tpu.vector_load %arg9[%swap3A_2434, %swap3A_2435] {strides = array<i32>} : memref<2x1024xf32, #tpu.memory_space<vmem>>, vector<1x16xf32>,
    %swap3A_2437 = vector.shape_cast %swap3A_2436 : vector<1x16xf32> to vector<16xf32>
    %swap3A_2438 = vector.shape_cast %add3A_2432 : vector<16xf32> to vector<1x16xf32>
    tpu.vector_store %arg9[%swap3A_2434, %swap3A_2435], %swap3A_2438 {strides = array<i32>} : memref<2x1024xf32, #tpu.memory_space<vmem>>, vector<1x16xf32>,
    %get3A_2439 = arith.constant 0 : i32
    %get3A_2440 = arith.index_cast %get3A_2439 : i32 to index
    %get3A_2441 = arith.constant 992 : index
    %get3A_2442 = tpu.vector_load %arg8[%get3A_2440, %get3A_2441] {strides = array<i32>} : memref<16x1024xf32, #tpu.memory_space<vmem>>, vector<1x16xf32>,
    %get3A_2443 = vector.shape_cast %get3A_2442 : vector<1x16xf32> to vector<16xf32>
    %mul3A_2444 = arith.mulf %get3A_2443, %sub3A_22 : vector<16xf32>
    %get3A_2445 = arith.constant 1 : i32
    %get3A_2446 = arith.index_cast %get3A_2445 : i32 to index
    %get3A_2447 = arith.constant 992 : index
    %get3A_2448 = tpu.vector_load %arg8[%get3A_2446, %get3A_2447] {strides = array<i32>} : memref<16x1024xf32, #tpu.memory_space<vmem>>, vector<1x16xf32>,
    %get3A_2449 = vector.shape_cast %get3A_2448 : vector<1x16xf32> to vector<16xf32>
    %mul3A_2450 = arith.mulf %get3A_2449, %sub3A : vector<16xf32>
    %add3A_2451 = arith.addf %mul3A_2444, %mul3A_2450 : vector<16xf32>
    %swap3A_2452 = arith.constant 1 : i32
    %swap3A_2453 = arith.index_cast %swap3A_2452 : i32 to index
    %swap3A_2454 = arith.constant 992 : index
    %swap3A_2455 = tpu.vector_load %arg9[%swap3A_2453, %swap3A_2454] {strides = array<i32>} : memref<2x1024xf32, #tpu.memory_space<vmem>>, vector<1x16xf32>,
    %swap3A_2456 = vector.shape_cast %swap3A_2455 : vector<1x16xf32> to vector<16xf32>
    %swap3A_2457 = vector.shape_cast %add3A_2451 : vector<16xf32> to vector<1x16xf32>
    tpu.vector_store %arg9[%swap3A_2453, %swap3A_2454], %swap3A_2457 {strides = array<i32>} : memref<2x1024xf32, #tpu.memory_space<vmem>>, vector<1x16xf32>,
    %get3A_2458 = arith.constant 0 : i32
    %get3A_2459 = arith.index_cast %get3A_2458 : i32 to index
    %get3A_2460 = arith.constant 1008 : index
    %get3A_2461 = tpu.vector_load %arg7[%get3A_2459, %get3A_2460] {strides = array<i32>} : memref<16x1024xf32, #tpu.memory_space<vmem>>, vector<1x16xf32>,
    %get3A_2462 = vector.shape_cast %get3A_2461 : vector<1x16xf32> to vector<16xf32>
    %mul3A_2463 = arith.mulf %get3A_2462, %sub3A_22 : vector<16xf32>
    %get3A_2464 = arith.constant 1 : i32
    %get3A_2465 = arith.index_cast %get3A_2464 : i32 to index
    %get3A_2466 = arith.constant 1008 : index
    %get3A_2467 = tpu.vector_load %arg7[%get3A_2465, %get3A_2466] {strides = array<i32>} : memref<16x1024xf32, #tpu.memory_space<vmem>>, vector<1x16xf32>,
    %get3A_2468 = vector.shape_cast %get3A_2467 : vector<1x16xf32> to vector<16xf32>
    %mul3A_2469 = arith.mulf %get3A_2468, %sub3A : vector<16xf32>
    %add3A_2470 = arith.addf %mul3A_2463, %mul3A_2469 : vector<16xf32>
    %swap3A_2471 = arith.constant 0 : i32
    %swap3A_2472 = arith.index_cast %swap3A_2471 : i32 to index
    %swap3A_2473 = arith.constant 1008 : index
    %swap3A_2474 = tpu.vector_load %arg9[%swap3A_2472, %swap3A_2473] {strides = array<i32>} : memref<2x1024xf32, #tpu.memory_space<vmem>>, vector<1x16xf32>,
    %swap3A_2475 = vector.shape_cast %swap3A_2474 : vector<1x16xf32> to vector<16xf32>
    %swap3A_2476 = vector.shape_cast %add3A_2470 : vector<16xf32> to vector<1x16xf32>
    tpu.vector_store %arg9[%swap3A_2472, %swap3A_2473], %swap3A_2476 {strides = array<i32>} : memref<2x1024xf32, #tpu.memory_space<vmem>>, vector<1x16xf32>,
    %get3A_2477 = arith.constant 0 : i32
    %get3A_2478 = arith.index_cast %get3A_2477 : i32 to index
    %get3A_2479 = arith.constant 1008 : index
    %get3A_2480 = tpu.vector_load %arg8[%get3A_2478, %get3A_2479] {strides = array<i32>} : memref<16x1024xf32, #tpu.memory_space<vmem>>, vector<1x16xf32>,
    %get3A_2481 = vector.shape_cast %get3A_2480 : vector<1x16xf32> to vector<16xf32>
    %mul3A_2482 = arith.mulf %get3A_2481, %sub3A_22 : vector<16xf32>
    %get3A_2483 = arith.constant 1 : i32
    %get3A_2484 = arith.index_cast %get3A_2483 : i32 to index
    %get3A_2485 = arith.constant 1008 : index
    %get3A_2486 = tpu.vector_load %arg8[%get3A_2484, %get3A_2485] {strides = array<i32>} : memref<16x1024xf32, #tpu.memory_space<vmem>>, vector<1x16xf32>,
    %get3A_2487 = vector.shape_cast %get3A_2486 : vector<1x16xf32> to vector<16xf32>
    %mul3A_2488 = arith.mulf %get3A_2487, %sub3A : vector<16xf32>
    %add3A_2489 = arith.addf %mul3A_2482, %mul3A_2488 : vector<16xf32>
    %swap3A_2490 = arith.constant 1 : i32
    %swap3A_2491 = arith.index_cast %swap3A_2490 : i32 to index
    %swap3A_2492 = arith.constant 1008 : index
    %swap3A_2493 = tpu.vector_load %arg9[%swap3A_2491, %swap3A_2492] {strides = array<i32>} : memref<2x1024xf32, #tpu.memory_space<vmem>>, vector<1x16xf32>,
    %swap3A_2494 = vector.shape_cast %swap3A_2493 : vector<1x16xf32> to vector<16xf32>
    %swap3A_2495 = vector.shape_cast %add3A_2489 : vector<16xf32> to vector<1x16xf32>
    tpu.vector_store %arg9[%swap3A_2491, %swap3A_2492], %swap3A_2495 {strides = array<i32>} : memref<2x1024xf32, #tpu.memory_space<vmem>>, vector<1x16xf32>,
    %mul3A_2496 = arith.constant 2 : i32
    %mul3A_2497 = arith.muli %mul3A_2496, %add3A : i32
    "tpu.region"() ({
      %run_scoped3A_2498 = tpu.sem_alloc : memref<!tpu.dma_semaphore, #tpu.memory_space<semaphore_mem>>
      %dma_start3A_2499 = arith.constant 0 : i32
      %dma_start3A_2500 = tpu.memref_slice %arg4[%mul3A_2497, %dma_start3A_2499] : memref<64x1024xf32, #tpu.memory_space<hbm>> -> memref<2x1024xf32, #tpu.memory_space<hbm>>
      %dma_start3A_2501 = arith.constant 0 : i32
      %dma_start3A_2502 = tpu.memref_slice %arg4[%mul3A_2497, %dma_start3A_2501] : memref<64x1024xf32, #tpu.memory_space<hbm>> -> memref<2x1024xf32, #tpu.memory_space<hbm>>
      tpu.enqueue_dma source(%arg9 : memref<2x1024xf32, #tpu.memory_space<vmem>>) target(%dma_start3A_2502 : memref<2x1024xf32, #tpu.memory_space<hbm>>) target_semaphore(%run_scoped3A_2498 : memref<!tpu.dma_semaphore, #tpu.memory_space<semaphore_mem>>)
      %dma_wait3A_2503 = arith.constant 0 : i32
      %dma_wait3A_2504 = tpu.memref_slice %arg4[%mul3A_2497, %dma_wait3A_2503] : memref<64x1024xf32, #tpu.memory_space<hbm>> -> memref<2x1024xf32, #tpu.memory_space<hbm>>
      %dma_wait3A_2505 = arith.constant 0 : i32
      %dma_wait3A_2506 = tpu.memref_slice %arg4[%mul3A_2497, %dma_wait3A_2505] : memref<64x1024xf32, #tpu.memory_space<hbm>> -> memref<2x1024xf32, #tpu.memory_space<hbm>>
      tpu.wait_dma2 semaphore(%run_scoped3A_2498 : memref<!tpu.dma_semaphore, #tpu.memory_space<semaphore_mem>>) src(%arg9 : memref<2x1024xf32, #tpu.memory_space<vmem>>) dst(%dma_wait3A_2506 : memref<2x1024xf32, #tpu.memory_space<hbm>>)
      tpu.yield
    }) : () -> ()
    return
  }
}

module attributes {stable_mosaic.version = 14 : i64} {
  func.func @_mm_body(%arg0: memref<64x1024xf32, #tpu.memory_space<vmem>>, %arg1: memref<1024x256xf32, #tpu.memory_space<vmem>>, %arg2: memref<64x256xf32, #tpu.memory_space<vmem>>) attributes {dimension_semantics = [], scalar_prefetch = 0 : i64, scratch_operands = 0 : i64, tpu.core_type = #tpu.core_type<tc>} {
    %get3A = arith.constant 0 : index
    %get3A_0 = arith.constant 0 : index
    %get3A_1 = vector.load %arg0[%get3A, %get3A_0] : memref<64x1024xf32, #tpu.memory_space<vmem>>, vector<64x1024xf32>
    %get3A_2 = arith.constant 0 : index
    %get3A_3 = arith.constant 0 : index
    %get3A_4 = vector.load %arg1[%get3A_2, %get3A_3] : memref<1024x256xf32, #tpu.memory_space<vmem>>, vector<1024x256xf32>
    %dot_general3A = arith.constant dense<0.000000e+00> : vector<64x256xf32>
    %dot_general3A_5 = tpu.matmul %get3A_1, %get3A_4, %dot_general3A {dimension_numbers = #tpu.dot_dimension_numbers<[1], [0], [0], [1], [0, 0, 1, 1], [], []>, transpose_lhs_hint = false} : vector<64x1024xf32>, vector<1024x256xf32>, vector<64x256xf32> -> vector<64x256xf32>
    %swap3A = arith.constant 0 : index
    %swap3A_6 = arith.constant 0 : index
    %swap3A_7 = vector.load %arg2[%swap3A, %swap3A_6] : memref<64x256xf32, #tpu.memory_space<vmem>>, vector<64x256xf32>
    tpu.vector_store %arg2[%swap3A, %swap3A_6], %dot_general3A_5 {strides = array<i32>} : memref<64x256xf32, #tpu.memory_space<vmem>>, vector<64x256xf32>,
    return
  }
}

</mosaic_0001>

<sc_bundles>
// kernel: kernel.4.cloned.1.call-start
scs
__scs_entry_jumppad:
0x0: {  	(pc) =	sbr.rel $0x88, $3  }
0x1: {  	(tag) =	ssettag $0x0;
	lr =	simm.s32 $0x1  }
0x2: {  	[smem:$0x3F9E] =	sst lr;
	_ =	strace $0xD0000000  }
0x3: {  	_ = 	snop  }
0x4: {  	_ = 	snop  }
0x5: {  	_ = 	snop  }
0x6: {  	_ = 	snop  }
0x7: {  	_ = 	snop  }
__scs_overlays_trampoline_lowered:
0x8: {  	[smem:$0x3FAD] =	sst s0  }
0x9: {  	[smem:$0x3FAE] =	sst s1  }
0xa: {  	[smem:$0x3FAF] =	sst s2  }
0xb: {  	[smem:$0x3FB0] =	sst s3  }
0xc: {  	[smem:$0x3FB1] =	sst s4  }
0xd: {  	[smem:$0x3FB2] =	sst s5  }
0xe: {  	[smem:$0x3FB3] =	sst s6  }
0xf: {  	[smem:$0x3FB4] =	sst s7  }
0x10: {  	[smem:$0x3FB5] =	sst s8  }
0x11: {  	[smem:$0x3FB6] =	sst s9;
	s0 =	simm.s32 @!p0 $0x0  }
0x12: {  	s1 =	sld [smem:$0x3F9C];
	s0 =	simm.s32 @p0 $0x1  }
0x13: {  	[smem:$0x3FB7] =	sst s0;
	s0 =	simm.s32 @!p1 $0x0  }
0x14: {  	s2 =	sld [smem:$0x3F9B];
	s0 =	simm.s32 @p1 $0x1  }
0x15: {  	[smem:$0x3FB8] =	sst s0;
	s0 =	simm.s32 @!p2 $0x0  }
0x16: {  	s3 =	sld [smem:$0x3FDB];
	s0 =	simm.s32 @p2 $0x1  }
0x17: {  	s4 =	simm.s32 $0x1BF5;
	[smem:$0x3FBA] =	sst s0  }
0x18: {  	s0 =	sld [smem:$0x3F9D];
	_ =	swait.ge [sflag:s4], $0x0  }
0x19: {  	s7 =	sld [smem:$0x3F9E]  }
0x1a: {  	s8 =	sadd.s32 $0xFFFFE003, lr  }
0x1b: {  	s9 =	sadd.s32 $0xFFFFFEF7, lr;
	s5 =	simm.s32 $0xFFFFFFFF;
	p2 =	slt.u32 s8, $0xFFFFF086  }
0x1c: {  	p1 =	slt.u32 s9, $0xF7A;
	s5 =	simm.s32 @!p2 $0x0  }
0x1d: {  	s5 =	simm.s32 @p1 $0x1;
	p0 =	seq.s32 s7, s2  }
0x1e: {  	s7 =	smul.u32 @!p0 $0xF7A, s2;
	p2 =	seq.s32 @!p0 s5, $0x0  }
0x1f: {  	s9 =	smul.u32 $0xF7A, s1;
	s8 =	simm.s32 @!p0 $0x1BF5;
	p2 =	por !p2, p0  }
0x20: {  	[sflag:s8] =	ssyncset.s32 @!p0 $0xFFFFF086;
	s6 =	sadd.s32 @!p0 s3, s7;
	s7 =	simm.s32 @!p0 $0x108  }
0x21: {  	s3 =	sadd.s32 s3, s9;
	s6 =	sadd.s32 @!p0 $0x88, s6;
	s7 =	simm.s32 @p2 $0x1082  }
0x22: {  	[simem:s7], [sflag:s8] =	dma.local @!p0 [hbm:s6], $0xF7A  }
0x23: {  	s9 =	sor.u32 $0xD0000000, s2;
	s6 =	simm.s32 $0x108;
	_ =	swait.ge @!p0 [sflag:s8], $0x0  }
0x24: {  	s3 =	sadd.s32 $0x88, s3;
	s6 =	simm.s32 @!p1 $0x1082;
	[sflag:s4] =	ssyncset.s32 $0xFFFFF086  }
0x25: {  	[simem:s6], [sflag:s4] =	dma.local [hbm:s3], $0xF7A  }
0x26: {  	[smem:$0x3F9E] =	sst s1;
	(tag) =	ssettag s2;
	_ =	strace s9  }
0x27: {  	s1 =	sld [smem:$0x3FAE]  }
0x28: {  	s2 =	sld [smem:$0x3FAF]  }
0x29: {  	s4 =	sld [smem:$0x3FB1]  }
0x2a: {  	p0 =	seq.s32 s5, $0x0;
	s5 =	sld [smem:$0x3FB2]  }
0x2b: {  	s6 =	sld [smem:$0x3FB3]  }
0x2c: {  	s7 =	sld [smem:$0x3FB4]  }
0x2d: {  	s3 =	simm.s32 $0x108;
	s8 =	sld [smem:$0x3FB5]  }
0x2e: {  	s3 =	simm.s32 @!p0 $0x1082;
	s9 =	sld [smem:$0x3FB6]  }
0x2f: {  	lr =	sadd.s32 s0, s3;
	s0 =	sld [smem:$0x3FAD]  }
0x30: {  	s3 =	sld [smem:$0x3FB0]  }
0x31: {  	[smem:$0x3FB9] =	sst s10  }
0x32: {  	s10 =	sld [smem:$0x3FB7];
	_ =	sdelay $0x3  }
0x33: {  	p0 =	seq.s32 s10, $0x1;
	s10 =	sld [smem:$0x3FB9];
	_ =	sdelay $0x3  }
0x34: {  	[smem:$0x3FB9] =	sst s10  }
0x35: {  	s10 =	sld [smem:$0x3FB8];
	_ =	sdelay $0x3  }
0x36: {  	p1 =	seq.s32 s10, $0x1;
	s10 =	sld [smem:$0x3FB9];
	_ =	sdelay $0x3  }
0x37: {  	[smem:$0x3FB9] =	sst s10  }
0x38: {  	s10 =	sld [smem:$0x3FBA]  }
0x39: {  	_ = 	snop;
	(pc) =	sbr.ind lr, $3  }
0x3a: {  	_ = 	snop  }
0x3b: {  	_ = 	snop  }
0x3c: {  	p2 =	seq.s32 s10, $0x1;
	s10 =	sld [smem:$0x3FB9]  }
0x3d: {  	_ =	shalt  }
0x3e: {  	_ =	shalt  }
0x3f: {  	_ =	shalt  }
0x40: {  	_ =	shalt  }
0x41: {  	_ =	shalt  }
0x42: {  	_ =	shalt  }
0x43: {  	_ =	shalt  }
0x44: {  	_ =	shalt  }
0x45: {  	_ =	shalt  }
0x46: {  	_ =	shalt  }
0x47: {  	_ =	shalt  }
0x48: {  	_ =	shalt  }
0x49: {  	_ =	shalt  }
0x4a: {  	_ =	shalt  }
0x4b: {  	_ =	shalt  }
0x4c: {  	_ =	shalt  }
0x4d: {  	_ =	shalt  }
0x4e: {  	_ =	shalt  }
0x4f: {  	_ =	shalt  }
0x50: {  	_ =	shalt  }
0x51: {  	_ =	shalt  }
0x52: {  	_ =	shalt  }
0x53: {  	_ =	shalt  }
0x54: {  	_ =	shalt  }
0x55: {  	_ =	shalt  }
0x56: {  	_ =	shalt  }
0x57: {  	_ =	shalt  }
0x58: {  	_ =	shalt  }
0x59: {  	_ =	shalt  }
0x5a: {  	_ =	shalt  }
0x5b: {  	_ =	shalt  }
0x5c: {  	_ =	shalt  }
0x5d: {  	_ =	shalt  }
0x5e: {  	_ =	shalt  }
0x5f: {  	_ =	shalt  }
0x60: {  	_ =	shalt  }
0x61: {  	_ =	shalt  }
0x62: {  	_ =	shalt  }
0x63: {  	_ =	shalt  }
0x64: {  	_ =	shalt  }
0x65: {  	_ =	shalt  }
0x66: {  	_ =	shalt  }
0x67: {  	_ =	shalt  }
0x68: {  	_ =	shalt  }
0x69: {  	_ =	shalt  }
0x6a: {  	_ =	shalt  }
0x6b: {  	_ =	shalt  }
0x6c: {  	_ =	shalt  }
0x6d: {  	_ =	shalt  }
0x6e: {  	_ =	shalt  }
0x6f: {  	_ =	shalt  }
0x70: {  	_ =	shalt  }
0x71: {  	_ =	shalt  }
0x72: {  	_ =	shalt  }
0x73: {  	_ =	shalt  }
0x74: {  	_ =	shalt  }
0x75: {  	_ =	shalt  }
0x76: {  	_ =	shalt  }
0x77: {  	_ =	shalt  }
0x78: {  	_ =	shalt  }
0x79: {  	_ =	shalt  }
0x7a: {  	_ =	shalt  }
0x7b: {  	_ =	shalt  }
0x7c: {  	_ =	shalt  }
0x7d: {  	_ =	shalt  }
0x7e: {  	_ =	shalt  }
0x7f: {  	_ =	shalt  }
0x80: {  	_ =	shalt  }
0x81: {  	_ =	shalt  }
0x82: {  	_ =	shalt  }
0x83: {  	_ =	shalt  }
0x84: {  	_ =	shalt  }
0x85: {  	_ =	shalt  }
0x86: {  	_ =	shalt  }
0x87: {  	_ =	shalt  }
.Lfunc_end0:
.L_simem_size_0:
called_computation_lowered:
.L_overlay_start_0:
0x88: {  	s2 =	sld [smem:$0x3FD9]  }
0x89: {  	s3 =	sld [smem:$0x3FFE];
	_ =	sdelay $0x1  }
0x8a: {  	s1 =	srdreg.scid  }
0x8b: {  	s0 =	sand.u32 $0x1, s1  }
0x8c: {  	s17 =	sshll.u32 s0, $0xA;
	s2 =	sadd.s32 s3, s2  }
0x8d: {  	s2 =	sadd.s32 s2, s17  }
0x8e: {  	[smem:$0x3FC5] =	sst s2  }
0x8f: {  	_ = 	snop  }
0x90: {  	s2 =	sld [smem:$0x3FC7];
	(tm) =	ssettm $0x1  }
0x91: {  	s18 =	sld [smem:$0x3FFB];
	_ =	sdelay $0x3  }
0x92: {  	_ =	strace s18  }
0x93: {  	s3 =	sld [smem:$0x3FFC];
	_ =	sdelay $0x3  }
0x94: {  	_ =	strace s3  }
0x95: {  	s3 =	sld [smem:$0x3FFD];
	_ =	sdelay $0x3  }
0x96: {  	_ =	strace s3  }
0x97: {  	_ =	strace $0x8FFFFFFF  }
0x98: {  	s19 =	sld [smem:$0x3FDB];
	_ =	sdelay $0x1  }
0x99: {  	s4 =	simm.s32 $_scs_section_size  }
0x9a: {  	s5 =	simm.s32 $_size__tile_overlayer_lowered;
	s6 =	simm.s32 $_tile_overlayer_lowered  }
0x9b: {  	s22 =	simm.s32 $0x1BFF;
	s21 =	sshll.u32 s6, $0x1;
	s3 =	sadd.s32 s4, s19  }
0x9c: {  	s7 =	simm.s32 $0x0;
	s20 =	sshll.u32 s5, $0x1;
	s5 =	sadd.s32 s21, s3  }
0x9d: {  	[timem:s7], [sflag:s22] =	dma.local [hbm:s5], s20  }
0x9e: {  	_ =	swait.ge [sflag:s22], s20  }
0x9f: {  	s4 =	ssub.s32 $0x0, s20;
	[sflag:s22] =	ssyncset.done $0x0  }
0xa0: {  	[sflag:s22] =	ssyncadd.s32 s4;
	_ =	sdelay $0x1  }
0xa1: {  	s23 =	simm.s32 $0x1B8B  }
0xa2: {  	_ =	swait.ge [sflag:s23], $0x1  }
0xa3: {  	[sflag:s23] =	ssyncset.done $0x0  }
0xa4: {  	s25 =	simm.s32 $0x1B8E;
	s24 =	sld [smem:$0x3FFE];
	[sflag:s23] =	ssyncadd.s32 $0xFFFFFFFF  }
0xa5: {  	s26 =	simm.s32 $execute0_lowered;
	[smem:$0x3FD2] =	sst s25  }
0xa6: {  	s5 =	sshll.u32 s26, $0x1;
	_ =	strace $0x80000046;
	[dreg:$0x1] =	wrdreg $0xFFFFFFFF  }
0xa7: {  	s28 =	simm.s32 $_size_execute0_lowered;
	s3 =	sadd.s32 s3, s5;
	[dreg:$0x0] =	wrdreg $0x0  }
0xa8: {  	s5 =	sshll.u32 s28, $0x1;
	[dreg:$0x2] =	wrdreg s3  }
0xa9: {  	[dreg:$0x3] =	wrdreg s5  }
0xaa: {  	[dreg:$0x4] =	wrdreg $0xC0  }
0xab: {  	_ =	task [dreg:s7], $0x5FFFF  }
0xac: {  	[dreg:$0x1] =	wrdreg $0xFFFFFFFF  }
0xad: {  	[dreg:$0x0] =	wrdreg $0x60  }
0xae: {  	[dreg:$0x2] =	wrdreg s24  }
0xaf: {  	[dreg:$0x3] =	wrdreg s2  }
0xb0: {  	[dreg:$0x4] =	wrdreg $0x9  }
0xb1: {  	_ =	task.clear_ibuf [dreg:s7], $0x5FFFF;
	_ =	strace $0x90000046  }
0xb2: {  	s29 =	simm.s32 $0x9;
	_ =	strace $0x80000048  }
0xb3: {  	_ =	swait.ge [sflag:s29], $0x1  }
0xb4: {  	[sflag:s29] =	ssyncadd.s32 $0xFFFFFFFF  }
0xb5: {  	_ =	strace $0x90000048  }
0xb6: {  	_ =	sfence  }
0xb7: {  	s30 =	sld [smem:$0x0];
	_ =	sdelay $0x2  }
0xb8: {  	s31 =	sshll.u32 s1, $0xD;
	s1 =	sshrl.u32 s1, $0x2  }
0xb9: {  	s3 =	sand.u32 $0x4000, s31;
	s1 =	sadd.s32 s1, s30  }
0xba: {  	s0 =	sor.u32 s3, s0;
	s1 =	sshll.u32 s1, $0x11  }
0xbb: {  	s0 =	sor.u32 s1, s0  }
0xbc: {  	s0 =	sadd.s32 $0x8F2B, s0  }
0xbd: {  	[sflag:s0] =	ssyncadd.remote.s32 $0x1  }
0xbe: {  	_ =	sfence.sel $0xFFFF  }
0xbf: {  	[dreg:$0x0] =	wrdreg $0xFFFFFFFF;
	(pc) =	sbr.abs _section_cstart, $3  }
0xc0: {  	[dreg:$0x1] =	wrdreg $0xFFFFFFFF  }
0xc1: {  	_ =	task.clear_ibuf [dreg:s7], $0x2FFFF;
	_ =	strace $0x9FFFFFFF  }
0xc2: {  	(tm) =	ssettm $0x7FFFFFFF  }
0xc3: {  	_ =	shalt  }
tec
execute0_lowered:
.L_overlay_start_1:
0x0: {  	(tag) =	ssettag $0x1  }
0x1: {  	s0 =	rddreg [dreg:$0x0]  }
0x2: {  	s1 =	rddreg [dreg:$0x1];
	s2 =	simm.s32 $0x0  }
0x3: {  	s3 =	srdreg.scid;
	s23 =	stileid.u32;
	s9 =	simm.s32 $0x900  }
0x4: {  	s11 =	simm.s32 $0x1100;
	s13 =	simm.s32 $0x1900;
	s14 =	simm.s32 $0x2100  }
0x5: {  	s15 =	simm.s32 $0x2900;
	s16 =	simm.s32 $0x3100;
	s17 =	simm.s32 $0x3900  }
0x6: {  	s18 =	simm.s32 $0x4100;
	s20 =	simm.s32 $0x4900;
	s22 =	simm.s32 $0x5100  }
0x7: {  	s28 =	simm.s32 $0x7100;
	s29 =	simm.s32 $0x7900;
	[dreg:$0x3] =	wrdreg s1  }
0x8: {  	s30 =	simm.s32 $0x1;
	s31 =	simm.s32 $0x400;
	[smem:$0x7FF] =	sst s2  }
0x9: {  	s3 =	sand.u32 $0x1, s3;
	s4 =	sshll.u32 s23, $0x9;
	s5 =	sshll.u32 s23, $0x2  }
0xa: {  	s7 =	sadd.s32 $0x800, s0;
	_ =	strace $0x80000047;
	s6 =	sshll.u32 s3, $0x1  }
0xb: {  	s4 =	sand.u32 $0x1C00, s4;
	s3 =	ssub.s32 $0x2, s3;
	s5 =	sor.u32 s6, s5  }
0xc: {  	s0 =	sadd.s32 s4, s0;
	s24 =	sshrl.u32 s3, $0x1;
	s6 =	smul.u32 $0xE000, s5  }
0xd: {  	vm0 =	vcmask $0xB08;
	vm1 =	vcmask $0x300;
	s8 =	sshll.u32 s5, $0x4;
	s5 =	smul.u32 $0x1C00, s5;
	s25 =	ssub.s32 s3, s24  }
0xe: {  	v0 =	vlaneseq.u32;
	vm0 =	vmor vm1, vm0;
	vm1 =	vcmask $0x1310;
	s24 =	simm.s32 $0x5900;
	s8 =	sand.u32 $0x60, s8;
	s6 =	sshrl.u32 s6, $0x3  }
0xf: {  	v1 =	vand.u32 $0x7, v0;
	vm0 =	vmor vm0, vm1;
	vm1 =	vcmask $0x1B18;
	s0 =	sadd.s32 s8, s0;
	s3 =	sadd.s32 s7, s5;
	s5 =	smax.u32 s25, $0x1  }
0x10: {  	v63 =	vshrl.u32 v0, $0x3;
	vm0 =	vmor vm0, vm1;
	vm1 =	vcmask $0x2320;
	s25 =	simm.s32 $0x6100;
	s26 =	sadd.s32 s7, s6;
	s0 =	sadd.s32 $0x70800, s0  }
0x11: {  	v0 =	vor.u32 $0x8, v0;
	vm0 =	vmor vm0, vm1;
	vm1 =	vcmask $0x2B28;
	s6 =	simm.s32 $0x2;
	s7 =	simm.s32 $0x100;
	s8 =	sadd.s32 $0x100, s3  }
0x12: {  	[tilespmem:$0x1FFD0] =	vst v1;
	v1 =	vmul.u32 $0x8, v63;
	vm0 =	vmor vm0, vm1;
	vm1 =	vcmask $0x3330;
	s10 =	sadd.s32 $0x200, s3;
	s12 =	sadd.s32 $0x300, s3;
	s4 =	sadd.s32 $0x1C00, s26  }
0x13: {  	[tilespmem:$0x1FFF0] =	vst v0;
	vm0 =	vmor vm0, vm1;
	vm1 =	vcmask $0x3B38;
	[dreg:$0x4] =	wrdreg s0;
	s26 =	simm.s32 $0x6900;
	s0 =	simm.s32 $0x8100  }
0x14: {  	[tilespmem:$0x1FFE0] =	vst v1;
	vm0 =	vmor vm0, vm1;
	vm1 =	vmmov $0xffff;
	s19 =	sadd.s32 $0x100, s4;
	s21 =	sadd.s32 $0x200, s4;
	s23 =	sadd.s32 $0x300, s4  }
.LBB2_1:
0x15: {  	s1 =	rddreg [dreg:$0x3]  }
0x16: {  	[tilespmem:s2], [sflag:$0x2] =	stream.linear.gather [hbm4b:s1+s2], $0x10, $0x38;
	[tilespmem:$0x8900] =	vst v63  }
0x17: {  	_ =	swait.ge [sflag:s6], $0x10  }
0x18: {  	[sflag:s6] =	ssyncset.done $0x0  }
0x19: {  	[sflag:s6] =	ssyncadd.s32 $0xFFFFFFF0  }
0x1a: {  	v0 =	vld [tilespmem:$0x0];
	_ =	sdelay $0x4  }
0x1b: {  	v0 =	vsub.f32 $0.0e+00, v0;
	_ =	sdelay $0x1  }
0x1c: {  	v0 =	vmul.f32 $1.442695020e+00, v0;
	_ =	sdelay $0x1  }
0x1d: {  	(erf) = vpow2.f32 v0;
	_ =	sdelay $0x8  }
0x1e: {  	v0 =	vpop (erf)  }
0x1f: {  	v0 =	vadd.f32 $1.000000000e+00, v0;
	_ =	sdelay $0x1  }
0x20: {  	(erf) = vrcp.f32 v0;
	_ =	sdelay $0x8  }
0x21: {  	v0 =	vpop (erf)  }
0x22: {  	v0 =	vmul.f32 $5.000000000e+01, v0;
	_ =	sdelay $0x1  }
0x23: {  	v1 =	vtrunc.f32 v0  }
0x24: {  	v1 =	vcvt.f32.s32 v1;
	_ =	sdelay $0x1  }
0x25: {  	vm2 =	vgt.s32 v1, $0x0  }
0x26: {  	v1 =	vnsel vm2, $0x0, v1  }
0x27: {  	v2 =	vmin.u32 v1, $0x31  }
0x28: {  	v5 =	vld [tilespmem:$0x1FFD0];
	v1 =	vmin.u32 v1, $0x32;
	v2 =	vadd.s32 $0x1, v2  }
0x29: {  	v2 =	vsel vm0, v1, v2  }
0x2a: {  	v6 =	vld [tilespmem:$0x1FFE0];
	v3 =	vshll.u32 v2, $0x3  }
0x2b: {  	v4 =	vand.u32 $0x7, v2;
	v3 =	vand.u32 $0x3C0, v3  }
0x2c: {  	v3 =	vor.u32 v4, v3  }
0x2d: {  	v4 =	vperm.xlane v3, v5;
	_ =	sdelay $0x1  }
0x2e: {  	v4 =	vadd.s32 v6, v4  }
0x2f: {  	v7 =	vld [tilespmem:$0x1FFF0];
	_ =	sdelay $0x2  }
0x30: {  	[tilespmem:$0x80] =	vst v2  }
0x31: {  	[tilespmem:s7], [sflag:$0x1] =	stream.indirect_vreg.gather [hbm4b:s3+s2], $0x80, v4, vm1, $0xb8;
	[tilespmem:$0x8900] =	vst v63  }
0x32: {  	v8 =	vperm.xlane v3, v7  }
0x33: {  	[tilespmem:s9], [sflag:$0x1] =	stream.indirect_vreg.gather [hbm4b:s8+s2], $0x80, v4, vm1, $0xb8;
	[tilespmem:$0x8900] =	vst v63  }
0x34: {  	v2 =	vadd.s32 v6, v8  }
0x35: {  	[tilespmem:s11], [sflag:$0x1] =	stream.indirect_vreg.gather [hbm4b:s10+s2], $0x80, v4, vm1, $0xb8;
	[tilespmem:$0x8900] =	vst v63  }
0x36: {  	_ = 	snop  }
0x37: {  	[tilespmem:s13], [sflag:$0x1] =	stream.indirect_vreg.gather [hbm4b:s12+s2], $0x80, v4, vm1, $0xb8;
	[tilespmem:$0x8900] =	vst v63  }
0x38: {  	_ = 	snop  }
0x39: {  	[tilespmem:s14], [sflag:$0x1] =	stream.indirect_vreg.gather [hbm4b:s3+s2], $0x80, v2, vm1, $0xb8;
	[tilespmem:$0x8900] =	vst v63  }
0x3a: {  	_ = 	snop  }
0x3b: {  	[tilespmem:s15], [sflag:$0x1] =	stream.indirect_vreg.gather [hbm4b:s8+s2], $0x80, v2, vm1, $0xb8;
	[tilespmem:$0x8900] =	vst v63  }
0x3c: {  	_ = 	snop  }
0x3d: {  	[tilespmem:s16], [sflag:$0x1] =	stream.indirect_vreg.gather [hbm4b:s10+s2], $0x80, v2, vm1, $0xb8;
	[tilespmem:$0x8900] =	vst v63  }
0x3e: {  	_ = 	snop  }
0x3f: {  	[tilespmem:s17], [sflag:$0x1] =	stream.indirect_vreg.gather [hbm4b:s12+s2], $0x80, v2, vm1, $0xb8;
	[tilespmem:$0x8900] =	vst v63  }
0x40: {  	v2 =	vld [tilespmem:$0x80];
	_ =	sdelay $0x4  }
0x41: {  	v9 =	vshll.u32 v2, $0x3  }
0x42: {  	v2 =	vand.u32 $0x7, v2;
	v3 =	vand.u32 $0xFFFFFFC0, v9  }
0x43: {  	v2 =	vor.u32 v2, v3  }
0x44: {  	v3 =	vperm.xlane v2, v5;
	_ =	sdelay $0x1  }
0x45: {  	v3 =	vadd.s32 v6, v3;
	_ =	sdelay $0x4  }
0x46: {  	[tilespmem:s18], [sflag:$0x1] =	stream.indirect_vreg.gather [hbm4b:s4+s2], $0x80, v3, vm1, $0xb8;
	[tilespmem:$0x8900] =	vst v63  }
0x47: {  	v2 =	vperm.xlane v2, v7  }
0x48: {  	[tilespmem:s20], [sflag:$0x1] =	stream.indirect_vreg.gather [hbm4b:s19+s2], $0x80, v3, vm1, $0xb8;
	[tilespmem:$0x8900] =	vst v63  }
0x49: {  	v2 =	vadd.s32 v6, v2  }
0x4a: {  	[tilespmem:s22], [sflag:$0x1] =	stream.indirect_vreg.gather [hbm4b:s21+s2], $0x80, v3, vm1, $0xb8;
	[tilespmem:$0x8900] =	vst v63  }
0x4b: {  	_ = 	snop  }
0x4c: {  	[tilespmem:s24], [sflag:$0x1] =	stream.indirect_vreg.gather [hbm4b:s23+s2], $0x80, v3, vm1, $0xb8;
	[tilespmem:$0x8900] =	vst v63  }
0x4d: {  	_ = 	snop  }
0x4e: {  	[tilespmem:s25], [sflag:$0x1] =	stream.indirect_vreg.gather [hbm4b:s4+s2], $0x80, v2, vm1, $0xb8;
	[tilespmem:$0x8900] =	vst v63  }
0x4f: {  	_ = 	snop  }
0x50: {  	[tilespmem:s26], [sflag:$0x1] =	stream.indirect_vreg.gather [hbm4b:s19+s2], $0x80, v2, vm1, $0xb8;
	[tilespmem:$0x8900] =	vst v63  }
0x51: {  	_ = 	snop  }
0x52: {  	[tilespmem:s28], [sflag:$0x1] =	stream.indirect_vreg.gather [hbm4b:s21+s2], $0x80, v2, vm1, $0xb8;
	[tilespmem:$0x8900] =	vst v63  }
0x53: {  	_ = 	snop  }
0x54: {  	[tilespmem:s29], [sflag:$0x1] =	stream.indirect_vreg.gather [hbm4b:s23+s2], $0x80, v2, vm1, $0xb8;
	[tilespmem:$0x8900] =	vst v63  }
0x55: {  	_ =	swait.ge [sflag:s30], $0x4000  }
0x56: {  	[sflag:s30] =	ssyncset.done $0x0  }
0x57: {  	[sflag:s30] =	ssyncadd.s32 $0xFFFFC000  }
0x58: {  	v1 =	vcvt.s32.f32 v1;
	v10 =	vld [tilespmem:$0x100]  }
0x59: {  	v11 =	vld [tilespmem:$0x180]  }
0x5a: {  	v3 =	vsub.f32 v0, v1;
	_ =	sdelay $0x1  }
0x5b: {  	v4 =	vsub.f32 $1.000000000e+00, v3;
	_ =	sdelay $0x1  }
0x5c: {  	v12 =	vmul.f32 v10, v4;
	v1 =	vmul.f32 v11, v3;
	_ =	sdelay $0x1  }
0x5d: {  	v0 =	vadd.f32 v1, v12;
	_ =	sdelay $0x1  }
0x5e: {  	[tilespmem:$0x8100] =	vst v0  }
0x5f: {  	_ =	swait.ge [sflag:s30], $0x4000  }
0x60: {  	[sflag:s30] =	ssyncset.done $0x0  }
0x61: {  	[sflag:s30] =	ssyncadd.s32 $0xFFFFC000  }
0x62: {  	v0 =	vld [tilespmem:$0x4100]  }
0x63: {  	v1 =	vld [tilespmem:$0x4180]  }
0x64: {  	v2 =	vld [tilespmem:$0x110]  }
0x65: {  	v5 =	vld [tilespmem:$0x190]  }
0x66: {  	v6 =	vld [tilespmem:$0x4110]  }
0x67: {  	v7 =	vld [tilespmem:$0x4190]  }
0x68: {  	v8 =	vld [tilespmem:$0x120]  }
0x69: {  	v9 =	vld [tilespmem:$0x1A0]  }
0x6a: {  	v10 =	vld [tilespmem:$0x4120]  }
0x6b: {  	v11 =	vld [tilespmem:$0x41A0]  }
0x6c: {  	v12 =	vld [tilespmem:$0x130]  }
0x6d: {  	v13 =	vld [tilespmem:$0x1B0]  }
0x6e: {  	v14 =	vld [tilespmem:$0x4130]  }
0x6f: {  	v15 =	vld [tilespmem:$0x41B0]  }
0x70: {  	v16 =	vld [tilespmem:$0x140]  }
0x71: {  	v17 =	vld [tilespmem:$0x1C0]  }
0x72: {  	v18 =	vld [tilespmem:$0x4140]  }
0x73: {  	v19 =	vld [tilespmem:$0x41C0]  }
0x74: {  	v20 =	vld [tilespmem:$0x150]  }
0x75: {  	v21 =	vld [tilespmem:$0x1D0]  }
0x76: {  	v22 =	vld [tilespmem:$0x4150]  }
0x77: {  	v23 =	vld [tilespmem:$0x41D0]  }
0x78: {  	v24 =	vld [tilespmem:$0x160]  }
0x79: {  	v25 =	vld [tilespmem:$0x1E0]  }
0x7a: {  	v26 =	vld [tilespmem:$0x4160]  }
0x7b: {  	v27 =	vld [tilespmem:$0x41E0]  }
0x7c: {  	v28 =	vld [tilespmem:$0x170]  }
0x7d: {  	v29 =	vld [tilespmem:$0x1F0]  }
0x7e: {  	v30 =	vld [tilespmem:$0x4170]  }
0x7f: {  	v31 =	vld [tilespmem:$0x41F0]  }
0x80: {  	v32 =	vld [tilespmem:$0x500]  }
0x81: {  	v33 =	vld [tilespmem:$0x580]  }
0x82: {  	v34 =	vld [tilespmem:$0x4500]  }
0x83: {  	v35 =	vld [tilespmem:$0x4580]  }
0x84: {  	v36 =	vld [tilespmem:$0x510]  }
0x85: {  	v37 =	vld [tilespmem:$0x590]  }
0x86: {  	v38 =	vld [tilespmem:$0x4510]  }
0x87: {  	v39 =	vld [tilespmem:$0x4590]  }
0x88: {  	v40 =	vld [tilespmem:$0x520]  }
0x89: {  	v41 =	vld [tilespmem:$0x5A0]  }
0x8a: {  	v57 =	vld [tilespmem:$0x4520]  }
0x8b: {  	v42 =	vld [tilespmem:$0x45A0]  }
0x8c: {  	v60 =	vld [tilespmem:$0x530]  }
0x8d: {  	v43 =	vld [tilespmem:$0x5B0]  }
0x8e: {  	v61 =	vld [tilespmem:$0x4530]  }
0x8f: {  	v44 =	vld [tilespmem:$0x45B0]  }
0x90: {  	v48 =	vld [tilespmem:$0x540]  }
0x91: {  	v45 =	vld [tilespmem:$0x5C0]  }
0x92: {  	v62 =	vld [tilespmem:$0x4570]  }
0x93: {  	v46 =	vld [tilespmem:$0x4540]  }
0x94: {  	v47 =	vld [tilespmem:$0x45C0]  }
0x95: {  	v50 =	vld [tilespmem:$0x550]  }
0x96: {  	v49 =	vld [tilespmem:$0x5D0]  }
0x97: {  	[tilespmem:$0x1FA20] =	vst v62;
	v62 =	vld [tilespmem:$0x900]  }
0x98: {  	v51 =	vld [tilespmem:$0x4550]  }
0x99: {  	v52 =	vld [tilespmem:$0x45D0]  }
0x9a: {  	v54 =	vld [tilespmem:$0x560]  }
0x9b: {  	v53 =	vld [tilespmem:$0x5E0]  }
0x9c: {  	[tilespmem:$0x1FA30] =	vst v62;
	v62 =	vld [tilespmem:$0x980]  }
0x9d: {  	v55 =	vld [tilespmem:$0x4560]  }
0x9e: {  	v56 =	vld [tilespmem:$0x45E0]  }
0x9f: {  	v59 =	vld [tilespmem:$0x570]  }
0xa0: {  	v58 =	vld [tilespmem:$0x5F0]  }
0xa1: {  	v63 =	vld [tilespmem:$0x45F0];
	[tilespmem:$0x1FA40] =	vst v62  }
0xa2: {  	v62 =	vld [tilespmem:$0x4900];
	_ =	sdelay $0x4  }
0xa3: {  	[tilespmem:$0x1FA50] =	vst v62;
	v62 =	vld [tilespmem:$0x4980];
	_ =	sdelay $0x4  }
0xa4: {  	[tilespmem:$0x1FA60] =	vst v62;
	v62 =	vld [tilespmem:$0x910];
	_ =	sdelay $0x4  }
0xa5: {  	[tilespmem:$0x1FA70] =	vst v62;
	v62 =	vld [tilespmem:$0x990];
	_ =	sdelay $0x4  }
0xa6: {  	[tilespmem:$0x1FA80] =	vst v62;
	v62 =	vld [tilespmem:$0x4910];
	_ =	sdelay $0x4  }
0xa7: {  	[tilespmem:$0x1FA90] =	vst v62;
	v62 =	vld [tilespmem:$0x4990];
	_ =	sdelay $0x4  }
0xa8: {  	[tilespmem:$0x1FAA0] =	vst v62;
	v62 =	vld [tilespmem:$0x920];
	_ =	sdelay $0x4  }
0xa9: {  	[tilespmem:$0x1FAB0] =	vst v62;
	v62 =	vld [tilespmem:$0x9A0];
	_ =	sdelay $0x4  }
0xaa: {  	[tilespmem:$0x1FAC0] =	vst v62;
	v62 =	vld [tilespmem:$0x4920];
	_ =	sdelay $0x4  }
0xab: {  	[tilespmem:$0x1FAD0] =	vst v62;
	v62 =	vld [tilespmem:$0x49A0];
	_ =	sdelay $0x4  }
0xac: {  	[tilespmem:$0x1FAE0] =	vst v62;
	v62 =	vld [tilespmem:$0x930];
	_ =	sdelay $0x4  }
0xad: {  	[tilespmem:$0x1FAF0] =	vst v62;
	v62 =	vld [tilespmem:$0x9B0];
	_ =	sdelay $0x4  }
0xae: {  	[tilespmem:$0x1FB00] =	vst v62;
	v62 =	vld [tilespmem:$0x4930];
	_ =	sdelay $0x4  }
0xaf: {  	[tilespmem:$0x1FB10] =	vst v62;
	v62 =	vld [tilespmem:$0x49B0];
	_ =	sdelay $0x4  }
0xb0: {  	[tilespmem:$0x1FB20] =	vst v62;
	v62 =	vld [tilespmem:$0x940];
	_ =	sdelay $0x4  }
0xb1: {  	[tilespmem:$0x1FB30] =	vst v62;
	v62 =	vld [tilespmem:$0x9C0];
	_ =	sdelay $0x4  }
0xb2: {  	[tilespmem:$0x1FB40] =	vst v62;
	v62 =	vld [tilespmem:$0x4940];
	_ =	sdelay $0x4  }
0xb3: {  	[tilespmem:$0x1FB50] =	vst v62;
	v62 =	vld [tilespmem:$0x49C0];
	_ =	sdelay $0x4  }
0xb4: {  	[tilespmem:$0x1FB60] =	vst v62;
	v62 =	vld [tilespmem:$0x950];
	_ =	sdelay $0x4  }
0xb5: {  	[tilespmem:$0x1FB70] =	vst v62;
	v62 =	vld [tilespmem:$0x9D0];
	_ =	sdelay $0x4  }
0xb6: {  	[tilespmem:$0x1FB80] =	vst v62;
	v62 =	vld [tilespmem:$0x4950];
	_ =	sdelay $0x4  }
0xb7: {  	[tilespmem:$0x1FB90] =	vst v62;
	v62 =	vld [tilespmem:$0x49D0];
	_ =	sdelay $0x4  }
0xb8: {  	[tilespmem:$0x1FBA0] =	vst v62;
	v62 =	vld [tilespmem:$0x960];
	_ =	sdelay $0x4  }
0xb9: {  	[tilespmem:$0x1FBB0] =	vst v62;
	v62 =	vld [tilespmem:$0x9E0];
	_ =	sdelay $0x4  }
0xba: {  	[tilespmem:$0x1FBC0] =	vst v62;
	v62 =	vld [tilespmem:$0x4960];
	_ =	sdelay $0x4  }
0xbb: {  	[tilespmem:$0x1FBD0] =	vst v62;
	v62 =	vld [tilespmem:$0x49E0];
	_ =	sdelay $0x4  }
0xbc: {  	[tilespmem:$0x1FBE0] =	vst v62;
	v62 =	vld [tilespmem:$0x970];
	_ =	sdelay $0x4  }
0xbd: {  	[tilespmem:$0x1FBF0] =	vst v62;
	v62 =	vld [tilespmem:$0x9F0];
	_ =	sdelay $0x4  }
0xbe: {  	[tilespmem:$0x1FC00] =	vst v62;
	v62 =	vld [tilespmem:$0x4970];
	_ =	sdelay $0x4  }
0xbf: {  	[tilespmem:$0x1FC10] =	vst v62;
	v62 =	vld [tilespmem:$0x49F0];
	_ =	sdelay $0x4  }
0xc0: {  	[tilespmem:$0x1FC20] =	vst v62;
	v62 =	vld [tilespmem:$0xD00];
	_ =	sdelay $0x4  }
0xc1: {  	[tilespmem:$0x1FC30] =	vst v62;
	v62 =	vld [tilespmem:$0xD80];
	_ =	sdelay $0x4  }
0xc2: {  	[tilespmem:$0x1FC40] =	vst v62;
	v62 =	vld [tilespmem:$0x4D00];
	_ =	sdelay $0x4  }
0xc3: {  	[tilespmem:$0x1FC50] =	vst v62;
	v62 =	vld [tilespmem:$0x4D80]  }
0xc4: {  	v0 =	vmul.f32 v0, v4;
	v1 =	vmul.f32 v1, v3;
	_ =	sdelay $0x1  }
0xc5: {  	v0 =	vadd.f32 v1, v0;
	v1 =	vmul.f32 v6, v4;
	v6 =	vmul.f32 v7, v3;
	v7 =	vld [tilespmem:$0x1120]  }
0xc6: {  	v2 =	vmul.f32 v2, v4;
	v5 =	vmul.f32 v5, v3  }
0xc7: {  	[tilespmem:$0x1FC60] =	vst v62;
	v62 =	vld [tilespmem:$0xD10]  }
0xc8: {  	v2 =	vadd.f32 v5, v2;
	v5 =	vmul.f32 v8, v4;
	v8 =	vld [tilespmem:$0x11A0];
	_ =	sdelay $0x1  }
0xc9: {  	[tilespmem:$0x1FEA0] =	vst v7;
	v7 =	vmul.f32 v9, v3  }
0xca: {  	[tilespmem:$0x8110] =	vst v2  }
0xcb: {  	v2 =	vadd.f32 v7, v5;
	v5 =	vmul.f32 v12, v4;
	v7 =	vmul.f32 v13, v3;
	[tilespmem:$0x1FC70] =	vst v62;
	v62 =	vld [tilespmem:$0xD90]  }
0xcc: {  	[tilespmem:$0x1FEB0] =	vst v8;
	v13 =	vld [tilespmem:$0x51A0]  }
0xcd: {  	v8 =	vld [tilespmem:$0x5120];
	[tilespmem:$0x8120] =	vst v2;
	v2 =	vadd.f32 v7, v5  }
0xce: {  	[tilespmem:$0x8180] =	vst v0;
	v12 =	vmul.f32 v14, v4;
	v14 =	vld [tilespmem:$0x1130]  }
0xcf: {  	v9 =	vld [tilespmem:$0x1FA20];
	[tilespmem:$0x8130] =	vst v2  }
0xd0: {  	v0 =	vadd.f32 v6, v1;
	v1 =	vmul.f32 v10, v4;
	v6 =	vmul.f32 v11, v3;
	[tilespmem:$0x1FC80] =	vst v62;
	v62 =	vld [tilespmem:$0x4D10]  }
0xd1: {  	v2 =	vld [tilespmem:$0x5520];
	[tilespmem:$0x1FED0] =	vst v13;
	v13 =	vmul.f32 v15, v3  }
0xd2: {  	[tilespmem:$0x8190] =	vst v0;
	v0 =	vadd.f32 v6, v1;
	v15 =	vmul.f32 v16, v4;
	v16 =	vmul.f32 v17, v3;
	v17 =	vld [tilespmem:$0x11B0]  }
0xd3: {  	[tilespmem:$0x1FEE0] =	vst v14;
	v14 =	vld [tilespmem:$0x5130]  }
0xd4: {  	[tilespmem:$0x81A0] =	vst v0;
	v0 =	vadd.f32 v13, v12;
	v12 =	vmul.f32 v18, v4;
	v13 =	vmul.f32 v19, v3;
	v18 =	vld [tilespmem:$0x51B0]  }
0xd5: {  	v15 =	vadd.f32 v16, v15;
	v16 =	vmul.f32 v20, v4;
	[tilespmem:$0x1FC90] =	vst v62;
	v62 =	vld [tilespmem:$0x4D90]  }
0xd6: {  	v20 =	vmul.f32 v22, v4;
	v22 =	vld [tilespmem:$0x1140];
	v19 =	vadd.f32 v13, v12;
	v12 =	vmul.f32 v24, v4  }
0xd7: {  	v13 =	vmul.f32 v25, v3;
	v24 =	vmul.f32 v30, v4;
	v30 =	vld [tilespmem:$0x11D0]  }
0xd8: {  	[tilespmem:$0x1FF00] =	vst v14;
	v14 =	vld [tilespmem:$0x11C0]  }
0xd9: {  	v25 =	vmul.f32 v31, v3;
	[tilespmem:$0x81C0] =	vst v19;
	v19 =	vadd.f32 v13, v12;
	v12 =	vld [tilespmem:$0x51D0]  }
0xda: {  	[tilespmem:$0x1FCA0] =	vst v62;
	v62 =	vld [tilespmem:$0xD20]  }
0xdb: {  	[tilespmem:$0x1FEF0] =	vst v17;
	v31 =	vadd.f32 v25, v24;
	v24 =	vld [tilespmem:$0x5160]  }
0xdc: {  	v17 =	vmul.f32 v21, v3;
	[tilespmem:$0x1FF10] =	vst v18;
	v18 =	vld [tilespmem:$0x5140]  }
0xdd: {  	v21 =	vmul.f32 v23, v3;
	[tilespmem:$0x1FF20] =	vst v22;
	v22 =	vld [tilespmem:$0x51C0]  }
0xde: {  	[tilespmem:$0x8140] =	vst v15;
	v23 =	vadd.f32 v17, v16;
	v16 =	vmul.f32 v26, v4;
	v17 =	vmul.f32 v27, v3;
	v26 =	vld [tilespmem:$0x1150]  }
0xdf: {  	v15 =	vadd.f32 v21, v20;
	v20 =	vmul.f32 v28, v4;
	v21 =	vmul.f32 v29, v3;
	[tilespmem:$0x1FCB0] =	vst v62;
	v62 =	vld [tilespmem:$0xDA0]  }
0xe0: {  	v28 =	vmul.f32 v32, v4;
	v32 =	vmul.f32 v34, v4;
	v34 =	vld [tilespmem:$0x5150]  }
0xe1: {  	v29 =	vmul.f32 v33, v3;
	[tilespmem:$0x8150] =	vst v23;
	v23 =	vadd.f32 v17, v16;
	v16 =	vld [tilespmem:$0x1160]  }
0xe2: {  	[tilespmem:$0x8160] =	vst v19;
	v27 =	vadd.f32 v21, v20;
	v20 =	vld [tilespmem:$0x11E0]  }
0xe3: {  	v33 =	vmul.f32 v35, v3;
	[tilespmem:$0x81D0] =	vst v15;
	v35 =	vadd.f32 v29, v28;
	v29 =	vmul.f32 v61, v4;
	v61 =	vld [tilespmem:$0x1170]  }
0xe4: {  	v36 =	vmul.f32 v36, v4;
	[tilespmem:$0x1FCC0] =	vst v62;
	v62 =	vld [tilespmem:$0x4D20]  }
0xe5: {  	v37 =	vmul.f32 v37, v3;
	[tilespmem:$0x1FF70] =	vst v30;
	v13 =	vadd.f32 v33, v32;
	v32 =	vmul.f32 v48, v4;
	v48 =	vld [tilespmem:$0x11F0]  }
0xe6: {  	v33 =	vmul.f32 v45, v3;
	[tilespmem:$0x81E0] =	vst v23;
	v23 =	vmul.f32 v42, v3;
	v42 =	vld [tilespmem:$0x51F0]  }
0xe7: {  	[tilespmem:$0x8200] =	vst v35;
	v35 =	vmul.f32 v46, v4;
	v46 =	vld [tilespmem:$0x1500]  }
0xe8: {  	v17 =	vadd.f32 v37, v36;
	[tilespmem:$0x1FF30] =	vst v14;
	v37 =	vadd.f32 v33, v32;
	v32 =	vld [tilespmem:$0x5580]  }
0xe9: {  	[tilespmem:$0x1FCD0] =	vst v62;
	v62 =	vld [tilespmem:$0x4DA0]  }
0xea: {  	[tilespmem:$0x1FF90] =	vst v12;
	v12 =	vld [tilespmem:$0x1FA30]  }
0xeb: {  	[tilespmem:$0x8280] =	vst v13;
	v13 =	vld [tilespmem:$0x1FA40]  }
0xec: {  	v10 =	vmul.f32 v63, v3;
	[tilespmem:$0x1FFC0] =	vst v24;
	v24 =	vld [tilespmem:$0x1590]  }
0xed: {  	v1 =	vmul.f32 v9, v4;
	[tilespmem:$0x1FF60] =	vst v26;
	v26 =	vmul.f32 v60, v4;
	v60 =	vld [tilespmem:$0x51E0]  }
0xee: {  	v15 =	vmul.f32 v39, v3;
	v30 =	vmul.f32 v44, v3;
	[tilespmem:$0x1FCE0] =	vst v62;
	v62 =	vld [tilespmem:$0xD30]  }
0xef: {  	v14 =	vmul.f32 v38, v4;
	[tilespmem:$0x1FF50] =	vst v22;
	v22 =	vmul.f32 v57, v4;
	v57 =	vld [tilespmem:$0x5170]  }
0xf0: {  	[tilespmem:$0x1FF80] =	vst v34;
	v34 =	vadd.f32 v30, v29;
	v29 =	vld [tilespmem:$0x1FA80]  }
0xf1: {  	[tilespmem:$0x81F0] =	vst v31;
	v21 =	vadd.f32 v15, v14;
	v14 =	vadd.f32 v10, v1;
	v10 =	vld [tilespmem:$0x15A0]  }
0xf2: {  	[tilespmem:$0x82B0] =	vst v34;
	v34 =	vld [tilespmem:$0x1580]  }
0xf3: {  	v58 =	vmul.f32 v58, v3;
	v38 =	vmul.f32 v50, v4;
	[tilespmem:$0x1FCF0] =	vst v62;
	v62 =	vld [tilespmem:$0xDB0]  }
0xf4: {  	v50 =	vmul.f32 v54, v4;
	[tilespmem:$0x8170] =	vst v27;
	v27 =	vmul.f32 v43, v3;
	v28 =	vadd.f32 v23, v22;
	v23 =	vld [tilespmem:$0x1FA50]  }
0xf5: {  	v54 =	vmul.f32 v56, v3;
	v56 =	vmul.f32 v59, v4;
	[tilespmem:$0x1FFB0] =	vst v20;
	v20 =	vld [tilespmem:$0x5510]  }
0xf6: {  	[tilespmem:$0x1FF40] =	vst v18;
	v31 =	vadd.f32 v27, v26;
	v27 =	vld [tilespmem:$0x1FA70]  }
0xf7: {  	v36 =	vmul.f32 v47, v3;
	v11 =	vadd.f32 v58, v56;
	[tilespmem:$0x1FFA0] =	vst v16;
	v16 =	vld [tilespmem:$0x5590]  }
0xf8: {  	v19 =	vmul.f32 v41, v3;
	v18 =	vmul.f32 v40, v4;
	[tilespmem:$0x1FD00] =	vst v62;
	v62 =	vld [tilespmem:$0x4D30]  }
0xf9: {  	v40 =	vadd.f32 v36, v35;
	[tilespmem:$0x8270] =	vst v11;
	v11 =	vld [tilespmem:$0x15C0]  }
0xfa: {  	v25 =	vadd.f32 v19, v18;
	v19 =	vld [tilespmem:$0x55D0]  }
0xfb: {  	[tilespmem:$0x82C0] =	vst v40;
	v40 =	vld [tilespmem:$0x5500]  }
0xfc: {  	[tilespmem:$0x82A0] =	vst v28;
	v28 =	vld [tilespmem:$0x1510]  }
0xfd: {  	[tilespmem:$0x1FD10] =	vst v62;
	v62 =	vld [tilespmem:$0x4DB0]  }
0xfe: {  	[tilespmem:$0x8220] =	vst v25;
	v25 =	vld [tilespmem:$0x1FA60]  }
0xff: {  	[tilespmem:$0x8230] =	vst v31;
	v31 =	vld [tilespmem:$0x1FA90]  }
0x100: {  	v5 =	vmul.f32 v12, v4;
	v12 =	vld [tilespmem:$0x1520]  }
0x101: {  	v33 =	vld [tilespmem:$0x1FAA0];
	v20 =	vmul.f32 v20, v4;
	v16 =	vmul.f32 v16, v3  }
0x102: {  	[tilespmem:$0x1FD20] =	vst v62;
	v62 =	vld [tilespmem:$0xD40]  }
0x103: {  	v39 =	vmul.f32 v49, v3;
	v16 =	vadd.f32 v16, v20;
	v20 =	vld [tilespmem:$0x5960]  }
0x104: {  	v41 =	vmul.f32 v51, v4;
	v43 =	vmul.f32 v52, v3;
	v35 =	vld [tilespmem:$0x1FAB0]  }
0x105: {  	v49 =	vadd.f32 v39, v38;
	v39 =	vld [tilespmem:$0x1FAD0]  }
0x106: {  	v52 =	vadd.f32 v43, v41;
	v7 =	vmul.f32 v13, v3;
	v43 =	vld [tilespmem:$0x1FAE0]  }
0x107: {  	[tilespmem:$0x1FD30] =	vst v62;
	v62 =	vld [tilespmem:$0xDC0]  }
0x108: {  	[tilespmem:$0x8240] =	vst v37;
	v26 =	vadd.f32 v7, v5;
	v7 =	vmul.f32 v29, v3;
	v5 =	vmul.f32 v27, v4;
	v37 =	vld [tilespmem:$0x1FAC0]  }
0x109: {  	v32 =	vmul.f32 v32, v3;
	v40 =	vmul.f32 v40, v4;
	v45 =	vld [tilespmem:$0x1FAF0]  }
0x10a: {  	[tilespmem:$0x8250] =	vst v49;
	v1 =	vmul.f32 v23, v4;
	v6 =	vmul.f32 v25, v3;
	v5 =	vadd.f32 v7, v5;
	v49 =	vld [tilespmem:$0x1FB00]  }
0x10b: {  	v32 =	vadd.f32 v32, v40;
	v40 =	vld [tilespmem:$0x1960];
	v41 =	vmul.f32 v39, v4;
	v44 =	vmul.f32 v43, v3  }
0x10c: {  	v30 =	vadd.f32 v6, v1;
	v1 =	vmul.f32 v31, v4;
	v6 =	vmul.f32 v33, v3;
	[tilespmem:$0x1FD40] =	vst v62;
	v62 =	vld [tilespmem:$0x4D40]  }
0x10d: {  	v51 =	vmul.f32 v53, v3;
	v53 =	vmul.f32 v55, v4;
	[tilespmem:$0x8310] =	vst v5;
	v5 =	vld [tilespmem:$0x1530];
	v9 =	vadd.f32 v44, v41  }
0x10e: {  	[tilespmem:$0x1FEC0] =	vst v8;
	v6 =	vadd.f32 v6, v1;
	v1 =	vld [tilespmem:$0x55A0];
	v36 =	vmul.f32 v35, v4;
	v38 =	vmul.f32 v37, v3  }
0x10f: {  	v55 =	vadd.f32 v51, v50;
	[tilespmem:$0x83A0] =	vst v9;
	v9 =	vld [tilespmem:$0x1540];
	v47 =	vmul.f32 v45, v4;
	v50 =	vmul.f32 v49, v3  }
0x110: {  	[tilespmem:$0x8390] =	vst v6;
	v6 =	vld [tilespmem:$0x15B0];
	v7 =	vadd.f32 v38, v36  }
0x111: {  	v8 =	vadd.f32 v50, v47;
	[tilespmem:$0x1FD50] =	vst v62;
	v62 =	vld [tilespmem:$0x4DC0]  }
0x112: {  	[tilespmem:$0x8320] =	vst v7;
	v7 =	vld [tilespmem:$0x5530]  }
0x113: {  	[tilespmem:$0x8330] =	vst v8;
	v8 =	vld [tilespmem:$0x55B0]  }
0x114: {  	[tilespmem:$0x8680] =	vst v32;
	v32 =	vmul.f32 v9, v4;
	v9 =	vld [tilespmem:$0x19F0]  }
0x115: {  	v51 =	vld [tilespmem:$0x1FB10]  }
0x116: {  	[tilespmem:$0x1FD60] =	vst v62;
	v62 =	vld [tilespmem:$0xD50]  }
0x117: {  	v59 =	vadd.f32 v54, v53;
	v53 =	vld [tilespmem:$0x1FB20]  }
0x118: {  	[tilespmem:$0x8690] =	vst v16;
	v16 =	vmul.f32 v8, v3;
	v8 =	vld [tilespmem:$0x1970]  }
0x119: {  	[tilespmem:$0x8260] =	vst v55;
	v55 =	vld [tilespmem:$0x1FB30]  }
0x11a: {  	v58 =	vld [tilespmem:$0x1FB40]  }
0x11b: {  	[tilespmem:$0x1FD70] =	vst v62;
	v62 =	vld [tilespmem:$0xDD0]  }
0x11c: {  	[tilespmem:$0x8290] =	vst v21;
	v21 =	vld [tilespmem:$0x1FB50]  }
0x11d: {  	v23 =	vld [tilespmem:$0x1FB60]  }
0x11e: {  	[tilespmem:$0x8300] =	vst v26;
	v26 =	vld [tilespmem:$0x1FB70]  }
0x11f: {  	v29 =	vld [tilespmem:$0x1FB80]  }
0x120: {  	[tilespmem:$0x1FD80] =	vst v62;
	v62 =	vld [tilespmem:$0x4D50]  }
0x121: {  	v31 =	vld [tilespmem:$0x1FB90]  }
0x122: {  	[tilespmem:$0x82E0] =	vst v59;
	v56 =	vmul.f32 v55, v4;
	v59 =	vmul.f32 v58, v3;
	v35 =	vld [tilespmem:$0x1FBA0]  }
0x123: {  	[tilespmem:$0x82F0] =	vst v14;
	v22 =	vmul.f32 v21, v4;
	v25 =	vmul.f32 v23, v3;
	v37 =	vld [tilespmem:$0x1FBB0]  }
0x124: {  	[tilespmem:$0x8380] =	vst v30;
	v13 =	vadd.f32 v59, v56;
	v39 =	vld [tilespmem:$0x1FBC0]  }
0x125: {  	v14 =	vadd.f32 v25, v22;
	v27 =	vmul.f32 v26, v4;
	v30 =	vmul.f32 v29, v3;
	[tilespmem:$0x1FD90] =	vst v62;
	v62 =	vld [tilespmem:$0x4DD0]  }
0x126: {  	[tilespmem:$0x8340] =	vst v13;
	v13 =	vld [tilespmem:$0x5540]  }
0x127: {  	[tilespmem:$0x83C0] =	vst v14;
	v14 =	vld [tilespmem:$0x55C0];
	v15 =	vadd.f32 v30, v27;
	v33 =	vmul.f32 v31, v4;
	v36 =	vmul.f32 v35, v3  }
0x128: {  	[tilespmem:$0x8210] =	vst v17;
	v27 =	vld [tilespmem:$0x15F0]  }
0x129: {  	[tilespmem:$0x8350] =	vst v15;
	v15 =	vld [tilespmem:$0x1550];
	v18 =	vadd.f32 v36, v33;
	v38 =	vmul.f32 v37, v4;
	v41 =	vmul.f32 v39, v3  }
0x12a: {  	[tilespmem:$0x1FDA0] =	vst v62;
	v62 =	vld [tilespmem:$0xD60]  }
0x12b: {  	[tilespmem:$0x83D0] =	vst v18;
	v18 =	vld [tilespmem:$0x5550];
	v17 =	vadd.f32 v41, v38  }
0x12c: {  	v43 =	vld [tilespmem:$0x1FBD0]  }
0x12d: {  	[tilespmem:$0x8360] =	vst v17;
	v17 =	vld [tilespmem:$0x15D0]  }
0x12e: {  	v45 =	vld [tilespmem:$0x1FBE0]  }
0x12f: {  	[tilespmem:$0x1FDB0] =	vst v62;
	v62 =	vld [tilespmem:$0xDE0]  }
0x130: {  	[tilespmem:$0x82D0] =	vst v52;
	v52 =	vmul.f32 v51, v4;
	v54 =	vmul.f32 v53, v3;
	v49 =	vld [tilespmem:$0x1FBF0]  }
0x131: {  	v51 =	vld [tilespmem:$0x1FC00]  }
0x132: {  	v63 =	vadd.f32 v54, v52;
	v54 =	vld [tilespmem:$0x1FC10]  }
0x133: {  	v56 =	vld [tilespmem:$0x1FC20]  }
0x134: {  	[tilespmem:$0x1FDC0] =	vst v62;
	v62 =	vld [tilespmem:$0x4D60]  }
0x135: {  	v59 =	vld [tilespmem:$0x1FC30]  }
0x136: {  	v29 =	vld [tilespmem:$0x1FC40]  }
0x137: {  	v31 =	vld [tilespmem:$0x1FC50]  }
0x138: {  	v50 =	vmul.f32 v49, v4;
	v52 =	vmul.f32 v51, v3;
	v35 =	vld [tilespmem:$0x1FC60]  }
0x139: {  	v55 =	vmul.f32 v54, v4;
	v58 =	vmul.f32 v56, v3;
	[tilespmem:$0x1FDD0] =	vst v62;
	v62 =	vld [tilespmem:$0x4DE0]  }
0x13a: {  	v21 =	vadd.f32 v52, v50;
	v37 =	vld [tilespmem:$0x1FC70]  }
0x13b: {  	[tilespmem:$0x83B0] =	vst v63;
	v22 =	vadd.f32 v58, v55;
	v63 =	vmul.f32 v59, v4;
	v30 =	vmul.f32 v29, v3;
	v39 =	vld [tilespmem:$0x1FC80]  }
0x13c: {  	[tilespmem:$0x8370] =	vst v21;
	v21 =	vld [tilespmem:$0x1560]  }
0x13d: {  	[tilespmem:$0x83F0] =	vst v22;
	v22 =	vld [tilespmem:$0x15E0];
	v23 =	vadd.f32 v30, v63;
	v33 =	vmul.f32 v31, v4;
	v36 =	vmul.f32 v35, v3  }
0x13e: {  	[tilespmem:$0x1FDE0] =	vst v62;
	v62 =	vld [tilespmem:$0xD70]  }
0x13f: {  	[tilespmem:$0x8400] =	vst v23;
	v23 =	vld [tilespmem:$0x5560];
	v26 =	vadd.f32 v36, v33  }
0x140: {  	v36 =	vld [tilespmem:$0x5980];
	v38 =	vmul.f32 v37, v4;
	v41 =	vmul.f32 v39, v3  }
0x141: {  	[tilespmem:$0x8480] =	vst v26;
	v26 =	vld [tilespmem:$0x1570]  }
0x142: {  	v44 =	vmul.f32 v43, v4;
	v43 =	vld [tilespmem:$0x1FC90];
	v25 =	vadd.f32 v41, v38  }
0x143: {  	[tilespmem:$0x1FDF0] =	vst v62;
	v62 =	vld [tilespmem:$0xDF0]  }
0x144: {  	[tilespmem:$0x8410] =	vst v25;
	v25 =	vld [tilespmem:$0x55E0]  }
0x145: {  	v47 =	vmul.f32 v45, v3;
	v45 =	vld [tilespmem:$0x1FCA0]  }
0x146: {  	v49 =	vld [tilespmem:$0x1FCB0]  }
0x147: {  	v51 =	vld [tilespmem:$0x1FCC0]  }
0x148: {  	[tilespmem:$0x1FE00] =	vst v62;
	v62 =	vld [tilespmem:$0x4D70]  }
0x149: {  	v54 =	vld [tilespmem:$0x1FCD0]  }
0x14a: {  	v56 =	vld [tilespmem:$0x1FCE0]  }
0x14b: {  	v59 =	vld [tilespmem:$0x1FCF0]  }
0x14c: {  	v53 =	vadd.f32 v47, v44;
	v44 =	vmul.f32 v43, v4;
	v47 =	vmul.f32 v45, v3;
	v41 =	vld [tilespmem:$0x1FD00]  }
0x14d: {  	[tilespmem:$0x1FE10] =	vst v62;
	v62 =	vld [tilespmem:$0x4DF0]  }
0x14e: {  	[tilespmem:$0x83E0] =	vst v53;
	v53 =	vadd.f32 v47, v44;
	v50 =	vmul.f32 v49, v4;
	v52 =	vmul.f32 v51, v3;
	v44 =	vld [tilespmem:$0x1FD10]  }
0x14f: {  	v47 =	vld [tilespmem:$0x1FD20]  }
0x150: {  	v29 =	vadd.f32 v52, v50;
	v55 =	vmul.f32 v54, v4;
	v58 =	vmul.f32 v56, v3;
	v50 =	vld [tilespmem:$0x1FD30]  }
0x151: {  	v63 =	vmul.f32 v59, v4;
	v43 =	vmul.f32 v41, v3;
	v52 =	vld [tilespmem:$0x1FD40]  }
0x152: {  	v30 =	vadd.f32 v58, v55;
	[tilespmem:$0x1FE20] =	vst v62;
	v62 =	vld [tilespmem:$0x1100]  }
0x153: {  	[tilespmem:$0x8420] =	vst v29;
	v29 =	vld [tilespmem:$0x5570];
	v31 =	vadd.f32 v43, v63  }
0x154: {  	[tilespmem:$0x84A0] =	vst v30;
	v30 =	vld [tilespmem:$0x55F0]  }
0x155: {  	[tilespmem:$0x8430] =	vst v31;
	v31 =	vld [tilespmem:$0x1900];
	v45 =	vmul.f32 v44, v4;
	v49 =	vmul.f32 v47, v3  }
0x156: {  	[tilespmem:$0x8490] =	vst v53;
	v59 =	vld [tilespmem:$0x1FD70]  }
0x157: {  	v35 =	vadd.f32 v49, v45;
	v51 =	vmul.f32 v50, v4;
	v53 =	vmul.f32 v52, v3;
	[tilespmem:$0x1FE30] =	vst v62;
	v62 =	vld [tilespmem:$0x1180]  }
0x158: {  	v43 =	vld [tilespmem:$0x1FD80]  }
0x159: {  	[tilespmem:$0x84B0] =	vst v35;
	v35 =	vld [tilespmem:$0x5900];
	v33 =	vadd.f32 v53, v51  }
0x15a: {  	v54 =	vld [tilespmem:$0x1FD50]  }
0x15b: {  	[tilespmem:$0x8440] =	vst v33;
	v33 =	vld [tilespmem:$0x1980]  }
0x15c: {  	[tilespmem:$0x1FE40] =	vst v62;
	v62 =	vld [tilespmem:$0x5100]  }
0x15d: {  	v56 =	vld [tilespmem:$0x1FD60];
	v63 =	vmul.f32 v59, v4;
	v44 =	vmul.f32 v43, v3  }
0x15e: {  	v47 =	vld [tilespmem:$0x1FD90]  }
0x15f: {  	v37 =	vadd.f32 v44, v63;
	v44 =	vld [tilespmem:$0x19A0]  }
0x160: {  	v50 =	vld [tilespmem:$0x1FDA0]  }
0x161: {  	[tilespmem:$0x1FE50] =	vst v62;
	v62 =	vld [tilespmem:$0x5180]  }
0x162: {  	v52 =	vld [tilespmem:$0x1FDB0]  }
0x163: {  	v55 =	vmul.f32 v54, v4;
	v54 =	vld [tilespmem:$0x1FDC0]  }
0x164: {  	v58 =	vmul.f32 v56, v3;
	v56 =	vld [tilespmem:$0x1FDD0]  }
0x165: {  	v59 =	vld [tilespmem:$0x1FDE0]  }
0x166: {  	[tilespmem:$0x1FE60] =	vst v62;
	v62 =	vld [tilespmem:$0x1110]  }
0x167: {  	v49 =	vmul.f32 v47, v4;
	v47 =	vld [tilespmem:$0x1FDF0]  }
0x168: {  	v51 =	vmul.f32 v50, v3;
	v50 =	vld [tilespmem:$0x1FE00]  }
0x169: {  	v53 =	vmul.f32 v52, v4;
	v52 =	vld [tilespmem:$0x1FE10]  }
0x16a: {  	v45 =	vadd.f32 v58, v55;
	v55 =	vmul.f32 v54, v3;
	v54 =	vld [tilespmem:$0x1FE20]  }
0x16b: {  	[tilespmem:$0x1FE70] =	vst v62;
	v62 =	vld [tilespmem:$0x1190]  }
0x16c: {  	v58 =	vmul.f32 v56, v4;
	v56 =	vld [tilespmem:$0x1FE30]  }
0x16d: {  	v63 =	vmul.f32 v59, v3;
	v59 =	vld [tilespmem:$0x1FE40]  }
0x16e: {  	v39 =	vadd.f32 v55, v53;
	v53 =	vmul.f32 v52, v4;
	v52 =	vld [tilespmem:$0x1FE50]  }
0x16f: {  	v55 =	vmul.f32 v54, v3;
	v54 =	vld [tilespmem:$0x1FE60]  }
0x170: {  	[tilespmem:$0x1FE80] =	vst v62;
	v62 =	vld [tilespmem:$0x5110]  }
0x171: {  	v38 =	vadd.f32 v51, v49;
	v43 =	vadd.f32 v63, v58;
	v58 =	vmul.f32 v56, v4;
	v56 =	vld [tilespmem:$0x1FE70]  }
0x172: {  	[tilespmem:$0x8450] =	vst v37;
	v63 =	vmul.f32 v59, v3;
	v59 =	vld [tilespmem:$0x1FE80]  }
0x173: {  	v37 =	vld [tilespmem:$0x1910];
	[tilespmem:$0x84D0] =	vst v38;
	v49 =	vmul.f32 v47, v4;
	v51 =	vmul.f32 v50, v3  }
0x174: {  	v38 =	vld [tilespmem:$0x1990];
	[tilespmem:$0x84E0] =	vst v43;
	v43 =	vadd.f32 v55, v53;
	v53 =	vmul.f32 v52, v4;
	v55 =	vmul.f32 v54, v3  }
0x175: {  	[tilespmem:$0x1FE90] =	vst v62;
	v62 =	vld [tilespmem:$0x5190]  }
0x176: {  	[tilespmem:$0x84C0] =	vst v45;
	v41 =	vadd.f32 v51, v49;
	v47 =	vadd.f32 v55, v53;
	v55 =	vld [tilespmem:$0x1FE90]  }
0x177: {  	[tilespmem:$0x8460] =	vst v39;
	v39 =	vld [tilespmem:$0x5910];
	v45 =	vadd.f32 v63, v58;
	v58 =	vmul.f32 v56, v4;
	v63 =	vmul.f32 v59, v3  }
0x178: {  	[tilespmem:$0x8470] =	vst v41;
	v41 =	vld [tilespmem:$0x5990]  }
0x179: {  	v49 =	vadd.f32 v63, v58;
	v58 =	vld [tilespmem:$0x1FEA0]  }
0x17a: {  	v56 =	vmul.f32 v62, v3;
	v62 =	vld [tilespmem:$0x1FEB0]  }
0x17b: {  	[tilespmem:$0x84F0] =	vst v43;
	v43 =	vld [tilespmem:$0x1920];
	v51 =	vmul.f32 v55, v4  }
0x17c: {  	v55 =	vld [tilespmem:$0x1FEC0]  }
0x17d: {  	v51 =	vadd.f32 v56, v51;
	v56 =	vld [tilespmem:$0x1FED0]  }
0x17e: {  	v59 =	vmul.f32 v58, v4;
	v58 =	vld [tilespmem:$0x1FEE0]  }
0x17f: {  	v63 =	vmul.f32 v62, v3;
	v62 =	vld [tilespmem:$0x1FEF0]  }
0x180: {  	[tilespmem:$0x8500] =	vst v45;
	v45 =	vld [tilespmem:$0x5920]  }
0x181: {  	[tilespmem:$0x8580] =	vst v47;
	v47 =	vld [tilespmem:$0x59A0]  }
0x182: {  	v54 =	vmul.f32 v56, v3;
	v56 =	vld [tilespmem:$0x1FF00]  }
0x183: {  	v52 =	vmul.f32 v55, v4;
	v50 =	vadd.f32 v63, v59;
	v59 =	vmul.f32 v58, v4;
	v58 =	vld [tilespmem:$0x1FF10]  }
0x184: {  	[tilespmem:$0x8510] =	vst v49;
	v49 =	vld [tilespmem:$0x1930];
	v63 =	vmul.f32 v62, v3  }
0x185: {  	[tilespmem:$0x8590] =	vst v51;
	v51 =	vadd.f32 v54, v52;
	v62 =	vld [tilespmem:$0x1FF30]  }
0x186: {  	v53 =	vadd.f32 v63, v59;
	v59 =	vld [tilespmem:$0x1FF20]  }
0x187: {  	[tilespmem:$0x85A0] =	vst v51;
	v51 =	vld [tilespmem:$0x1FF40]  }
0x188: {  	v52 =	vmul.f32 v56, v4;
	v54 =	vmul.f32 v58, v3;
	v56 =	vld [tilespmem:$0x1FF60]  }
0x189: {  	[tilespmem:$0x8530] =	vst v53;
	v53 =	vld [tilespmem:$0x1FF90]  }
0x18a: {  	v63 =	vmul.f32 v62, v3;
	v54 =	vadd.f32 v54, v52;
	v62 =	vld [tilespmem:$0x1FF70]  }
0x18b: {  	v52 =	vld [tilespmem:$0x1FF50];
	v55 =	vmul.f32 v59, v4  }
0x18c: {  	[tilespmem:$0x85B0] =	vst v54;
	v54 =	vld [tilespmem:$0x1FFA0]  }
0x18d: {  	v55 =	vadd.f32 v63, v55;
	v63 =	vld [tilespmem:$0x1FF80]  }
0x18e: {  	v2 =	vmul.f32 v2, v4;
	[tilespmem:$0x8520] =	vst v50;
	v50 =	vld [tilespmem:$0x19B0]  }
0x18f: {  	v56 =	vmul.f32 v56, v4;
	v62 =	vmul.f32 v62, v3;
	[tilespmem:$0x8540] =	vst v55;
	v55 =	vld [tilespmem:$0x1FFB0]  }
0x190: {  	v58 =	vmul.f32 v51, v4;
	v51 =	vld [tilespmem:$0x5930];
	v59 =	vmul.f32 v52, v3  }
0x191: {  	v1 =	vmul.f32 v1, v3;
	v52 =	vld [tilespmem:$0x59B0];
	v56 =	vadd.f32 v62, v56;
	v62 =	vmul.f32 v54, v4  }
0x192: {  	[tilespmem:$0x81B0] =	vst v0;
	v58 =	vadd.f32 v59, v58;
	v54 =	vld [tilespmem:$0x19C0];
	v59 =	vmul.f32 v63, v4;
	v63 =	vmul.f32 v53, v3  }
0x193: {  	v1 =	vadd.f32 v1, v2;
	v53 =	vld [tilespmem:$0x1940];
	[tilespmem:$0x8550] =	vst v56;
	v56 =	vmul.f32 v61, v4;
	v61 =	vmul.f32 v48, v3  }
0x194: {  	v24 =	vmul.f32 v24, v3;
	[tilespmem:$0x85C0] =	vst v58;
	v48 =	vld [tilespmem:$0x59C0];
	v0 =	vmul.f32 v55, v3;
	v58 =	vadd.f32 v63, v59  }
0x195: {  	v10 =	vmul.f32 v10, v3;
	v12 =	vmul.f32 v12, v4;
	[tilespmem:$0x86A0] =	vst v1;
	v59 =	vld [tilespmem:$0x1FFC0];
	v63 =	vadd.f32 v61, v56  }
0x196: {  	v57 =	vmul.f32 v57, v4;
	v55 =	vld [tilespmem:$0x5940];
	v0 =	vadd.f32 v0, v62;
	[tilespmem:$0x85D0] =	vst v58;
	v62 =	vmul.f32 v42, v3  }
0x197: {  	v28 =	vmul.f32 v28, v4;
	v56 =	vmul.f32 v11, v3;
	v11 =	vld [tilespmem:$0x5970];
	[tilespmem:$0x8570] =	vst v63;
	v63 =	vadd.f32 v10, v12  }
0x198: {  	v5 =	vmul.f32 v5, v4;
	v6 =	vmul.f32 v6, v3;
	v42 =	vld [tilespmem:$0x1950];
	[tilespmem:$0x8560] =	vst v0;
	v57 =	vadd.f32 v62, v57  }
0x199: {  	v10 =	vld [tilespmem:$0x59E0];
	v12 =	vmul.f32 v7, v4;
	v62 =	vadd.f32 v24, v28;
	[tilespmem:$0x8620] =	vst v63;
	v63 =	vmul.f32 v17, v3  }
0x19a: {  	v24 =	vld [tilespmem:$0x19E0];
	v28 =	vadd.f32 v6, v5;
	v17 =	vmul.f32 v18, v4;
	v18 =	vmul.f32 v19, v3;
	[tilespmem:$0x85F0] =	vst v57  }
0x19b: {  	v60 =	vmul.f32 v60, v3;
	v59 =	vmul.f32 v59, v4;
	[tilespmem:$0x8610] =	vst v62;
	v57 =	vadd.f32 v16, v12;
	v12 =	vld [tilespmem:$0x59F0]  }
0x19c: {  	[tilespmem:$0x8630] =	vst v28;
	v62 =	vmul.f32 v15, v4;
	v28 =	vadd.f32 v18, v17;
	v15 =	vld [tilespmem:$0x5D00]  }
0x19d: {  	v46 =	vmul.f32 v46, v4;
	v17 =	vld [tilespmem:$0x1D10];
	v58 =	vadd.f32 v60, v59;
	v60 =	vmul.f32 v34, v3;
	[tilespmem:$0x86B0] =	vst v57  }
0x19e: {  	v21 =	vmul.f32 v21, v4;
	v22 =	vmul.f32 v22, v3;
	v18 =	vld [tilespmem:$0x1D90];
	v19 =	vadd.f32 v63, v62;
	[tilespmem:$0x86D0] =	vst v28  }
0x19f: {  	v55 =	vmul.f32 v55, v4;
	v34 =	vld [tilespmem:$0x19D0];
	v59 =	vmul.f32 v13, v4;
	[tilespmem:$0x85E0] =	vst v58;
	v61 =	vadd.f32 v60, v46  }
0x1a0: {  	v13 =	vld [tilespmem:$0x1D00];
	v57 =	vadd.f32 v22, v21;
	v62 =	vmul.f32 v29, v4;
	v60 =	vmul.f32 v14, v3;
	[tilespmem:$0x8650] =	vst v19  }
0x1a1: {  	v63 =	vmul.f32 v30, v3;
	v29 =	vmul.f32 v37, v4;
	v58 =	vld [tilespmem:$0x5950];
	[tilespmem:$0x8600] =	vst v61;
	v61 =	vadd.f32 v56, v32  }
0x1a2: {  	v30 =	vmul.f32 v38, v3;
	v46 =	vld [tilespmem:$0x59D0];
	[tilespmem:$0x8660] =	vst v57;
	v16 =	vadd.f32 v60, v59;
	v32 =	vmul.f32 v23, v4  }
0x1a3: {  	v14 =	vld [tilespmem:$0x1D80];
	v56 =	vmul.f32 v25, v3;
	v59 =	vmul.f32 v26, v4;
	v25 =	vadd.f32 v63, v62;
	[tilespmem:$0x8640] =	vst v61  }
0x1a4: {  	v19 =	vld [tilespmem:$0x5D10];
	v60 =	vmul.f32 v27, v3;
	v26 =	vmul.f32 v35, v4;
	v35 =	vadd.f32 v30, v29;
	[tilespmem:$0x86C0] =	vst v16  }
0x1a5: {  	v22 =	vmul.f32 v31, v4;
	v23 =	vmul.f32 v33, v3;
	v29 =	vld [tilespmem:$0x5D30];
	v61 =	vadd.f32 v56, v32;
	[tilespmem:$0x86F0] =	vst v25  }
0x1a6: {  	v37 =	vmul.f32 v44, v3;
	v27 =	vmul.f32 v36, v3;
	v30 =	vld [tilespmem:$0x5DB0];
	v21 =	vadd.f32 v60, v59;
	[tilespmem:$0x8710] =	vst v35  }
0x1a7: {  	v44 =	vmul.f32 v49, v4;
	v36 =	vmul.f32 v43, v4;
	v16 =	vld [tilespmem:$0x5D80];
	v28 =	vadd.f32 v23, v22;
	[tilespmem:$0x86E0] =	vst v61  }
0x1a8: {  	v33 =	vmul.f32 v41, v3;
	v31 =	vadd.f32 v27, v26;
	v32 =	vmul.f32 v39, v4;
	v22 =	vld [tilespmem:$0x1D20];
	[tilespmem:$0x8670] =	vst v21  }
0x1a9: {  	v41 =	vmul.f32 v47, v3;
	v23 =	vld [tilespmem:$0x1DA0];
	v39 =	vmul.f32 v45, v4;
	v43 =	vadd.f32 v37, v36;
	[tilespmem:$0x8700] =	vst v28  }
0x1aa: {  	v49 =	vmul.f32 v51, v4;
	v25 =	vld [tilespmem:$0x5D20];
	v45 =	vmul.f32 v50, v3;
	[tilespmem:$0x8780] =	vst v31;
	v38 =	vadd.f32 v33, v32  }
0x1ab: {  	v26 =	vld [tilespmem:$0x5DA0];
	v50 =	vmul.f32 v52, v3;
	v52 =	vmul.f32 v53, v4;
	v47 =	vadd.f32 v41, v39;
	[tilespmem:$0x8720] =	vst v43  }
0x1ac: {  	v27 =	vld [tilespmem:$0x1D30];
	v53 =	vmul.f32 v54, v3;
	v56 =	vmul.f32 v48, v3;
	v51 =	vadd.f32 v45, v44;
	[tilespmem:$0x8790] =	vst v38  }
0x1ad: {  	v60 =	vmul.f32 v34, v3;
	v34 =	vmul.f32 v24, v3;
	v24 =	vld [tilespmem:$0x1DC0];
	v54 =	vadd.f32 v50, v49;
	[tilespmem:$0x87A0] =	vst v47  }
0x1ae: {  	v59 =	vmul.f32 v42, v4;
	v37 =	vmul.f32 v10, v3;
	v10 =	vld [tilespmem:$0x5D40];
	v57 =	vadd.f32 v53, v52;
	[tilespmem:$0x8730] =	vst v51  }
0x1af: {  	v36 =	vmul.f32 v20, v4;
	v21 =	vld [tilespmem:$0x5D90];
	v61 =	vadd.f32 v56, v55;
	[tilespmem:$0x87B0] =	vst v54  }
0x1b0: {  	v62 =	vmul.f32 v58, v4;
	v63 =	vmul.f32 v46, v3;
	v28 =	vld [tilespmem:$0x1DB0];
	v32 =	vadd.f32 v60, v59;
	[tilespmem:$0x8740] =	vst v57  }
0x1b1: {  	v42 =	vmul.f32 v11, v4;
	v31 =	vld [tilespmem:$0x1D40];
	v33 =	vmul.f32 v40, v4;
	v41 =	vadd.f32 v37, v36;
	[tilespmem:$0x87C0] =	vst v61  }
0x1b2: {  	v39 =	vmul.f32 v8, v4;
	v40 =	vmul.f32 v9, v3;
	v8 =	vld [tilespmem:$0x5DC0];
	v35 =	vadd.f32 v63, v62;
	[tilespmem:$0x8750] =	vst v32  }
0x1b3: {  	v46 =	vmul.f32 v14, v3;
	v43 =	vmul.f32 v12, v3;
	v9 =	vld [tilespmem:$0x1D50];
	v38 =	vadd.f32 v34, v33;
	[tilespmem:$0x87E0] =	vst v41  }
0x1b4: {  	v45 =	vmul.f32 v13, v4;
	v49 =	vmul.f32 v15, v4;
	v55 =	vld [tilespmem:$0x5DD0];
	v44 =	vadd.f32 v40, v39;
	[tilespmem:$0x87D0] =	vst v35  }
0x1b5: {  	v53 =	vmul.f32 v17, v4;
	v59 =	vld [tilespmem:$0x1D60];
	v48 =	vadd.f32 v43, v42;
	v54 =	vmul.f32 v18, v3;
	[tilespmem:$0x8760] =	vst v38  }
0x1b6: {  	v63 =	vld [tilespmem:$0x1DE0];
	v52 =	vadd.f32 v46, v45;
	v33 =	vmul.f32 v29, v4;
	v34 =	vmul.f32 v30, v3;
	[tilespmem:$0x8770] =	vst v44  }
0x1b7: {  	v47 =	vld [tilespmem:$0x1DD0];
	v57 =	vmul.f32 v19, v4;
	v50 =	vmul.f32 v16, v3;
	[tilespmem:$0x87F0] =	vst v48;
	v60 =	vadd.f32 v54, v53  }
0x1b8: {  	v51 =	vld [tilespmem:$0x5D50];
	v61 =	vmul.f32 v22, v4;
	v62 =	vmul.f32 v23, v3;
	[tilespmem:$0x8800] =	vst v52;
	v40 =	vadd.f32 v34, v33  }
0x1b9: {  	v39 =	vld [tilespmem:$0x1DF0];
	v22 =	vmul.f32 v26, v3;
	v56 =	vadd.f32 v50, v49;
	v58 =	vmul.f32 v21, v3;
	[tilespmem:$0x8810] =	vst v60  }
0x1ba: {  	v43 =	vld [tilespmem:$0x5D70];
	v26 =	vmul.f32 v27, v4;
	v21 =	vmul.f32 v25, v4;
	v25 =	vadd.f32 v62, v61;
	[tilespmem:$0x88B0] =	vst v40  }
0x1bb: {  	v23 =	vld [tilespmem:$0x5D60];
	v41 =	vmul.f32 v10, v4;
	v27 =	vmul.f32 v28, v3;
	[tilespmem:$0x8880] =	vst v56;
	v20 =	vadd.f32 v58, v57  }
0x1bc: {  	v35 =	vld [tilespmem:$0x1D70];
	v38 =	vmul.f32 v24, v3;
	v37 =	vmul.f32 v31, v4;
	v32 =	vadd.f32 v22, v21;
	[tilespmem:$0x8820] =	vst v25  }
0x1bd: {  	v28 =	vld [tilespmem:$0x5DE0];
	v42 =	vmul.f32 v8, v3;
	v52 =	vmul.f32 v59, v4;
	v36 =	vadd.f32 v27, v26;
	[tilespmem:$0x8890] =	vst v20  }
0x1be: {  	v53 =	vmul.f32 v63, v3;
	v44 =	vadd.f32 v38, v37;
	v46 =	vmul.f32 v47, v3;
	v47 =	vld [tilespmem:$0x5DF0];
	[tilespmem:$0x88A0] =	vst v32  }
0x1bf: {  	v45 =	vmul.f32 v9, v4;
	v48 =	vadd.f32 v42, v41;
	[tilespmem:$0x8830] =	vst v36  }
0x1c0: {  	v50 =	vmul.f32 v55, v3;
	v49 =	vmul.f32 v51, v4;
	v57 =	vadd.f32 v53, v52;
	[tilespmem:$0x8840] =	vst v44  }
0x1c1: {  	v59 =	vmul.f32 v39, v3;
	v58 =	vmul.f32 v35, v4;
	v51 =	vadd.f32 v46, v45;
	[tilespmem:$0x88C0] =	vst v48  }
0x1c2: {  	v55 =	vmul.f32 v23, v4;
	v54 =	vadd.f32 v50, v49;
	v56 =	vmul.f32 v28, v3;
	[tilespmem:$0x8860] =	vst v57  }
0x1c3: {  	v61 =	vmul.f32 v43, v4;
	v62 =	vadd.f32 v59, v58;
	[tilespmem:$0x8850] =	vst v51;
	v3 =	vmul.f32 v47, v3  }
0x1c4: {  	[tilespmem:$0x88D0] =	vst v54;
	v60 =	vadd.f32 v56, v55  }
0x1c5: {  	[tilespmem:$0x8870] =	vst v62;
	v63 =	vadd.f32 v3, v61  }
0x1c6: {  	p0 =	sne.s32 s5, $0x1;
	[tilespmem:$0x88E0] =	vst v60  }
.Ltmp0:
0x1c7: {  	s1 =	rddreg [dreg:$0x4];
	[tilespmem:$0x88F0] =	vst v63;
	(pc) =	sbr.rel @p0 .LBB2_1-.Ltmp0, $4  }
0x1c8: {  	[hbm4b:s1+s7] =	stream.strided.scatter [tilespmem:s0], [sflag:$0x2], $0x800, s31, s7, $0x38;
	[tilespmem:$0x8900] =	vst v63  }
0x1c9: {  	_ =	swait.ge [sflag:s6], $0x800  }
0x1ca: {  	[sflag:s6] =	ssyncset.done $0x0  }
0x1cb: {  	s5 =	sadd.s32 $0xFFFFFFFF, s5;
	[sflag:s6] =	ssyncadd.s32 $0xFFFFF800  }
0x1cc: {  	_ =	sfence.sel $0x180000  }
0x1cd: {  	[bflag:$0x0] =	sbarrier.arrive $0xFFFF  }
0x1ce: {  	_ =	strace $0x90000047  }
0x1cf: {  	s0 =	stileid.u32;
	[bflag:$0x2] =	sbarrier.arrive $0xFFFF  }
0x1d0: {  	p0 =	sne.s32 s0, $0x0;
	s0 =	rddreg [dreg:$0x2]  }
0x1d1: {  	s0 =	sadd.s32 @!p0 $0x100000, s0  }
0x1d2: {  	[sflag:s0] =	ssyncadd.tile.s32 @!p0 $0x1;
	_ =	shalt  }
.Lfunc_end2:
_tile_overlayer_lowered:
.L_overlay_start_2:
0x1d3: {  	(tag) =	ssettag $0x2  }
0x1d4: {  	s0 =	rddreg [dreg:$0x0];
	s2 =	stileid.u32  }
0x1d5: {  	s1 =	rddreg [dreg:$0x1];
	p0 =	sne.s32 s2, $0x0  }
0x1d6: {  	s3 =	rddreg [dreg:$0x2];
	[bflag:$0x3] =	sbarrier.arrive $0xFFFF;
	s2 =	simm.s32 @!p0 $0x1C02  }
0x1d7: {  	[timem:s3], [sflag:s2] =	dma.local @!p0 [hbm:s0], s1  }
0x1d8: {  	s0 =	simm.s32 @!p0 $0x2  }
0x1d9: {  	_ =	swait.ge @!p0 [sflag:s0], s1  }
0x1da: {  	s1 =	ssub.s32 @!p0 $0x0, s1;
	[sflag:s0] =	ssyncset.done @!p0 $0x0  }
0x1db: {  	[sflag:s0] =	ssyncadd.s32 @!p0 s1  }
0x1dc: {  	[bflag:$0x3] =	sbarrier.arrive $0xFFFF  }
0x1dd: {  	_ =	shalt  }

</sc_bundles>
